<compile_context>
chip_gen: v7x
topology: tpu7x:2x2x1
jax: 0.10.2.dev20260603
libtpu: 0.0.44.dev20260713+nightly
codegen_flags: <defaults>
</compile_context>

<pallas_src>
import functools

import jax
import jax.numpy as jnp
from jax import lax
from jax.experimental import pallas as pl
from jax.experimental.pallas import tpu as pltpu
from jax.experimental.pallas import tpu_sc as plsc

B = 16384
F = 100
D = 32
DB = D // 8
NCAT = 10000
SLAB_PAD = 136

NC, NS, L = 2, 16, 16
NW = NC * NS
BW = B // NW
NBB = BW // 128
NG = BW // L
STREAMS = 4
SLEN = BW // STREAMS


def _tokenizer_gather(xt, table):
    mesh = plsc.VectorSubcoreMesh(core_axis_name="c", subcore_axis_name="s")

    @functools.partial(
        pl.kernel,
        out_type=jax.ShapeDtypeStruct((F, DB, B // 128, 8, 128), jnp.float32),
        mesh=mesh,
        scratch_types=[
            pltpu.VMEM((2, BW), jnp.int32),
            pltpu.VMEM((2, BW), jnp.int32),
            pltpu.VMEM((2, BW, D), jnp.float32),
            pltpu.VMEM((2, DB, NBB, 8, SLAB_PAD), jnp.float32),
            pltpu.SemaphoreType.DMA,
            pltpu.SemaphoreType.DMA,
            pltpu.SemaphoreType.DMA,
            pltpu.SemaphoreType.DMA,
            pltpu.SemaphoreType.DMA,
            pltpu.SemaphoreType.DMA,
        ],
        compiler_params=pltpu.CompilerParams(use_tc_tiling_on_sc=False,
                                             needs_layout_passes=False,
                                             disable_bounds_checks=True),
    )
    def k(xt_hbm, table_hbm, out_hbm, xv, idxv, rows_v, slab_v,
          si0, si1, sg0, sg1, so0, so1):
        wid = lax.axis_index("s") * NC + lax.axis_index("c")
        b0 = wid * BW
        bb0 = wid * NBB
        iota = lax.iota(jnp.int32, L)
        si = (si0, si1)
        sg = (sg0, sg1)
        so = (so0, so1)

        def in_cp(f, p):
            return pltpu.make_async_copy(
                xt_hbm.at[f, pl.ds(b0, BW)], xv.at[p], si[p])

        def gat_cps(p):
            return [
                pltpu.make_async_copy(
                    table_hbm.at[idxv.at[p, pl.ds(s * SLEN, SLEN)]],
                    rows_v.at[p, pl.ds(s * SLEN, SLEN)], sg[p])
                for s in range(STREAMS)
            ]

        def out_cps(f, p):
            return [
                pltpu.make_async_copy(
                    slab_v.at[p, db, pl.ds(0, NBB), pl.ds(0, 8), pl.ds(0, 128)],
                    out_hbm.at[f, db, pl.ds(bb0, NBB)], so[p])
                for db in range(DB)
            ]

        zero16 = jnp.zeros((L,), jnp.int32)
        SLAB_D8 = SLAB_PAD
        SLAB_DB = NBB * 8 * SLAB_D8
        doff_low = (iota >> 3) * SLAB_DB + (iota & 7) * SLAB_D8

        def transpose(p):
            @plsc.parallel_loop(0, BW, unroll=4)
            def b_body(b):
                base = (b >> 7) * (8 * SLAB_D8) + (b & 127)
                dlow = doff_low + base
                dhigh = dlow + 2 * SLAB_DB
                v0 = rows_v[p, b, pl.ds(0, L)]
                v1 = rows_v[p, b, pl.ds(L, L)]
                plsc.store_scatter(slab_v.at[p],
                                   [zero16, zero16, zero16, dlow], v0)
                plsc.store_scatter(slab_v.at[p],
                                   [zero16, zero16, zero16, dhigh], v1)

        def body(f, p):
            nb = 1 - p
            in_cp(f, p).wait()

            @pl.when(f + 1 < F)
            def _():
                in_cp(f + 1, nb).start()

            off = f * NCAT
            for g in range(NG):
                sl = pl.ds(g * L, L)
                idxv[p, sl] = xv[p, sl] + off

            @pl.when(f >= 3)
            def _():
                for cp in out_cps(f - 3, nb):
                    cp.wait()

            @pl.when(f >= 1)
            def _():
                for cp in gat_cps(nb):
                    cp.wait()

            for cp in gat_cps(p):
                cp.start()

            @pl.when(f >= 1)
            def _():
                transpose(nb)
                for cp in out_cps(f - 1, nb):
                    cp.start()

        in_cp(0, 0).start()

        def pair(i, _):
            body(2 * i, 0)
            body(2 * i + 1, 1)
            return 0

        lax.fori_loop(0, F // 2, pair, 0)

        for cp in gat_cps(1):
            cp.wait()
        for cp in out_cps(F - 3, 1):
            cp.wait()
        transpose(1)
        for cp in out_cps(F - 1, 1):
            cp.start()
        for cp in out_cps(F - 2, 0):
            cp.wait()
        for cp in out_cps(F - 1, 1):
            cp.wait()

    return k(xt, table)


@jax.jit
def kernel(x, table, bias):
    del bias
    out5 = _tokenizer_gather(x.T, table)
    out6 = out5.transpose(2, 4, 0, 1, 3)
    return out6.reshape(B, F, D)

# --- scband reference (transcript-rebuilt; emitter-appended) ---
"""Pipeline reference for scband-categorical-feature-tokenizer-73212012527897 (READ-ONLY COPY).

The authoritative reference and input builder live on the scoring server;
editing this copy changes nothing except your own understanding.
"""

import jax, jax.numpy as jnp
import numpy as np

N_CATES = [10000] * 100
D_MODEL = 32
BATCH = 16384


def setup_inputs(seed: int = 0) -> dict:
    key = jax.random.key(seed)
    k1, k2, k3 = jax.random.split(key, 3)
    x = jax.random.randint(k1, (BATCH, len(N_CATES)), 0, min(N_CATES), dtype=jnp.int32)
    table = jax.random.normal(k2, (sum(N_CATES), D_MODEL), dtype=jnp.float32) * 0.02
    bias = jax.random.normal(k3, (len(N_CATES), D_MODEL), dtype=jnp.float32) * (1.0 / np.sqrt(D_MODEL))
    return {"x": x, "table": table, "bias": bias}


def reference(x, table, bias):
    offsets = jnp.asarray(np.concatenate([[0], np.cumsum(np.asarray(N_CATES[:-1]))]), dtype=x.dtype)
    idx = x + offsets[None, :]
    emb = jnp.take(table, idx, axis=0)
    # Faithful to the original torch module: `x + self.bias.unsqueeze(0)` is
    # computed but its result is discarded (never assigned), so bias does not
    # affect the output.
    _ = emb + bias[None, :, :]
    return emb

if __name__ == "__main__":
    import jax
    _d = setup_inputs()
    print(jax.jit(kernel)(*tuple(_d.values())))

</pallas_src>

<mosaic_0001>
#map = affine_map<(d0, d1) -> (0, 0)>
#map1 = affine_map<(d0, d1) -> (0, 0, 0, 0, 0)>
module attributes {stable_mosaic.version = 14 : i64} {
  func.func @k(%arg0: i32, %arg1: i32, %arg2: memref<100x16384xi32, #tpu.memory_space<hbm>>, %arg3: memref<1000000x32xf32, #tpu.memory_space<hbm>>, %arg4: memref<100x4x128x8x128xf32, #tpu.memory_space<hbm>>, %arg5: memref<2x512xi32, #tpu.memory_space<vmem>>, %arg6: memref<2x512xi32, #tpu.memory_space<vmem>>, %arg7: memref<2x512x32xf32, #tpu.memory_space<vmem>>, %arg8: memref<2x4x4x8x136xf32, #tpu.memory_space<vmem>>, %arg9: memref<!tpu.dma_semaphore, #tpu.memory_space<semaphore_mem>>, %arg10: memref<!tpu.dma_semaphore, #tpu.memory_space<semaphore_mem>>, %arg11: memref<!tpu.dma_semaphore, #tpu.memory_space<semaphore_mem>>, %arg12: memref<!tpu.dma_semaphore, #tpu.memory_space<semaphore_mem>>, %arg13: memref<!tpu.dma_semaphore, #tpu.memory_space<semaphore_mem>>, %arg14: memref<!tpu.dma_semaphore, #tpu.memory_space<semaphore_mem>>) attributes {dimension_semantics = [#tpu.dimension_semantics<core_parallel>, #tpu.dimension_semantics<subcore_parallel>], iteration_bounds = array<i64: 2, 16>, scalar_prefetch = 0 : i64, scratch_operands = 10 : i64, tpu.core_type = #tpu.core_type<sc_vector_subcore>, window_params = [{transform_indices = #map}, {transform_indices = #map}, {transform_indices = #map1}]} {
    %mul3A = arith.constant 2 : i32
    %mul3A_0 = arith.muli %arg1, %mul3A : i32
    %add3A = arith.addi %mul3A_0, %arg0 : i32
    %mul3A_1 = arith.constant 512 : i32
    %mul3A_2 = arith.muli %add3A, %mul3A_1 : i32
    %mul3A_3 = arith.constant 4 : i32
    %mul3A_4 = arith.muli %add3A, %mul3A_3 : i32
    %iota3A = tpu.iota {dimensions = array<i32: 0>} : vector<16xi32>
    %broadcast_in_dim3A = arith.constant 0 : i32
    %broadcast_in_dim3A_5 = vector.broadcast %broadcast_in_dim3A : i32 to vector<16xi32>
    %shift_right_arithmetic3A = arith.constant 3 : i32
    %shift_right_arithmetic3A_6 = vector.broadcast %shift_right_arithmetic3A : i32 to vector<16xi32>
    %shift_right_arithmetic3A_7 = arith.shrsi %iota3A, %shift_right_arithmetic3A_6 : vector<16xi32>
    %mul3A_8 = arith.constant 4352 : i32
    %mul3A_9 = vector.broadcast %mul3A_8 : i32 to vector<16xi32>
    %mul3A_10 = arith.muli %shift_right_arithmetic3A_7, %mul3A_9 : vector<16xi32>
    %and3A = arith.constant 7 : i32
    %and3A_11 = vector.broadcast %and3A : i32 to vector<16xi32>
    %and3A_12 = arith.andi %iota3A, %and3A_11 : vector<16xi32>
    %mul3A_13 = arith.constant 136 : i32
    %mul3A_14 = vector.broadcast %mul3A_13 : i32 to vector<16xi32>
    %mul3A_15 = arith.muli %and3A_12, %mul3A_14 : vector<16xi32>
    %add3A_16 = arith.addi %mul3A_10, %mul3A_15 : vector<16xi32>
    %dma_start3A = arith.constant 0 : i32
    %dma_start3A_17 = arith.constant 0 : i32
    %dma_start3A_18 = arith.constant 0 : i32
    %dma_start3A_19 = tpu.memref_slice %arg5[%dma_start3A_17, %dma_start3A_18] : memref<2x512xi32, #tpu.memory_space<vmem>> -> memref<1x512xi32, #tpu.memory_space<vmem>>
    %dma_start3A_20 = tpu.memref_squeeze %dma_start3A_19 : memref<1x512xi32, #tpu.memory_space<vmem>> -> memref<512xi32, #tpu.memory_space<vmem>>
    %dma_start3A_21 = tpu.memref_slice %arg2[%dma_start3A, %mul3A_2] : memref<100x16384xi32, #tpu.memory_space<hbm>> -> memref<1x512xi32, #tpu.memory_space<hbm>>
    %dma_start3A_22 = tpu.memref_squeeze %dma_start3A_21 : memref<1x512xi32, #tpu.memory_space<hbm>> -> memref<512xi32, #tpu.memory_space<hbm>>
    %dma_start3A_23 = arith.constant 0 : i32
    %dma_start3A_24 = tpu.memref_slice %arg5[%dma_start3A_17, %dma_start3A_23] : memref<2x512xi32, #tpu.memory_space<vmem>> -> memref<1x512xi32, #tpu.memory_space<vmem>>
    %dma_start3A_25 = tpu.memref_squeeze %dma_start3A_24 : memref<1x512xi32, #tpu.memory_space<vmem>> -> memref<512xi32, #tpu.memory_space<vmem>>
    %dma_start3A_26 = tpu.memref_slice %arg2[%dma_start3A, %mul3A_2] : memref<100x16384xi32, #tpu.memory_space<hbm>> -> memref<1x512xi32, #tpu.memory_space<hbm>>
    %dma_start3A_27 = tpu.memref_squeeze %dma_start3A_26 : memref<1x512xi32, #tpu.memory_space<hbm>> -> memref<512xi32, #tpu.memory_space<hbm>>
    tpu.enqueue_dma source(%dma_start3A_27 : memref<512xi32, #tpu.memory_space<hbm>>) target(%dma_start3A_25 : memref<512xi32, #tpu.memory_space<vmem>>) target_semaphore(%arg9 : memref<!tpu.dma_semaphore, #tpu.memory_space<semaphore_mem>>)
    %scan3A = arith.constant 0 : i32
    %scan3A_28 = arith.constant 0 : i32
    %scan3A_29 = arith.constant 50 : i32
    %scan3A_30 = arith.addi %scan3A_28, %scan3A_29 : i32
    %scan3A_31 = arith.constant 1 : i32
    %scan3A_32 = scf.for %scan3A_435 = %scan3A_28 to %scan3A_30 step %scan3A_31 iter_args(%scan3A_436 = %scan3A) -> (i32)  : i32 {
      %mul3A_437 = arith.constant 2 : i32
      %mul3A_438 = arith.muli %mul3A_437, %scan3A_435 : i32
      %dma_wait3A_439 = arith.constant 0 : i32
      %dma_wait3A_440 = arith.constant 0 : i32
      %dma_wait3A_441 = tpu.memref_slice %arg5[%dma_wait3A_439, %dma_wait3A_440] : memref<2x512xi32, #tpu.memory_space<vmem>> -> memref<1x512xi32, #tpu.memory_space<vmem>>
      %dma_wait3A_442 = tpu.memref_squeeze %dma_wait3A_441 : memref<1x512xi32, #tpu.memory_space<vmem>> -> memref<512xi32, #tpu.memory_space<vmem>>
      %dma_wait3A_443 = tpu.memref_slice %arg2[%mul3A_438, %mul3A_2] : memref<100x16384xi32, #tpu.memory_space<hbm>> -> memref<1x512xi32, #tpu.memory_space<hbm>>
      %dma_wait3A_444 = tpu.memref_squeeze %dma_wait3A_443 : memref<1x512xi32, #tpu.memory_space<hbm>> -> memref<512xi32, #tpu.memory_space<hbm>>
      %dma_wait3A_445 = arith.constant 0 : i32
      %dma_wait3A_446 = tpu.memref_slice %arg5[%dma_wait3A_439, %dma_wait3A_445] : memref<2x512xi32, #tpu.memory_space<vmem>> -> memref<1x512xi32, #tpu.memory_space<vmem>>
      %dma_wait3A_447 = tpu.memref_squeeze %dma_wait3A_446 : memref<1x512xi32, #tpu.memory_space<vmem>> -> memref<512xi32, #tpu.memory_space<vmem>>
      %dma_wait3A_448 = tpu.memref_slice %arg2[%mul3A_438, %mul3A_2] : memref<100x16384xi32, #tpu.memory_space<hbm>> -> memref<1x512xi32, #tpu.memory_space<hbm>>
      %dma_wait3A_449 = tpu.memref_squeeze %dma_wait3A_448 : memref<1x512xi32, #tpu.memory_space<hbm>> -> memref<512xi32, #tpu.memory_space<hbm>>
      tpu.wait_dma2 semaphore(%arg9 : memref<!tpu.dma_semaphore, #tpu.memory_space<semaphore_mem>>) src(%dma_wait3A_449 : memref<512xi32, #tpu.memory_space<hbm>>) dst(%dma_wait3A_447 : memref<512xi32, #tpu.memory_space<vmem>>)
      %add3A_450 = arith.constant 1 : i32
      %add3A_451 = arith.addi %mul3A_438, %add3A_450 : i32
      %lt3A = arith.constant 100 : i32
      %lt3A_452 = arith.cmpi slt, %add3A_451, %lt3A : i32
      %convert_element_type3A = arith.extui %lt3A_452 : i1 to i32
      %cond3A = arith.constant 0 : i32
      %cond3A_453 = arith.cmpi ne, %convert_element_type3A, %cond3A : i32
      scf.if %cond3A_453 {
        %add3A_1244 = arith.constant 1 : i32
        %add3A_1245 = arith.addi %mul3A_438, %add3A_1244 : i32
        %dma_start3A_1246 = arith.constant 1 : i32
        %dma_start3A_1247 = arith.constant 0 : i32
        %dma_start3A_1248 = tpu.memref_slice %arg5[%dma_start3A_1246, %dma_start3A_1247] : memref<2x512xi32, #tpu.memory_space<vmem>> -> memref<1x512xi32, #tpu.memory_space<vmem>>
        %dma_start3A_1249 = tpu.memref_squeeze %dma_start3A_1248 : memref<1x512xi32, #tpu.memory_space<vmem>> -> memref<512xi32, #tpu.memory_space<vmem>>
        %dma_start3A_1250 = tpu.memref_slice %arg2[%add3A_1245, %mul3A_2] : memref<100x16384xi32, #tpu.memory_space<hbm>> -> memref<1x512xi32, #tpu.memory_space<hbm>>
        %dma_start3A_1251 = tpu.memref_squeeze %dma_start3A_1250 : memref<1x512xi32, #tpu.memory_space<hbm>> -> memref<512xi32, #tpu.memory_space<hbm>>
        %dma_start3A_1252 = arith.constant 0 : i32
        %dma_start3A_1253 = tpu.memref_slice %arg5[%dma_start3A_1246, %dma_start3A_1252] : memref<2x512xi32, #tpu.memory_space<vmem>> -> memref<1x512xi32, #tpu.memory_space<vmem>>
        %dma_start3A_1254 = tpu.memref_squeeze %dma_start3A_1253 : memref<1x512xi32, #tpu.memory_space<vmem>> -> memref<512xi32, #tpu.memory_space<vmem>>
        %dma_start3A_1255 = tpu.memref_slice %arg2[%add3A_1245, %mul3A_2] : memref<100x16384xi32, #tpu.memory_space<hbm>> -> memref<1x512xi32, #tpu.memory_space<hbm>>
        %dma_start3A_1256 = tpu.memref_squeeze %dma_start3A_1255 : memref<1x512xi32, #tpu.memory_space<hbm>> -> memref<512xi32, #tpu.memory_space<hbm>>
        tpu.enqueue_dma source(%dma_start3A_1256 : memref<512xi32, #tpu.memory_space<hbm>>) target(%dma_start3A_1254 : memref<512xi32, #tpu.memory_space<vmem>>) target_semaphore(%arg10 : memref<!tpu.dma_semaphore, #tpu.memory_space<semaphore_mem>>)
      } else {
      }
      %mul3A_454 = arith.constant 10000 : i32
      %mul3A_455 = arith.muli %mul3A_438, %mul3A_454 : i32
      %get3A = arith.constant 0 : i32
      %get3A_456 = arith.index_cast %get3A : i32 to index
      %get3A_457 = arith.constant 0 : index
      %get3A_458 = tpu.vector_load %arg5[%get3A_456, %get3A_457] {strides = array<i32>} : memref<2x512xi32, #tpu.memory_space<vmem>>, vector<16xi32>,
      %add3A_459 = vector.broadcast %mul3A_455 : i32 to vector<16xi32>
      %add3A_460 = arith.addi %get3A_458, %add3A_459 : vector<16xi32>
      %swap3A = arith.constant 0 : i32
      %swap3A_461 = arith.index_cast %swap3A : i32 to index
      %swap3A_462 = arith.constant 0 : index
      %swap3A_463 = tpu.vector_load %arg6[%swap3A_461, %swap3A_462] {strides = array<i32>} : memref<2x512xi32, #tpu.memory_space<vmem>>, vector<16xi32>,
      tpu.vector_store %arg6[%swap3A_461, %swap3A_462], %add3A_460 {strides = array<i32>} : memref<2x512xi32, #tpu.memory_space<vmem>>, vector<16xi32>,
      %get3A_464 = arith.constant 0 : i32
      %get3A_465 = arith.index_cast %get3A_464 : i32 to index
      %get3A_466 = arith.constant 16 : index
      %get3A_467 = tpu.vector_load %arg5[%get3A_465, %get3A_466] {strides = array<i32>} : memref<2x512xi32, #tpu.memory_space<vmem>>, vector<16xi32>,
      %add3A_468 = vector.broadcast %mul3A_455 : i32 to vector<16xi32>
      %add3A_469 = arith.addi %get3A_467, %add3A_468 : vector<16xi32>
      %swap3A_470 = arith.constant 0 : i32
      %swap3A_471 = arith.index_cast %swap3A_470 : i32 to index
      %swap3A_472 = arith.constant 16 : index
      %swap3A_473 = tpu.vector_load %arg6[%swap3A_471, %swap3A_472] {strides = array<i32>} : memref<2x512xi32, #tpu.memory_space<vmem>>, vector<16xi32>,
      tpu.vector_store %arg6[%swap3A_471, %swap3A_472], %add3A_469 {strides = array<i32>} : memref<2x512xi32, #tpu.memory_space<vmem>>, vector<16xi32>,
      %get3A_474 = arith.constant 0 : i32
      %get3A_475 = arith.index_cast %get3A_474 : i32 to index
      %get3A_476 = arith.constant 32 : index
      %get3A_477 = tpu.vector_load %arg5[%get3A_475, %get3A_476] {strides = array<i32>} : memref<2x512xi32, #tpu.memory_space<vmem>>, vector<16xi32>,
      %add3A_478 = vector.broadcast %mul3A_455 : i32 to vector<16xi32>
      %add3A_479 = arith.addi %get3A_477, %add3A_478 : vector<16xi32>
      %swap3A_480 = arith.constant 0 : i32
      %swap3A_481 = arith.index_cast %swap3A_480 : i32 to index
      %swap3A_482 = arith.constant 32 : index
      %swap3A_483 = tpu.vector_load %arg6[%swap3A_481, %swap3A_482] {strides = array<i32>} : memref<2x512xi32, #tpu.memory_space<vmem>>, vector<16xi32>,
      tpu.vector_store %arg6[%swap3A_481, %swap3A_482], %add3A_479 {strides = array<i32>} : memref<2x512xi32, #tpu.memory_space<vmem>>, vector<16xi32>,
      %get3A_484 = arith.constant 0 : i32
      %get3A_485 = arith.index_cast %get3A_484 : i32 to index
      %get3A_486 = arith.constant 48 : index
      %get3A_487 = tpu.vector_load %arg5[%get3A_485, %get3A_486] {strides = array<i32>} : memref<2x512xi32, #tpu.memory_space<vmem>>, vector<16xi32>,
      %add3A_488 = vector.broadcast %mul3A_455 : i32 to vector<16xi32>
      %add3A_489 = arith.addi %get3A_487, %add3A_488 : vector<16xi32>
      %swap3A_490 = arith.constant 0 : i32
      %swap3A_491 = arith.index_cast %swap3A_490 : i32 to index
      %swap3A_492 = arith.constant 48 : index
      %swap3A_493 = tpu.vector_load %arg6[%swap3A_491, %swap3A_492] {strides = array<i32>} : memref<2x512xi32, #tpu.memory_space<vmem>>, vector<16xi32>,
      tpu.vector_store %arg6[%swap3A_491, %swap3A_492], %add3A_489 {strides = array<i32>} : memref<2x512xi32, #tpu.memory_space<vmem>>, vector<16xi32>,
      %get3A_494 = arith.constant 0 : i32
      %get3A_495 = arith.index_cast %get3A_494 : i32 to index
      %get3A_496 = arith.constant 64 : index
      %get3A_497 = tpu.vector_load %arg5[%get3A_495, %get3A_496] {strides = array<i32>} : memref<2x512xi32, #tpu.memory_space<vmem>>, vector<16xi32>,
      %add3A_498 = vector.broadcast %mul3A_455 : i32 to vector<16xi32>
      %add3A_499 = arith.addi %get3A_497, %add3A_498 : vector<16xi32>
      %swap3A_500 = arith.constant 0 : i32
      %swap3A_501 = arith.index_cast %swap3A_500 : i32 to index
      %swap3A_502 = arith.constant 64 : index
      %swap3A_503 = tpu.vector_load %arg6[%swap3A_501, %swap3A_502] {strides = array<i32>} : memref<2x512xi32, #tpu.memory_space<vmem>>, vector<16xi32>,
      tpu.vector_store %arg6[%swap3A_501, %swap3A_502], %add3A_499 {strides = array<i32>} : memref<2x512xi32, #tpu.memory_space<vmem>>, vector<16xi32>,
      %get3A_504 = arith.constant 0 : i32
      %get3A_505 = arith.index_cast %get3A_504 : i32 to index
      %get3A_506 = arith.constant 80 : index
      %get3A_507 = tpu.vector_load %arg5[%get3A_505, %get3A_506] {strides = array<i32>} : memref<2x512xi32, #tpu.memory_space<vmem>>, vector<16xi32>,
      %add3A_508 = vector.broadcast %mul3A_455 : i32 to vector<16xi32>
      %add3A_509 = arith.addi %get3A_507, %add3A_508 : vector<16xi32>
      %swap3A_510 = arith.constant 0 : i32
      %swap3A_511 = arith.index_cast %swap3A_510 : i32 to index
      %swap3A_512 = arith.constant 80 : index
      %swap3A_513 = tpu.vector_load %arg6[%swap3A_511, %swap3A_512] {strides = array<i32>} : memref<2x512xi32, #tpu.memory_space<vmem>>, vector<16xi32>,
      tpu.vector_store %arg6[%swap3A_511, %swap3A_512], %add3A_509 {strides = array<i32>} : memref<2x512xi32, #tpu.memory_space<vmem>>, vector<16xi32>,
      %get3A_514 = arith.constant 0 : i32
      %get3A_515 = arith.index_cast %get3A_514 : i32 to index
      %get3A_516 = arith.constant 96 : index
      %get3A_517 = tpu.vector_load %arg5[%get3A_515, %get3A_516] {strides = array<i32>} : memref<2x512xi32, #tpu.memory_space<vmem>>, vector<16xi32>,
      %add3A_518 = vector.broadcast %mul3A_455 : i32 to vector<16xi32>
      %add3A_519 = arith.addi %get3A_517, %add3A_518 : vector<16xi32>
      %swap3A_520 = arith.constant 0 : i32
      %swap3A_521 = arith.index_cast %swap3A_520 : i32 to index
      %swap3A_522 = arith.constant 96 : index
      %swap3A_523 = tpu.vector_load %arg6[%swap3A_521, %swap3A_522] {strides = array<i32>} : memref<2x512xi32, #tpu.memory_space<vmem>>, vector<16xi32>,
      tpu.vector_store %arg6[%swap3A_521, %swap3A_522], %add3A_519 {strides = array<i32>} : memref<2x512xi32, #tpu.memory_space<vmem>>, vector<16xi32>,
      %get3A_524 = arith.constant 0 : i32
      %get3A_525 = arith.index_cast %get3A_524 : i32 to index
      %get3A_526 = arith.constant 112 : index
      %get3A_527 = tpu.vector_load %arg5[%get3A_525, %get3A_526] {strides = array<i32>} : memref<2x512xi32, #tpu.memory_space<vmem>>, vector<16xi32>,
      %add3A_528 = vector.broadcast %mul3A_455 : i32 to vector<16xi32>
      %add3A_529 = arith.addi %get3A_527, %add3A_528 : vector<16xi32>
      %swap3A_530 = arith.constant 0 : i32
      %swap3A_531 = arith.index_cast %swap3A_530 : i32 to index
      %swap3A_532 = arith.constant 112 : index
      %swap3A_533 = tpu.vector_load %arg6[%swap3A_531, %swap3A_532] {strides = array<i32>} : memref<2x512xi32, #tpu.memory_space<vmem>>, vector<16xi32>,
      tpu.vector_store %arg6[%swap3A_531, %swap3A_532], %add3A_529 {strides = array<i32>} : memref<2x512xi32, #tpu.memory_space<vmem>>, vector<16xi32>,
      %get3A_534 = arith.constant 0 : i32
      %get3A_535 = arith.index_cast %get3A_534 : i32 to index
      %get3A_536 = arith.constant 128 : index
      %get3A_537 = tpu.vector_load %arg5[%get3A_535, %get3A_536] {strides = array<i32>} : memref<2x512xi32, #tpu.memory_space<vmem>>, vector<16xi32>,
      %add3A_538 = vector.broadcast %mul3A_455 : i32 to vector<16xi32>
      %add3A_539 = arith.addi %get3A_537, %add3A_538 : vector<16xi32>
      %swap3A_540 = arith.constant 0 : i32
      %swap3A_541 = arith.index_cast %swap3A_540 : i32 to index
      %swap3A_542 = arith.constant 128 : index
      %swap3A_543 = tpu.vector_load %arg6[%swap3A_541, %swap3A_542] {strides = array<i32>} : memref<2x512xi32, #tpu.memory_space<vmem>>, vector<16xi32>,
      tpu.vector_store %arg6[%swap3A_541, %swap3A_542], %add3A_539 {strides = array<i32>} : memref<2x512xi32, #tpu.memory_space<vmem>>, vector<16xi32>,
      %get3A_544 = arith.constant 0 : i32
      %get3A_545 = arith.index_cast %get3A_544 : i32 to index
      %get3A_546 = arith.constant 144 : index
      %get3A_547 = tpu.vector_load %arg5[%get3A_545, %get3A_546] {strides = array<i32>} : memref<2x512xi32, #tpu.memory_space<vmem>>, vector<16xi32>,
      %add3A_548 = vector.broadcast %mul3A_455 : i32 to vector<16xi32>
      %add3A_549 = arith.addi %get3A_547, %add3A_548 : vector<16xi32>
      %swap3A_550 = arith.constant 0 : i32
      %swap3A_551 = arith.index_cast %swap3A_550 : i32 to index
      %swap3A_552 = arith.constant 144 : index
      %swap3A_553 = tpu.vector_load %arg6[%swap3A_551, %swap3A_552] {strides = array<i32>} : memref<2x512xi32, #tpu.memory_space<vmem>>, vector<16xi32>,
      tpu.vector_store %arg6[%swap3A_551, %swap3A_552], %add3A_549 {strides = array<i32>} : memref<2x512xi32, #tpu.memory_space<vmem>>, vector<16xi32>,
      %get3A_554 = arith.constant 0 : i32
      %get3A_555 = arith.index_cast %get3A_554 : i32 to index
      %get3A_556 = arith.constant 160 : index
      %get3A_557 = tpu.vector_load %arg5[%get3A_555, %get3A_556] {strides = array<i32>} : memref<2x512xi32, #tpu.memory_space<vmem>>, vector<16xi32>,
      %add3A_558 = vector.broadcast %mul3A_455 : i32 to vector<16xi32>
      %add3A_559 = arith.addi %get3A_557, %add3A_558 : vector<16xi32>
      %swap3A_560 = arith.constant 0 : i32
      %swap3A_561 = arith.index_cast %swap3A_560 : i32 to index
      %swap3A_562 = arith.constant 160 : index
      %swap3A_563 = tpu.vector_load %arg6[%swap3A_561, %swap3A_562] {strides = array<i32>} : memref<2x512xi32, #tpu.memory_space<vmem>>, vector<16xi32>,
      tpu.vector_store %arg6[%swap3A_561, %swap3A_562], %add3A_559 {strides = array<i32>} : memref<2x512xi32, #tpu.memory_space<vmem>>, vector<16xi32>,
      %get3A_564 = arith.constant 0 : i32
      %get3A_565 = arith.index_cast %get3A_564 : i32 to index
      %get3A_566 = arith.constant 176 : index
      %get3A_567 = tpu.vector_load %arg5[%get3A_565, %get3A_566] {strides = array<i32>} : memref<2x512xi32, #tpu.memory_space<vmem>>, vector<16xi32>,
      %add3A_568 = vector.broadcast %mul3A_455 : i32 to vector<16xi32>
      %add3A_569 = arith.addi %get3A_567, %add3A_568 : vector<16xi32>
      %swap3A_570 = arith.constant 0 : i32
      %swap3A_571 = arith.index_cast %swap3A_570 : i32 to index
      %swap3A_572 = arith.constant 176 : index
      %swap3A_573 = tpu.vector_load %arg6[%swap3A_571, %swap3A_572] {strides = array<i32>} : memref<2x512xi32, #tpu.memory_space<vmem>>, vector<16xi32>,
      tpu.vector_store %arg6[%swap3A_571, %swap3A_572], %add3A_569 {strides = array<i32>} : memref<2x512xi32, #tpu.memory_space<vmem>>, vector<16xi32>,
      %get3A_574 = arith.constant 0 : i32
      %get3A_575 = arith.index_cast %get3A_574 : i32 to index
      %get3A_576 = arith.constant 192 : index
      %get3A_577 = tpu.vector_load %arg5[%get3A_575, %get3A_576] {strides = array<i32>} : memref<2x512xi32, #tpu.memory_space<vmem>>, vector<16xi32>,
      %add3A_578 = vector.broadcast %mul3A_455 : i32 to vector<16xi32>
      %add3A_579 = arith.addi %get3A_577, %add3A_578 : vector<16xi32>
      %swap3A_580 = arith.constant 0 : i32
      %swap3A_581 = arith.index_cast %swap3A_580 : i32 to index
      %swap3A_582 = arith.constant 192 : index
      %swap3A_583 = tpu.vector_load %arg6[%swap3A_581, %swap3A_582] {strides = array<i32>} : memref<2x512xi32, #tpu.memory_space<vmem>>, vector<16xi32>,
      tpu.vector_store %arg6[%swap3A_581, %swap3A_582], %add3A_579 {strides = array<i32>} : memref<2x512xi32, #tpu.memory_space<vmem>>, vector<16xi32>,
      %get3A_584 = arith.constant 0 : i32
      %get3A_585 = arith.index_cast %get3A_584 : i32 to index
      %get3A_586 = arith.constant 208 : index
      %get3A_587 = tpu.vector_load %arg5[%get3A_585, %get3A_586] {strides = array<i32>} : memref<2x512xi32, #tpu.memory_space<vmem>>, vector<16xi32>,
      %add3A_588 = vector.broadcast %mul3A_455 : i32 to vector<16xi32>
      %add3A_589 = arith.addi %get3A_587, %add3A_588 : vector<16xi32>
      %swap3A_590 = arith.constant 0 : i32
      %swap3A_591 = arith.index_cast %swap3A_590 : i32 to index
      %swap3A_592 = arith.constant 208 : index
      %swap3A_593 = tpu.vector_load %arg6[%swap3A_591, %swap3A_592] {strides = array<i32>} : memref<2x512xi32, #tpu.memory_space<vmem>>, vector<16xi32>,
      tpu.vector_store %arg6[%swap3A_591, %swap3A_592], %add3A_589 {strides = array<i32>} : memref<2x512xi32, #tpu.memory_space<vmem>>, vector<16xi32>,
      %get3A_594 = arith.constant 0 : i32
      %get3A_595 = arith.index_cast %get3A_594 : i32 to index
      %get3A_596 = arith.constant 224 : index
      %get3A_597 = tpu.vector_load %arg5[%get3A_595, %get3A_596] {strides = array<i32>} : memref<2x512xi32, #tpu.memory_space<vmem>>, vector<16xi32>,
      %add3A_598 = vector.broadcast %mul3A_455 : i32 to vector<16xi32>
      %add3A_599 = arith.addi %get3A_597, %add3A_598 : vector<16xi32>
      %swap3A_600 = arith.constant 0 : i32
      %swap3A_601 = arith.index_cast %swap3A_600 : i32 to index
      %swap3A_602 = arith.constant 224 : index
      %swap3A_603 = tpu.vector_load %arg6[%swap3A_601, %swap3A_602] {strides = array<i32>} : memref<2x512xi32, #tpu.memory_space<vmem>>, vector<16xi32>,
      tpu.vector_store %arg6[%swap3A_601, %swap3A_602], %add3A_599 {strides = array<i32>} : memref<2x512xi32, #tpu.memory_space<vmem>>, vector<16xi32>,
      %get3A_604 = arith.constant 0 : i32
      %get3A_605 = arith.index_cast %get3A_604 : i32 to index
      %get3A_606 = arith.constant 240 : index
      %get3A_607 = tpu.vector_load %arg5[%get3A_605, %get3A_606] {strides = array<i32>} : memref<2x512xi32, #tpu.memory_space<vmem>>, vector<16xi32>,
      %add3A_608 = vector.broadcast %mul3A_455 : i32 to vector<16xi32>
      %add3A_609 = arith.addi %get3A_607, %add3A_608 : vector<16xi32>
      %swap3A_610 = arith.constant 0 : i32
      %swap3A_611 = arith.index_cast %swap3A_610 : i32 to index
      %swap3A_612 = arith.constant 240 : index
      %swap3A_613 = tpu.vector_load %arg6[%swap3A_611, %swap3A_612] {strides = array<i32>} : memref<2x512xi32, #tpu.memory_space<vmem>>, vector<16xi32>,
      tpu.vector_store %arg6[%swap3A_611, %swap3A_612], %add3A_609 {strides = array<i32>} : memref<2x512xi32, #tpu.memory_space<vmem>>, vector<16xi32>,
      %get3A_614 = arith.constant 0 : i32
      %get3A_615 = arith.index_cast %get3A_614 : i32 to index
      %get3A_616 = arith.constant 256 : index
      %get3A_617 = tpu.vector_load %arg5[%get3A_615, %get3A_616] {strides = array<i32>} : memref<2x512xi32, #tpu.memory_space<vmem>>, vector<16xi32>,
      %add3A_618 = vector.broadcast %mul3A_455 : i32 to vector<16xi32>
      %add3A_619 = arith.addi %get3A_617, %add3A_618 : vector<16xi32>
      %swap3A_620 = arith.constant 0 : i32
      %swap3A_621 = arith.index_cast %swap3A_620 : i32 to index
      %swap3A_622 = arith.constant 256 : index
      %swap3A_623 = tpu.vector_load %arg6[%swap3A_621, %swap3A_622] {strides = array<i32>} : memref<2x512xi32, #tpu.memory_space<vmem>>, vector<16xi32>,
      tpu.vector_store %arg6[%swap3A_621, %swap3A_622], %add3A_619 {strides = array<i32>} : memref<2x512xi32, #tpu.memory_space<vmem>>, vector<16xi32>,
      %get3A_624 = arith.constant 0 : i32
      %get3A_625 = arith.index_cast %get3A_624 : i32 to index
      %get3A_626 = arith.constant 272 : index
      %get3A_627 = tpu.vector_load %arg5[%get3A_625, %get3A_626] {strides = array<i32>} : memref<2x512xi32, #tpu.memory_space<vmem>>, vector<16xi32>,
      %add3A_628 = vector.broadcast %mul3A_455 : i32 to vector<16xi32>
      %add3A_629 = arith.addi %get3A_627, %add3A_628 : vector<16xi32>
      %swap3A_630 = arith.constant 0 : i32
      %swap3A_631 = arith.index_cast %swap3A_630 : i32 to index
      %swap3A_632 = arith.constant 272 : index
      %swap3A_633 = tpu.vector_load %arg6[%swap3A_631, %swap3A_632] {strides = array<i32>} : memref<2x512xi32, #tpu.memory_space<vmem>>, vector<16xi32>,
      tpu.vector_store %arg6[%swap3A_631, %swap3A_632], %add3A_629 {strides = array<i32>} : memref<2x512xi32, #tpu.memory_space<vmem>>, vector<16xi32>,
      %get3A_634 = arith.constant 0 : i32
      %get3A_635 = arith.index_cast %get3A_634 : i32 to index
      %get3A_636 = arith.constant 288 : index
      %get3A_637 = tpu.vector_load %arg5[%get3A_635, %get3A_636] {strides = array<i32>} : memref<2x512xi32, #tpu.memory_space<vmem>>, vector<16xi32>,
      %add3A_638 = vector.broadcast %mul3A_455 : i32 to vector<16xi32>
      %add3A_639 = arith.addi %get3A_637, %add3A_638 : vector<16xi32>
      %swap3A_640 = arith.constant 0 : i32
      %swap3A_641 = arith.index_cast %swap3A_640 : i32 to index
      %swap3A_642 = arith.constant 288 : index
      %swap3A_643 = tpu.vector_load %arg6[%swap3A_641, %swap3A_642] {strides = array<i32>} : memref<2x512xi32, #tpu.memory_space<vmem>>, vector<16xi32>,
      tpu.vector_store %arg6[%swap3A_641, %swap3A_642], %add3A_639 {strides = array<i32>} : memref<2x512xi32, #tpu.memory_space<vmem>>, vector<16xi32>,
      %get3A_644 = arith.constant 0 : i32
      %get3A_645 = arith.index_cast %get3A_644 : i32 to index
      %get3A_646 = arith.constant 304 : index
      %get3A_647 = tpu.vector_load %arg5[%get3A_645, %get3A_646] {strides = array<i32>} : memref<2x512xi32, #tpu.memory_space<vmem>>, vector<16xi32>,
      %add3A_648 = vector.broadcast %mul3A_455 : i32 to vector<16xi32>
      %add3A_649 = arith.addi %get3A_647, %add3A_648 : vector<16xi32>
      %swap3A_650 = arith.constant 0 : i32
      %swap3A_651 = arith.index_cast %swap3A_650 : i32 to index
      %swap3A_652 = arith.constant 304 : index
      %swap3A_653 = tpu.vector_load %arg6[%swap3A_651, %swap3A_652] {strides = array<i32>} : memref<2x512xi32, #tpu.memory_space<vmem>>, vector<16xi32>,
      tpu.vector_store %arg6[%swap3A_651, %swap3A_652], %add3A_649 {strides = array<i32>} : memref<2x512xi32, #tpu.memory_space<vmem>>, vector<16xi32>,
      %get3A_654 = arith.constant 0 : i32
      %get3A_655 = arith.index_cast %get3A_654 : i32 to index
      %get3A_656 = arith.constant 320 : index
      %get3A_657 = tpu.vector_load %arg5[%get3A_655, %get3A_656] {strides = array<i32>} : memref<2x512xi32, #tpu.memory_space<vmem>>, vector<16xi32>,
      %add3A_658 = vector.broadcast %mul3A_455 : i32 to vector<16xi32>
      %add3A_659 = arith.addi %get3A_657, %add3A_658 : vector<16xi32>
      %swap3A_660 = arith.constant 0 : i32
      %swap3A_661 = arith.index_cast %swap3A_660 : i32 to index
      %swap3A_662 = arith.constant 320 : index
      %swap3A_663 = tpu.vector_load %arg6[%swap3A_661, %swap3A_662] {strides = array<i32>} : memref<2x512xi32, #tpu.memory_space<vmem>>, vector<16xi32>,
      tpu.vector_store %arg6[%swap3A_661, %swap3A_662], %add3A_659 {strides = array<i32>} : memref<2x512xi32, #tpu.memory_space<vmem>>, vector<16xi32>,
      %get3A_664 = arith.constant 0 : i32
      %get3A_665 = arith.index_cast %get3A_664 : i32 to index
      %get3A_666 = arith.constant 336 : index
      %get3A_667 = tpu.vector_load %arg5[%get3A_665, %get3A_666] {strides = array<i32>} : memref<2x512xi32, #tpu.memory_space<vmem>>, vector<16xi32>,
      %add3A_668 = vector.broadcast %mul3A_455 : i32 to vector<16xi32>
      %add3A_669 = arith.addi %get3A_667, %add3A_668 : vector<16xi32>
      %swap3A_670 = arith.constant 0 : i32
      %swap3A_671 = arith.index_cast %swap3A_670 : i32 to index
      %swap3A_672 = arith.constant 336 : index
      %swap3A_673 = tpu.vector_load %arg6[%swap3A_671, %swap3A_672] {strides = array<i32>} : memref<2x512xi32, #tpu.memory_space<vmem>>, vector<16xi32>,
      tpu.vector_store %arg6[%swap3A_671, %swap3A_672], %add3A_669 {strides = array<i32>} : memref<2x512xi32, #tpu.memory_space<vmem>>, vector<16xi32>,
      %get3A_674 = arith.constant 0 : i32
      %get3A_675 = arith.index_cast %get3A_674 : i32 to index
      %get3A_676 = arith.constant 352 : index
      %get3A_677 = tpu.vector_load %arg5[%get3A_675, %get3A_676] {strides = array<i32>} : memref<2x512xi32, #tpu.memory_space<vmem>>, vector<16xi32>,
      %add3A_678 = vector.broadcast %mul3A_455 : i32 to vector<16xi32>
      %add3A_679 = arith.addi %get3A_677, %add3A_678 : vector<16xi32>
      %swap3A_680 = arith.constant 0 : i32
      %swap3A_681 = arith.index_cast %swap3A_680 : i32 to index
      %swap3A_682 = arith.constant 352 : index
      %swap3A_683 = tpu.vector_load %arg6[%swap3A_681, %swap3A_682] {strides = array<i32>} : memref<2x512xi32, #tpu.memory_space<vmem>>, vector<16xi32>,
      tpu.vector_store %arg6[%swap3A_681, %swap3A_682], %add3A_679 {strides = array<i32>} : memref<2x512xi32, #tpu.memory_space<vmem>>, vector<16xi32>,
      %get3A_684 = arith.constant 0 : i32
      %get3A_685 = arith.index_cast %get3A_684 : i32 to index
      %get3A_686 = arith.constant 368 : index
      %get3A_687 = tpu.vector_load %arg5[%get3A_685, %get3A_686] {strides = array<i32>} : memref<2x512xi32, #tpu.memory_space<vmem>>, vector<16xi32>,
      %add3A_688 = vector.broadcast %mul3A_455 : i32 to vector<16xi32>
      %add3A_689 = arith.addi %get3A_687, %add3A_688 : vector<16xi32>
      %swap3A_690 = arith.constant 0 : i32
      %swap3A_691 = arith.index_cast %swap3A_690 : i32 to index
      %swap3A_692 = arith.constant 368 : index
      %swap3A_693 = tpu.vector_load %arg6[%swap3A_691, %swap3A_692] {strides = array<i32>} : memref<2x512xi32, #tpu.memory_space<vmem>>, vector<16xi32>,
      tpu.vector_store %arg6[%swap3A_691, %swap3A_692], %add3A_689 {strides = array<i32>} : memref<2x512xi32, #tpu.memory_space<vmem>>, vector<16xi32>,
      %get3A_694 = arith.constant 0 : i32
      %get3A_695 = arith.index_cast %get3A_694 : i32 to index
      %get3A_696 = arith.constant 384 : index
      %get3A_697 = tpu.vector_load %arg5[%get3A_695, %get3A_696] {strides = array<i32>} : memref<2x512xi32, #tpu.memory_space<vmem>>, vector<16xi32>,
      %add3A_698 = vector.broadcast %mul3A_455 : i32 to vector<16xi32>
      %add3A_699 = arith.addi %get3A_697, %add3A_698 : vector<16xi32>
      %swap3A_700 = arith.constant 0 : i32
      %swap3A_701 = arith.index_cast %swap3A_700 : i32 to index
      %swap3A_702 = arith.constant 384 : index
      %swap3A_703 = tpu.vector_load %arg6[%swap3A_701, %swap3A_702] {strides = array<i32>} : memref<2x512xi32, #tpu.memory_space<vmem>>, vector<16xi32>,
      tpu.vector_store %arg6[%swap3A_701, %swap3A_702], %add3A_699 {strides = array<i32>} : memref<2x512xi32, #tpu.memory_space<vmem>>, vector<16xi32>,
      %get3A_704 = arith.constant 0 : i32
      %get3A_705 = arith.index_cast %get3A_704 : i32 to index
      %get3A_706 = arith.constant 400 : index
      %get3A_707 = tpu.vector_load %arg5[%get3A_705, %get3A_706] {strides = array<i32>} : memref<2x512xi32, #tpu.memory_space<vmem>>, vector<16xi32>,
      %add3A_708 = vector.broadcast %mul3A_455 : i32 to vector<16xi32>
      %add3A_709 = arith.addi %get3A_707, %add3A_708 : vector<16xi32>
      %swap3A_710 = arith.constant 0 : i32
      %swap3A_711 = arith.index_cast %swap3A_710 : i32 to index
      %swap3A_712 = arith.constant 400 : index
      %swap3A_713 = tpu.vector_load %arg6[%swap3A_711, %swap3A_712] {strides = array<i32>} : memref<2x512xi32, #tpu.memory_space<vmem>>, vector<16xi32>,
      tpu.vector_store %arg6[%swap3A_711, %swap3A_712], %add3A_709 {strides = array<i32>} : memref<2x512xi32, #tpu.memory_space<vmem>>, vector<16xi32>,
      %get3A_714 = arith.constant 0 : i32
      %get3A_715 = arith.index_cast %get3A_714 : i32 to index
      %get3A_716 = arith.constant 416 : index
      %get3A_717 = tpu.vector_load %arg5[%get3A_715, %get3A_716] {strides = array<i32>} : memref<2x512xi32, #tpu.memory_space<vmem>>, vector<16xi32>,
      %add3A_718 = vector.broadcast %mul3A_455 : i32 to vector<16xi32>
      %add3A_719 = arith.addi %get3A_717, %add3A_718 : vector<16xi32>
      %swap3A_720 = arith.constant 0 : i32
      %swap3A_721 = arith.index_cast %swap3A_720 : i32 to index
      %swap3A_722 = arith.constant 416 : index
      %swap3A_723 = tpu.vector_load %arg6[%swap3A_721, %swap3A_722] {strides = array<i32>} : memref<2x512xi32, #tpu.memory_space<vmem>>, vector<16xi32>,
      tpu.vector_store %arg6[%swap3A_721, %swap3A_722], %add3A_719 {strides = array<i32>} : memref<2x512xi32, #tpu.memory_space<vmem>>, vector<16xi32>,
      %get3A_724 = arith.constant 0 : i32
      %get3A_725 = arith.index_cast %get3A_724 : i32 to index
      %get3A_726 = arith.constant 432 : index
      %get3A_727 = tpu.vector_load %arg5[%get3A_725, %get3A_726] {strides = array<i32>} : memref<2x512xi32, #tpu.memory_space<vmem>>, vector<16xi32>,
      %add3A_728 = vector.broadcast %mul3A_455 : i32 to vector<16xi32>
      %add3A_729 = arith.addi %get3A_727, %add3A_728 : vector<16xi32>
      %swap3A_730 = arith.constant 0 : i32
      %swap3A_731 = arith.index_cast %swap3A_730 : i32 to index
      %swap3A_732 = arith.constant 432 : index
      %swap3A_733 = tpu.vector_load %arg6[%swap3A_731, %swap3A_732] {strides = array<i32>} : memref<2x512xi32, #tpu.memory_space<vmem>>, vector<16xi32>,
      tpu.vector_store %arg6[%swap3A_731, %swap3A_732], %add3A_729 {strides = array<i32>} : memref<2x512xi32, #tpu.memory_space<vmem>>, vector<16xi32>,
      %get3A_734 = arith.constant 0 : i32
      %get3A_735 = arith.index_cast %get3A_734 : i32 to index
      %get3A_736 = arith.constant 448 : index
      %get3A_737 = tpu.vector_load %arg5[%get3A_735, %get3A_736] {strides = array<i32>} : memref<2x512xi32, #tpu.memory_space<vmem>>, vector<16xi32>,
      %add3A_738 = vector.broadcast %mul3A_455 : i32 to vector<16xi32>
      %add3A_739 = arith.addi %get3A_737, %add3A_738 : vector<16xi32>
      %swap3A_740 = arith.constant 0 : i32
      %swap3A_741 = arith.index_cast %swap3A_740 : i32 to index
      %swap3A_742 = arith.constant 448 : index
      %swap3A_743 = tpu.vector_load %arg6[%swap3A_741, %swap3A_742] {strides = array<i32>} : memref<2x512xi32, #tpu.memory_space<vmem>>, vector<16xi32>,
      tpu.vector_store %arg6[%swap3A_741, %swap3A_742], %add3A_739 {strides = array<i32>} : memref<2x512xi32, #tpu.memory_space<vmem>>, vector<16xi32>,
      %get3A_744 = arith.constant 0 : i32
      %get3A_745 = arith.index_cast %get3A_744 : i32 to index
      %get3A_746 = arith.constant 464 : index
      %get3A_747 = tpu.vector_load %arg5[%get3A_745, %get3A_746] {strides = array<i32>} : memref<2x512xi32, #tpu.memory_space<vmem>>, vector<16xi32>,
      %add3A_748 = vector.broadcast %mul3A_455 : i32 to vector<16xi32>
      %add3A_749 = arith.addi %get3A_747, %add3A_748 : vector<16xi32>
      %swap3A_750 = arith.constant 0 : i32
      %swap3A_751 = arith.index_cast %swap3A_750 : i32 to index
      %swap3A_752 = arith.constant 464 : index
      %swap3A_753 = tpu.vector_load %arg6[%swap3A_751, %swap3A_752] {strides = array<i32>} : memref<2x512xi32, #tpu.memory_space<vmem>>, vector<16xi32>,
      tpu.vector_store %arg6[%swap3A_751, %swap3A_752], %add3A_749 {strides = array<i32>} : memref<2x512xi32, #tpu.memory_space<vmem>>, vector<16xi32>,
      %get3A_754 = arith.constant 0 : i32
      %get3A_755 = arith.index_cast %get3A_754 : i32 to index
      %get3A_756 = arith.constant 480 : index
      %get3A_757 = tpu.vector_load %arg5[%get3A_755, %get3A_756] {strides = array<i32>} : memref<2x512xi32, #tpu.memory_space<vmem>>, vector<16xi32>,
      %add3A_758 = vector.broadcast %mul3A_455 : i32 to vector<16xi32>
      %add3A_759 = arith.addi %get3A_757, %add3A_758 : vector<16xi32>
      %swap3A_760 = arith.constant 0 : i32
      %swap3A_761 = arith.index_cast %swap3A_760 : i32 to index
      %swap3A_762 = arith.constant 480 : index
      %swap3A_763 = tpu.vector_load %arg6[%swap3A_761, %swap3A_762] {strides = array<i32>} : memref<2x512xi32, #tpu.memory_space<vmem>>, vector<16xi32>,
      tpu.vector_store %arg6[%swap3A_761, %swap3A_762], %add3A_759 {strides = array<i32>} : memref<2x512xi32, #tpu.memory_space<vmem>>, vector<16xi32>,
      %get3A_764 = arith.constant 0 : i32
      %get3A_765 = arith.index_cast %get3A_764 : i32 to index
      %get3A_766 = arith.constant 496 : index
      %get3A_767 = tpu.vector_load %arg5[%get3A_765, %get3A_766] {strides = array<i32>} : memref<2x512xi32, #tpu.memory_space<vmem>>, vector<16xi32>,
      %add3A_768 = vector.broadcast %mul3A_455 : i32 to vector<16xi32>
      %add3A_769 = arith.addi %get3A_767, %add3A_768 : vector<16xi32>
      %swap3A_770 = arith.constant 0 : i32
      %swap3A_771 = arith.index_cast %swap3A_770 : i32 to index
      %swap3A_772 = arith.constant 496 : index
      %swap3A_773 = tpu.vector_load %arg6[%swap3A_771, %swap3A_772] {strides = array<i32>} : memref<2x512xi32, #tpu.memory_space<vmem>>, vector<16xi32>,
      tpu.vector_store %arg6[%swap3A_771, %swap3A_772], %add3A_769 {strides = array<i32>} : memref<2x512xi32, #tpu.memory_space<vmem>>, vector<16xi32>,
      %ge3A = arith.constant 3 : i32
      %ge3A_774 = arith.cmpi sge, %mul3A_438, %ge3A : i32
      %convert_element_type3A_775 = arith.extui %ge3A_774 : i1 to i32
      %cond3A_776 = arith.constant 0 : i32
      %cond3A_777 = arith.cmpi ne, %convert_element_type3A_775, %cond3A_776 : i32
      scf.if %cond3A_777 {
        %sub3A = arith.constant 3 : i32
        %sub3A_1244 = arith.subi %mul3A_438, %sub3A : i32
        %dma_wait3A_1245 = arith.constant 1 : i32
        %dma_wait3A_1246 = arith.constant 0 : i32
        %dma_wait3A_1247 = arith.constant 0 : i32
        %dma_wait3A_1248 = arith.constant 0 : i32
        %dma_wait3A_1249 = arith.constant 0 : i32
        %dma_wait3A_1250 = arith.constant 0 : i32
        %dma_wait3A_1251 = tpu.memref_slice %arg8[%dma_wait3A_1245, %dma_wait3A_1246, %dma_wait3A_1248, %dma_wait3A_1249, %dma_wait3A_1250] : memref<2x4x4x8x136xf32, #tpu.memory_space<vmem>> -> memref<1x1x4x8x128xf32, #tpu.memory_space<vmem>>
        %dma_wait3A_1252 = tpu.memref_squeeze %dma_wait3A_1251 : memref<1x1x4x8x128xf32, #tpu.memory_space<vmem>> -> memref<4x8x128xf32, #tpu.memory_space<vmem>>
        %dma_wait3A_1253 = arith.constant 0 : i32
        %dma_wait3A_1254 = arith.constant 0 : i32
        %dma_wait3A_1255 = tpu.memref_slice %arg4[%sub3A_1244, %dma_wait3A_1247, %mul3A_4, %dma_wait3A_1253, %dma_wait3A_1254] : memref<100x4x128x8x128xf32, #tpu.memory_space<hbm>> -> memref<1x1x4x8x128xf32, #tpu.memory_space<hbm>>
        %dma_wait3A_1256 = tpu.memref_squeeze %dma_wait3A_1255 : memref<1x1x4x8x128xf32, #tpu.memory_space<hbm>> -> memref<4x8x128xf32, #tpu.memory_space<hbm>>
        %dma_wait3A_1257 = arith.constant 0 : i32
        %dma_wait3A_1258 = arith.constant 0 : i32
        %dma_wait3A_1259 = tpu.memref_slice %arg4[%sub3A_1244, %dma_wait3A_1247, %mul3A_4, %dma_wait3A_1257, %dma_wait3A_1258] : memref<100x4x128x8x128xf32, #tpu.memory_space<hbm>> -> memref<1x1x4x8x128xf32, #tpu.memory_space<hbm>>
        %dma_wait3A_1260 = tpu.memref_squeeze %dma_wait3A_1259 : memref<1x1x4x8x128xf32, #tpu.memory_space<hbm>> -> memref<4x8x128xf32, #tpu.memory_space<hbm>>
        %dma_wait3A_1261 = arith.constant 0 : i32
        %dma_wait3A_1262 = arith.constant 0 : i32
        %dma_wait3A_1263 = arith.constant 0 : i32
        %dma_wait3A_1264 = tpu.memref_slice %arg8[%dma_wait3A_1245, %dma_wait3A_1246, %dma_wait3A_1261, %dma_wait3A_1262, %dma_wait3A_1263] : memref<2x4x4x8x136xf32, #tpu.memory_space<vmem>> -> memref<1x1x4x8x128xf32, #tpu.memory_space<vmem>>
        %dma_wait3A_1265 = tpu.memref_squeeze %dma_wait3A_1264 : memref<1x1x4x8x128xf32, #tpu.memory_space<vmem>> -> memref<4x8x128xf32, #tpu.memory_space<vmem>>
        tpu.wait_dma2 semaphore(%arg14 : memref<!tpu.dma_semaphore, #tpu.memory_space<semaphore_mem>>) src(%dma_wait3A_1265 : memref<4x8x128xf32, #tpu.memory_space<vmem>>) dst(%dma_wait3A_1260 : memref<4x8x128xf32, #tpu.memory_space<hbm>>)
        %dma_wait3A_1266 = arith.constant 1 : i32
        %dma_wait3A_1267 = arith.constant 1 : i32
        %dma_wait3A_1268 = arith.constant 1 : i32
        %dma_wait3A_1269 = arith.constant 0 : i32
        %dma_wait3A_1270 = arith.constant 0 : i32
        %dma_wait3A_1271 = arith.constant 0 : i32
        %dma_wait3A_1272 = tpu.memref_slice %arg8[%dma_wait3A_1266, %dma_wait3A_1267, %dma_wait3A_1269, %dma_wait3A_1270, %dma_wait3A_1271] : memref<2x4x4x8x136xf32, #tpu.memory_space<vmem>> -> memref<1x1x4x8x128xf32, #tpu.memory_space<vmem>>
        %dma_wait3A_1273 = tpu.memref_squeeze %dma_wait3A_1272 : memref<1x1x4x8x128xf32, #tpu.memory_space<vmem>> -> memref<4x8x128xf32, #tpu.memory_space<vmem>>
        %dma_wait3A_1274 = arith.constant 0 : i32
        %dma_wait3A_1275 = arith.constant 0 : i32
        %dma_wait3A_1276 = tpu.memref_slice %arg4[%sub3A_1244, %dma_wait3A_1268, %mul3A_4, %dma_wait3A_1274, %dma_wait3A_1275] : memref<100x4x128x8x128xf32, #tpu.memory_space<hbm>> -> memref<1x1x4x8x128xf32, #tpu.memory_space<hbm>>
        %dma_wait3A_1277 = tpu.memref_squeeze %dma_wait3A_1276 : memref<1x1x4x8x128xf32, #tpu.memory_space<hbm>> -> memref<4x8x128xf32, #tpu.memory_space<hbm>>
        %dma_wait3A_1278 = arith.constant 0 : i32
        %dma_wait3A_1279 = arith.constant 0 : i32
        %dma_wait3A_1280 = tpu.memref_slice %arg4[%sub3A_1244, %dma_wait3A_1268, %mul3A_4, %dma_wait3A_1278, %dma_wait3A_1279] : memref<100x4x128x8x128xf32, #tpu.memory_space<hbm>> -> memref<1x1x4x8x128xf32, #tpu.memory_space<hbm>>
        %dma_wait3A_1281 = tpu.memref_squeeze %dma_wait3A_1280 : memref<1x1x4x8x128xf32, #tpu.memory_space<hbm>> -> memref<4x8x128xf32, #tpu.memory_space<hbm>>
        %dma_wait3A_1282 = arith.constant 0 : i32
        %dma_wait3A_1283 = arith.constant 0 : i32
        %dma_wait3A_1284 = arith.constant 0 : i32
        %dma_wait3A_1285 = tpu.memref_slice %arg8[%dma_wait3A_1266, %dma_wait3A_1267, %dma_wait3A_1282, %dma_wait3A_1283, %dma_wait3A_1284] : memref<2x4x4x8x136xf32, #tpu.memory_space<vmem>> -> memref<1x1x4x8x128xf32, #tpu.memory_space<vmem>>
        %dma_wait3A_1286 = tpu.memref_squeeze %dma_wait3A_1285 : memref<1x1x4x8x128xf32, #tpu.memory_space<vmem>> -> memref<4x8x128xf32, #tpu.memory_space<vmem>>
        tpu.wait_dma2 semaphore(%arg14 : memref<!tpu.dma_semaphore, #tpu.memory_space<semaphore_mem>>) src(%dma_wait3A_1286 : memref<4x8x128xf32, #tpu.memory_space<vmem>>) dst(%dma_wait3A_1281 : memref<4x8x128xf32, #tpu.memory_space<hbm>>)
        %dma_wait3A_1287 = arith.constant 1 : i32
        %dma_wait3A_1288 = arith.constant 2 : i32
        %dma_wait3A_1289 = arith.constant 2 : i32
        %dma_wait3A_1290 = arith.constant 0 : i32
        %dma_wait3A_1291 = arith.constant 0 : i32
        %dma_wait3A_1292 = arith.constant 0 : i32
        %dma_wait3A_1293 = tpu.memref_slice %arg8[%dma_wait3A_1287, %dma_wait3A_1288, %dma_wait3A_1290, %dma_wait3A_1291, %dma_wait3A_1292] : memref<2x4x4x8x136xf32, #tpu.memory_space<vmem>> -> memref<1x1x4x8x128xf32, #tpu.memory_space<vmem>>
        %dma_wait3A_1294 = tpu.memref_squeeze %dma_wait3A_1293 : memref<1x1x4x8x128xf32, #tpu.memory_space<vmem>> -> memref<4x8x128xf32, #tpu.memory_space<vmem>>
        %dma_wait3A_1295 = arith.constant 0 : i32
        %dma_wait3A_1296 = arith.constant 0 : i32
        %dma_wait3A_1297 = tpu.memref_slice %arg4[%sub3A_1244, %dma_wait3A_1289, %mul3A_4, %dma_wait3A_1295, %dma_wait3A_1296] : memref<100x4x128x8x128xf32, #tpu.memory_space<hbm>> -> memref<1x1x4x8x128xf32, #tpu.memory_space<hbm>>
        %dma_wait3A_1298 = tpu.memref_squeeze %dma_wait3A_1297 : memref<1x1x4x8x128xf32, #tpu.memory_space<hbm>> -> memref<4x8x128xf32, #tpu.memory_space<hbm>>
        %dma_wait3A_1299 = arith.constant 0 : i32
        %dma_wait3A_1300 = arith.constant 0 : i32
        %dma_wait3A_1301 = tpu.memref_slice %arg4[%sub3A_1244, %dma_wait3A_1289, %mul3A_4, %dma_wait3A_1299, %dma_wait3A_1300] : memref<100x4x128x8x128xf32, #tpu.memory_space<hbm>> -> memref<1x1x4x8x128xf32, #tpu.memory_space<hbm>>
        %dma_wait3A_1302 = tpu.memref_squeeze %dma_wait3A_1301 : memref<1x1x4x8x128xf32, #tpu.memory_space<hbm>> -> memref<4x8x128xf32, #tpu.memory_space<hbm>>
        %dma_wait3A_1303 = arith.constant 0 : i32
        %dma_wait3A_1304 = arith.constant 0 : i32
        %dma_wait3A_1305 = arith.constant 0 : i32
        %dma_wait3A_1306 = tpu.memref_slice %arg8[%dma_wait3A_1287, %dma_wait3A_1288, %dma_wait3A_1303, %dma_wait3A_1304, %dma_wait3A_1305] : memref<2x4x4x8x136xf32, #tpu.memory_space<vmem>> -> memref<1x1x4x8x128xf32, #tpu.memory_space<vmem>>
        %dma_wait3A_1307 = tpu.memref_squeeze %dma_wait3A_1306 : memref<1x1x4x8x128xf32, #tpu.memory_space<vmem>> -> memref<4x8x128xf32, #tpu.memory_space<vmem>>
        tpu.wait_dma2 semaphore(%arg14 : memref<!tpu.dma_semaphore, #tpu.memory_space<semaphore_mem>>) src(%dma_wait3A_1307 : memref<4x8x128xf32, #tpu.memory_space<vmem>>) dst(%dma_wait3A_1302 : memref<4x8x128xf32, #tpu.memory_space<hbm>>)
        %dma_wait3A_1308 = arith.constant 1 : i32
        %dma_wait3A_1309 = arith.constant 3 : i32
        %dma_wait3A_1310 = arith.constant 3 : i32
        %dma_wait3A_1311 = arith.constant 0 : i32
        %dma_wait3A_1312 = arith.constant 0 : i32
        %dma_wait3A_1313 = arith.constant 0 : i32
        %dma_wait3A_1314 = tpu.memref_slice %arg8[%dma_wait3A_1308, %dma_wait3A_1309, %dma_wait3A_1311, %dma_wait3A_1312, %dma_wait3A_1313] : memref<2x4x4x8x136xf32, #tpu.memory_space<vmem>> -> memref<1x1x4x8x128xf32, #tpu.memory_space<vmem>>
        %dma_wait3A_1315 = tpu.memref_squeeze %dma_wait3A_1314 : memref<1x1x4x8x128xf32, #tpu.memory_space<vmem>> -> memref<4x8x128xf32, #tpu.memory_space<vmem>>
        %dma_wait3A_1316 = arith.constant 0 : i32
        %dma_wait3A_1317 = arith.constant 0 : i32
        %dma_wait3A_1318 = tpu.memref_slice %arg4[%sub3A_1244, %dma_wait3A_1310, %mul3A_4, %dma_wait3A_1316, %dma_wait3A_1317] : memref<100x4x128x8x128xf32, #tpu.memory_space<hbm>> -> memref<1x1x4x8x128xf32, #tpu.memory_space<hbm>>
        %dma_wait3A_1319 = tpu.memref_squeeze %dma_wait3A_1318 : memref<1x1x4x8x128xf32, #tpu.memory_space<hbm>> -> memref<4x8x128xf32, #tpu.memory_space<hbm>>
        %dma_wait3A_1320 = arith.constant 0 : i32
        %dma_wait3A_1321 = arith.constant 0 : i32
        %dma_wait3A_1322 = tpu.memref_slice %arg4[%sub3A_1244, %dma_wait3A_1310, %mul3A_4, %dma_wait3A_1320, %dma_wait3A_1321] : memref<100x4x128x8x128xf32, #tpu.memory_space<hbm>> -> memref<1x1x4x8x128xf32, #tpu.memory_space<hbm>>
        %dma_wait3A_1323 = tpu.memref_squeeze %dma_wait3A_1322 : memref<1x1x4x8x128xf32, #tpu.memory_space<hbm>> -> memref<4x8x128xf32, #tpu.memory_space<hbm>>
        %dma_wait3A_1324 = arith.constant 0 : i32
        %dma_wait3A_1325 = arith.constant 0 : i32
        %dma_wait3A_1326 = arith.constant 0 : i32
        %dma_wait3A_1327 = tpu.memref_slice %arg8[%dma_wait3A_1308, %dma_wait3A_1309, %dma_wait3A_1324, %dma_wait3A_1325, %dma_wait3A_1326] : memref<2x4x4x8x136xf32, #tpu.memory_space<vmem>> -> memref<1x1x4x8x128xf32, #tpu.memory_space<vmem>>
        %dma_wait3A_1328 = tpu.memref_squeeze %dma_wait3A_1327 : memref<1x1x4x8x128xf32, #tpu.memory_space<vmem>> -> memref<4x8x128xf32, #tpu.memory_space<vmem>>
        tpu.wait_dma2 semaphore(%arg14 : memref<!tpu.dma_semaphore, #tpu.memory_space<semaphore_mem>>) src(%dma_wait3A_1328 : memref<4x8x128xf32, #tpu.memory_space<vmem>>) dst(%dma_wait3A_1323 : memref<4x8x128xf32, #tpu.memory_space<hbm>>)
      } else {
      }
      %ge3A_778 = arith.constant 1 : i32
      %ge3A_779 = arith.cmpi sge, %mul3A_438, %ge3A_778 : i32
      %convert_element_type3A_780 = arith.extui %ge3A_779 : i1 to i32
      %cond3A_781 = arith.constant 0 : i32
      %cond3A_782 = arith.cmpi ne, %convert_element_type3A_780, %cond3A_781 : i32
      scf.if %cond3A_782 {
        %dma_wait3A_1244 = arith.constant 1 : i32
        %dma_wait3A_1245 = arith.constant 1 : i32
        %dma_wait3A_1246 = arith.constant 0 : i32
        %dma_wait3A_1247 = arith.constant 0 : i32
        %dma_wait3A_1248 = tpu.memref_slice %arg7[%dma_wait3A_1245, %dma_wait3A_1246, %dma_wait3A_1247] : memref<2x512x32xf32, #tpu.memory_space<vmem>> -> memref<1x128x32xf32, #tpu.memory_space<vmem>>
        %dma_wait3A_1249 = tpu.memref_squeeze %dma_wait3A_1248 : memref<1x128x32xf32, #tpu.memory_space<vmem>> -> memref<128x32xf32, #tpu.memory_space<vmem>>
        %dma_wait3A_1250 = arith.constant 0 : i32
        %dma_wait3A_1251 = tpu.memref_slice %arg6[%dma_wait3A_1244, %dma_wait3A_1250] : memref<2x512xi32, #tpu.memory_space<vmem>> -> memref<1x128xi32, #tpu.memory_space<vmem>>
        %dma_wait3A_1252 = tpu.memref_squeeze %dma_wait3A_1251 : memref<1x128xi32, #tpu.memory_space<vmem>> -> memref<128xi32, #tpu.memory_space<vmem>>
        %dma_wait3A_1253 = arith.constant 0 : i32
        %dma_wait3A_1254 = arith.constant 0 : i32
        %dma_wait3A_1255 = tpu.memref_slice %arg3[%dma_wait3A_1253, %dma_wait3A_1254] : memref<1000000x32xf32, #tpu.memory_space<hbm>> -> memref<1000000x32xf32, #tpu.memory_space<hbm>>
        tpu.wait_indirect_dma semaphore(%arg12 : memref<!tpu.dma_semaphore, #tpu.memory_space<semaphore_mem>>) src(%dma_wait3A_1255 : memref<1000000x32xf32, #tpu.memory_space<hbm>>) dst(%dma_wait3A_1249 : memref<128x32xf32, #tpu.memory_space<vmem>>)
        %dma_wait3A_1256 = arith.constant 1 : i32
        %dma_wait3A_1257 = arith.constant 1 : i32
        %dma_wait3A_1258 = arith.constant 128 : i32
        %dma_wait3A_1259 = arith.constant 0 : i32
        %dma_wait3A_1260 = tpu.memref_slice %arg7[%dma_wait3A_1257, %dma_wait3A_1258, %dma_wait3A_1259] : memref<2x512x32xf32, #tpu.memory_space<vmem>> -> memref<1x128x32xf32, #tpu.memory_space<vmem>>
        %dma_wait3A_1261 = tpu.memref_squeeze %dma_wait3A_1260 : memref<1x128x32xf32, #tpu.memory_space<vmem>> -> memref<128x32xf32, #tpu.memory_space<vmem>>
        %dma_wait3A_1262 = arith.constant 128 : i32
        %dma_wait3A_1263 = tpu.memref_slice %arg6[%dma_wait3A_1256, %dma_wait3A_1262] : memref<2x512xi32, #tpu.memory_space<vmem>> -> memref<1x128xi32, #tpu.memory_space<vmem>>
        %dma_wait3A_1264 = tpu.memref_squeeze %dma_wait3A_1263 : memref<1x128xi32, #tpu.memory_space<vmem>> -> memref<128xi32, #tpu.memory_space<vmem>>
        %dma_wait3A_1265 = arith.constant 0 : i32
        %dma_wait3A_1266 = arith.constant 0 : i32
        %dma_wait3A_1267 = tpu.memref_slice %arg3[%dma_wait3A_1265, %dma_wait3A_1266] : memref<1000000x32xf32, #tpu.memory_space<hbm>> -> memref<1000000x32xf32, #tpu.memory_space<hbm>>
        tpu.wait_indirect_dma semaphore(%arg12 : memref<!tpu.dma_semaphore, #tpu.memory_space<semaphore_mem>>) src(%dma_wait3A_1267 : memref<1000000x32xf32, #tpu.memory_space<hbm>>) dst(%dma_wait3A_1261 : memref<128x32xf32, #tpu.memory_space<vmem>>)
        %dma_wait3A_1268 = arith.constant 1 : i32
        %dma_wait3A_1269 = arith.constant 1 : i32
        %dma_wait3A_1270 = arith.constant 256 : i32
        %dma_wait3A_1271 = arith.constant 0 : i32
        %dma_wait3A_1272 = tpu.memref_slice %arg7[%dma_wait3A_1269, %dma_wait3A_1270, %dma_wait3A_1271] : memref<2x512x32xf32, #tpu.memory_space<vmem>> -> memref<1x128x32xf32, #tpu.memory_space<vmem>>
        %dma_wait3A_1273 = tpu.memref_squeeze %dma_wait3A_1272 : memref<1x128x32xf32, #tpu.memory_space<vmem>> -> memref<128x32xf32, #tpu.memory_space<vmem>>
        %dma_wait3A_1274 = arith.constant 256 : i32
        %dma_wait3A_1275 = tpu.memref_slice %arg6[%dma_wait3A_1268, %dma_wait3A_1274] : memref<2x512xi32, #tpu.memory_space<vmem>> -> memref<1x128xi32, #tpu.memory_space<vmem>>
        %dma_wait3A_1276 = tpu.memref_squeeze %dma_wait3A_1275 : memref<1x128xi32, #tpu.memory_space<vmem>> -> memref<128xi32, #tpu.memory_space<vmem>>
        %dma_wait3A_1277 = arith.constant 0 : i32
        %dma_wait3A_1278 = arith.constant 0 : i32
        %dma_wait3A_1279 = tpu.memref_slice %arg3[%dma_wait3A_1277, %dma_wait3A_1278] : memref<1000000x32xf32, #tpu.memory_space<hbm>> -> memref<1000000x32xf32, #tpu.memory_space<hbm>>
        tpu.wait_indirect_dma semaphore(%arg12 : memref<!tpu.dma_semaphore, #tpu.memory_space<semaphore_mem>>) src(%dma_wait3A_1279 : memref<1000000x32xf32, #tpu.memory_space<hbm>>) dst(%dma_wait3A_1273 : memref<128x32xf32, #tpu.memory_space<vmem>>)
        %dma_wait3A_1280 = arith.constant 1 : i32
        %dma_wait3A_1281 = arith.constant 1 : i32
        %dma_wait3A_1282 = arith.constant 384 : i32
        %dma_wait3A_1283 = arith.constant 0 : i32
        %dma_wait3A_1284 = tpu.memref_slice %arg7[%dma_wait3A_1281, %dma_wait3A_1282, %dma_wait3A_1283] : memref<2x512x32xf32, #tpu.memory_space<vmem>> -> memref<1x128x32xf32, #tpu.memory_space<vmem>>
        %dma_wait3A_1285 = tpu.memref_squeeze %dma_wait3A_1284 : memref<1x128x32xf32, #tpu.memory_space<vmem>> -> memref<128x32xf32, #tpu.memory_space<vmem>>
        %dma_wait3A_1286 = arith.constant 384 : i32
        %dma_wait3A_1287 = tpu.memref_slice %arg6[%dma_wait3A_1280, %dma_wait3A_1286] : memref<2x512xi32, #tpu.memory_space<vmem>> -> memref<1x128xi32, #tpu.memory_space<vmem>>
        %dma_wait3A_1288 = tpu.memref_squeeze %dma_wait3A_1287 : memref<1x128xi32, #tpu.memory_space<vmem>> -> memref<128xi32, #tpu.memory_space<vmem>>
        %dma_wait3A_1289 = arith.constant 0 : i32
        %dma_wait3A_1290 = arith.constant 0 : i32
        %dma_wait3A_1291 = tpu.memref_slice %arg3[%dma_wait3A_1289, %dma_wait3A_1290] : memref<1000000x32xf32, #tpu.memory_space<hbm>> -> memref<1000000x32xf32, #tpu.memory_space<hbm>>
        tpu.wait_indirect_dma semaphore(%arg12 : memref<!tpu.dma_semaphore, #tpu.memory_space<semaphore_mem>>) src(%dma_wait3A_1291 : memref<1000000x32xf32, #tpu.memory_space<hbm>>) dst(%dma_wait3A_1285 : memref<128x32xf32, #tpu.memory_space<vmem>>)
      } else {
      }
      %dma_start3A_783 = arith.constant 0 : i32
      %dma_start3A_784 = arith.constant 0 : i32
      %dma_start3A_785 = arith.constant 0 : i32
      %dma_start3A_786 = arith.constant 0 : i32
      %dma_start3A_787 = tpu.memref_slice %arg7[%dma_start3A_784, %dma_start3A_785, %dma_start3A_786] : memref<2x512x32xf32, #tpu.memory_space<vmem>> -> memref<1x128x32xf32, #tpu.memory_space<vmem>>
      %dma_start3A_788 = tpu.memref_squeeze %dma_start3A_787 : memref<1x128x32xf32, #tpu.memory_space<vmem>> -> memref<128x32xf32, #tpu.memory_space<vmem>>
      %dma_start3A_789 = arith.constant 0 : i32
      %dma_start3A_790 = tpu.memref_slice %arg6[%dma_start3A_783, %dma_start3A_789] : memref<2x512xi32, #tpu.memory_space<vmem>> -> memref<1x128xi32, #tpu.memory_space<vmem>>
      %dma_start3A_791 = tpu.memref_squeeze %dma_start3A_790 : memref<1x128xi32, #tpu.memory_space<vmem>> -> memref<128xi32, #tpu.memory_space<vmem>>
      %dma_start3A_792 = arith.constant 0 : i32
      %dma_start3A_793 = arith.constant 0 : i32
      %dma_start3A_794 = tpu.memref_slice %arg3[%dma_start3A_792, %dma_start3A_793] : memref<1000000x32xf32, #tpu.memory_space<hbm>> -> memref<1000000x32xf32, #tpu.memory_space<hbm>>
      tpu.enqueue_indirect_dma source(%dma_start3A_794 : memref<1000000x32xf32, #tpu.memory_space<hbm>>) target(%dma_start3A_788 : memref<128x32xf32, #tpu.memory_space<vmem>>) offsets(%dma_start3A_791 : memref<128xi32, #tpu.memory_space<vmem>>) semaphore(%arg11 : memref<!tpu.dma_semaphore, #tpu.memory_space<semaphore_mem>>)
      %dma_start3A_795 = arith.constant 0 : i32
      %dma_start3A_796 = arith.constant 0 : i32
      %dma_start3A_797 = arith.constant 128 : i32
      %dma_start3A_798 = arith.constant 0 : i32
      %dma_start3A_799 = tpu.memref_slice %arg7[%dma_start3A_796, %dma_start3A_797, %dma_start3A_798] : memref<2x512x32xf32, #tpu.memory_space<vmem>> -> memref<1x128x32xf32, #tpu.memory_space<vmem>>
      %dma_start3A_800 = tpu.memref_squeeze %dma_start3A_799 : memref<1x128x32xf32, #tpu.memory_space<vmem>> -> memref<128x32xf32, #tpu.memory_space<vmem>>
      %dma_start3A_801 = arith.constant 128 : i32
      %dma_start3A_802 = tpu.memref_slice %arg6[%dma_start3A_795, %dma_start3A_801] : memref<2x512xi32, #tpu.memory_space<vmem>> -> memref<1x128xi32, #tpu.memory_space<vmem>>
      %dma_start3A_803 = tpu.memref_squeeze %dma_start3A_802 : memref<1x128xi32, #tpu.memory_space<vmem>> -> memref<128xi32, #tpu.memory_space<vmem>>
      %dma_start3A_804 = arith.constant 0 : i32
      %dma_start3A_805 = arith.constant 0 : i32
      %dma_start3A_806 = tpu.memref_slice %arg3[%dma_start3A_804, %dma_start3A_805] : memref<1000000x32xf32, #tpu.memory_space<hbm>> -> memref<1000000x32xf32, #tpu.memory_space<hbm>>
      tpu.enqueue_indirect_dma source(%dma_start3A_806 : memref<1000000x32xf32, #tpu.memory_space<hbm>>) target(%dma_start3A_800 : memref<128x32xf32, #tpu.memory_space<vmem>>) offsets(%dma_start3A_803 : memref<128xi32, #tpu.memory_space<vmem>>) semaphore(%arg11 : memref<!tpu.dma_semaphore, #tpu.memory_space<semaphore_mem>>)
      %dma_start3A_807 = arith.constant 0 : i32
      %dma_start3A_808 = arith.constant 0 : i32
      %dma_start3A_809 = arith.constant 256 : i32
      %dma_start3A_810 = arith.constant 0 : i32
      %dma_start3A_811 = tpu.memref_slice %arg7[%dma_start3A_808, %dma_start3A_809, %dma_start3A_810] : memref<2x512x32xf32, #tpu.memory_space<vmem>> -> memref<1x128x32xf32, #tpu.memory_space<vmem>>
      %dma_start3A_812 = tpu.memref_squeeze %dma_start3A_811 : memref<1x128x32xf32, #tpu.memory_space<vmem>> -> memref<128x32xf32, #tpu.memory_space<vmem>>
      %dma_start3A_813 = arith.constant 256 : i32
      %dma_start3A_814 = tpu.memref_slice %arg6[%dma_start3A_807, %dma_start3A_813] : memref<2x512xi32, #tpu.memory_space<vmem>> -> memref<1x128xi32, #tpu.memory_space<vmem>>
      %dma_start3A_815 = tpu.memref_squeeze %dma_start3A_814 : memref<1x128xi32, #tpu.memory_space<vmem>> -> memref<128xi32, #tpu.memory_space<vmem>>
      %dma_start3A_816 = arith.constant 0 : i32
      %dma_start3A_817 = arith.constant 0 : i32
      %dma_start3A_818 = tpu.memref_slice %arg3[%dma_start3A_816, %dma_start3A_817] : memref<1000000x32xf32, #tpu.memory_space<hbm>> -> memref<1000000x32xf32, #tpu.memory_space<hbm>>
      tpu.enqueue_indirect_dma source(%dma_start3A_818 : memref<1000000x32xf32, #tpu.memory_space<hbm>>) target(%dma_start3A_812 : memref<128x32xf32, #tpu.memory_space<vmem>>) offsets(%dma_start3A_815 : memref<128xi32, #tpu.memory_space<vmem>>) semaphore(%arg11 : memref<!tpu.dma_semaphore, #tpu.memory_space<semaphore_mem>>)
      %dma_start3A_819 = arith.constant 0 : i32
      %dma_start3A_820 = arith.constant 0 : i32
      %dma_start3A_821 = arith.constant 384 : i32
      %dma_start3A_822 = arith.constant 0 : i32
      %dma_start3A_823 = tpu.memref_slice %arg7[%dma_start3A_820, %dma_start3A_821, %dma_start3A_822] : memref<2x512x32xf32, #tpu.memory_space<vmem>> -> memref<1x128x32xf32, #tpu.memory_space<vmem>>
      %dma_start3A_824 = tpu.memref_squeeze %dma_start3A_823 : memref<1x128x32xf32, #tpu.memory_space<vmem>> -> memref<128x32xf32, #tpu.memory_space<vmem>>
      %dma_start3A_825 = arith.constant 384 : i32
      %dma_start3A_826 = tpu.memref_slice %arg6[%dma_start3A_819, %dma_start3A_825] : memref<2x512xi32, #tpu.memory_space<vmem>> -> memref<1x128xi32, #tpu.memory_space<vmem>>
      %dma_start3A_827 = tpu.memref_squeeze %dma_start3A_826 : memref<1x128xi32, #tpu.memory_space<vmem>> -> memref<128xi32, #tpu.memory_space<vmem>>
      %dma_start3A_828 = arith.constant 0 : i32
      %dma_start3A_829 = arith.constant 0 : i32
      %dma_start3A_830 = tpu.memref_slice %arg3[%dma_start3A_828, %dma_start3A_829] : memref<1000000x32xf32, #tpu.memory_space<hbm>> -> memref<1000000x32xf32, #tpu.memory_space<hbm>>
      tpu.enqueue_indirect_dma source(%dma_start3A_830 : memref<1000000x32xf32, #tpu.memory_space<hbm>>) target(%dma_start3A_824 : memref<128x32xf32, #tpu.memory_space<vmem>>) offsets(%dma_start3A_827 : memref<128xi32, #tpu.memory_space<vmem>>) semaphore(%arg11 : memref<!tpu.dma_semaphore, #tpu.memory_space<semaphore_mem>>)
      %ge3A_831 = arith.constant 1 : i32
      %ge3A_832 = arith.cmpi sge, %mul3A_438, %ge3A_831 : i32
      %convert_element_type3A_833 = arith.extui %ge3A_832 : i1 to i32
      %cond3A_834 = arith.constant 0 : i32
      %cond3A_835 = arith.cmpi ne, %convert_element_type3A_833, %cond3A_834 : i32
      scf.if %cond3A_835 {
        %parallel_loop3A_1244 = arith.constant 0 : i32
        %parallel_loop3A_1245 = arith.constant 512 : i32
        %parallel_loop3A_1246 = arith.constant 1 : i32
        scf.for %parallel_loop3A_1332 = %parallel_loop3A_1244 to %parallel_loop3A_1245 step %parallel_loop3A_1246  : i32 {
          %parallel_loop3A_1333 = arith.constant 7 : i32
          %parallel_loop3A_1334 = arith.shrsi %parallel_loop3A_1332, %parallel_loop3A_1333 : i32
          %parallel_loop3A_1335 = arith.constant 1088 : i32
          %parallel_loop3A_1336 = arith.muli %parallel_loop3A_1334, %parallel_loop3A_1335 : i32
          %parallel_loop3A_1337 = arith.constant 127 : i32
          %parallel_loop3A_1338 = arith.andi %parallel_loop3A_1332, %parallel_loop3A_1337 : i32
          %parallel_loop3A_1339 = arith.addi %parallel_loop3A_1336, %parallel_loop3A_1338 : i32
          %parallel_loop3A_1340 = vector.broadcast %parallel_loop3A_1339 : i32 to vector<16xi32>
          %parallel_loop3A_1341 = arith.addi %add3A_16, %parallel_loop3A_1340 : vector<16xi32>
          %parallel_loop3A_1342 = arith.constant 8704 : i32
          %parallel_loop3A_1343 = vector.broadcast %parallel_loop3A_1342 : i32 to vector<16xi32>
          %parallel_loop3A_1344 = arith.addi %parallel_loop3A_1341, %parallel_loop3A_1343 : vector<16xi32>
          %parallel_loop3A_1345 = arith.constant 1 : i32
          %parallel_loop3A_1346 = arith.index_cast %parallel_loop3A_1345 : i32 to index
          %parallel_loop3A_1347 = arith.index_cast %parallel_loop3A_1332 : i32 to index
          %parallel_loop3A_1348 = arith.constant 0 : index
          %parallel_loop3A_1349 = tpu.vector_load %arg7[%parallel_loop3A_1346, %parallel_loop3A_1347, %parallel_loop3A_1348] {strides = array<i32>} : memref<2x512x32xf32, #tpu.memory_space<vmem>>, vector<16xf32>,
          %parallel_loop3A_1350 = arith.constant 1 : i32
          %parallel_loop3A_1351 = arith.index_cast %parallel_loop3A_1350 : i32 to index
          %parallel_loop3A_1352 = arith.index_cast %parallel_loop3A_1332 : i32 to index
          %parallel_loop3A_1353 = arith.constant 16 : index
          %parallel_loop3A_1354 = tpu.vector_load %arg7[%parallel_loop3A_1351, %parallel_loop3A_1352, %parallel_loop3A_1353] {strides = array<i32>} : memref<2x512x32xf32, #tpu.memory_space<vmem>>, vector<16xf32>,
          %parallel_loop3A_1355 = arith.constant 1 : i32
          %parallel_loop3A_1356 = arith.constant 0 : i32
          %parallel_loop3A_1357 = arith.constant 0 : i32
          %parallel_loop3A_1358 = arith.constant 0 : i32
          %parallel_loop3A_1359 = arith.constant 0 : i32
          %parallel_loop3A_1360 = tpu.memref_slice %arg8[%parallel_loop3A_1355, %parallel_loop3A_1356, %parallel_loop3A_1357, %parallel_loop3A_1358, %parallel_loop3A_1359] : memref<2x4x4x8x136xf32, #tpu.memory_space<vmem>> -> memref<1x4x4x8x136xf32, #tpu.memory_space<vmem>>
          %parallel_loop3A_1361 = tpu.memref_squeeze %parallel_loop3A_1360 : memref<1x4x4x8x136xf32, #tpu.memory_space<vmem>> -> memref<4x4x8x136xf32, #tpu.memory_space<vmem>>
          tpu.vector_store_idx %parallel_loop3A_1361[%broadcast_in_dim3A_5, %broadcast_in_dim3A_5, %broadcast_in_dim3A_5, %parallel_loop3A_1341], %parallel_loop3A_1349 : memref<4x4x8x136xf32, #tpu.memory_space<vmem>>[vector<16xi32>, vector<16xi32>, vector<16xi32>, vector<16xi32>], vector<16xf32>,
          %parallel_loop3A_1362 = arith.constant 1 : i32
          %parallel_loop3A_1363 = arith.constant 0 : i32
          %parallel_loop3A_1364 = arith.constant 0 : i32
          %parallel_loop3A_1365 = arith.constant 0 : i32
          %parallel_loop3A_1366 = arith.constant 0 : i32
          %parallel_loop3A_1367 = tpu.memref_slice %arg8[%parallel_loop3A_1362, %parallel_loop3A_1363, %parallel_loop3A_1364, %parallel_loop3A_1365, %parallel_loop3A_1366] : memref<2x4x4x8x136xf32, #tpu.memory_space<vmem>> -> memref<1x4x4x8x136xf32, #tpu.memory_space<vmem>>
          %parallel_loop3A_1368 = tpu.memref_squeeze %parallel_loop3A_1367 : memref<1x4x4x8x136xf32, #tpu.memory_space<vmem>> -> memref<4x4x8x136xf32, #tpu.memory_space<vmem>>
          tpu.vector_store_idx %parallel_loop3A_1368[%broadcast_in_dim3A_5, %broadcast_in_dim3A_5, %broadcast_in_dim3A_5, %parallel_loop3A_1344], %parallel_loop3A_1354 : memref<4x4x8x136xf32, #tpu.memory_space<vmem>>[vector<16xi32>, vector<16xi32>, vector<16xi32>, vector<16xi32>], vector<16xf32>,
        } {sc.loop_unroll_factor = 4 : i64, sc.parallel_access}
        %sub3A = arith.constant 1 : i32
        %sub3A_1247 = arith.subi %mul3A_438, %sub3A : i32
        %dma_start3A_1248 = arith.constant 1 : i32
        %dma_start3A_1249 = arith.constant 0 : i32
        %dma_start3A_1250 = arith.constant 0 : i32
        %dma_start3A_1251 = arith.constant 0 : i32
        %dma_start3A_1252 = arith.constant 0 : i32
        %dma_start3A_1253 = arith.constant 0 : i32
        %dma_start3A_1254 = tpu.memref_slice %arg8[%dma_start3A_1248, %dma_start3A_1249, %dma_start3A_1251, %dma_start3A_1252, %dma_start3A_1253] : memref<2x4x4x8x136xf32, #tpu.memory_space<vmem>> -> memref<1x1x4x8x128xf32, #tpu.memory_space<vmem>>
        %dma_start3A_1255 = tpu.memref_squeeze %dma_start3A_1254 : memref<1x1x4x8x128xf32, #tpu.memory_space<vmem>> -> memref<4x8x128xf32, #tpu.memory_space<vmem>>
        %dma_start3A_1256 = arith.constant 0 : i32
        %dma_start3A_1257 = arith.constant 0 : i32
        %dma_start3A_1258 = tpu.memref_slice %arg4[%sub3A_1247, %dma_start3A_1250, %mul3A_4, %dma_start3A_1256, %dma_start3A_1257] : memref<100x4x128x8x128xf32, #tpu.memory_space<hbm>> -> memref<1x1x4x8x128xf32, #tpu.memory_space<hbm>>
        %dma_start3A_1259 = tpu.memref_squeeze %dma_start3A_1258 : memref<1x1x4x8x128xf32, #tpu.memory_space<hbm>> -> memref<4x8x128xf32, #tpu.memory_space<hbm>>
        %dma_start3A_1260 = arith.constant 0 : i32
        %dma_start3A_1261 = arith.constant 0 : i32
        %dma_start3A_1262 = tpu.memref_slice %arg4[%sub3A_1247, %dma_start3A_1250, %mul3A_4, %dma_start3A_1260, %dma_start3A_1261] : memref<100x4x128x8x128xf32, #tpu.memory_space<hbm>> -> memref<1x1x4x8x128xf32, #tpu.memory_space<hbm>>
        %dma_start3A_1263 = tpu.memref_squeeze %dma_start3A_1262 : memref<1x1x4x8x128xf32, #tpu.memory_space<hbm>> -> memref<4x8x128xf32, #tpu.memory_space<hbm>>
        %dma_start3A_1264 = arith.constant 0 : i32
        %dma_start3A_1265 = arith.constant 0 : i32
        %dma_start3A_1266 = arith.constant 0 : i32
        %dma_start3A_1267 = tpu.memref_slice %arg8[%dma_start3A_1248, %dma_start3A_1249, %dma_start3A_1264, %dma_start3A_1265, %dma_start3A_1266] : memref<2x4x4x8x136xf32, #tpu.memory_space<vmem>> -> memref<1x1x4x8x128xf32, #tpu.memory_space<vmem>>
        %dma_start3A_1268 = tpu.memref_squeeze %dma_start3A_1267 : memref<1x1x4x8x128xf32, #tpu.memory_space<vmem>> -> memref<4x8x128xf32, #tpu.memory_space<vmem>>
        tpu.enqueue_dma source(%dma_start3A_1268 : memref<4x8x128xf32, #tpu.memory_space<vmem>>) target(%dma_start3A_1263 : memref<4x8x128xf32, #tpu.memory_space<hbm>>) target_semaphore(%arg14 : memref<!tpu.dma_semaphore, #tpu.memory_space<semaphore_mem>>)
        %dma_start3A_1269 = arith.constant 1 : i32
        %dma_start3A_1270 = arith.constant 1 : i32
        %dma_start3A_1271 = arith.constant 1 : i32
        %dma_start3A_1272 = arith.constant 0 : i32
        %dma_start3A_1273 = arith.constant 0 : i32
        %dma_start3A_1274 = arith.constant 0 : i32
        %dma_start3A_1275 = tpu.memref_slice %arg8[%dma_start3A_1269, %dma_start3A_1270, %dma_start3A_1272, %dma_start3A_1273, %dma_start3A_1274] : memref<2x4x4x8x136xf32, #tpu.memory_space<vmem>> -> memref<1x1x4x8x128xf32, #tpu.memory_space<vmem>>
        %dma_start3A_1276 = tpu.memref_squeeze %dma_start3A_1275 : memref<1x1x4x8x128xf32, #tpu.memory_space<vmem>> -> memref<4x8x128xf32, #tpu.memory_space<vmem>>
        %dma_start3A_1277 = arith.constant 0 : i32
        %dma_start3A_1278 = arith.constant 0 : i32
        %dma_start3A_1279 = tpu.memref_slice %arg4[%sub3A_1247, %dma_start3A_1271, %mul3A_4, %dma_start3A_1277, %dma_start3A_1278] : memref<100x4x128x8x128xf32, #tpu.memory_space<hbm>> -> memref<1x1x4x8x128xf32, #tpu.memory_space<hbm>>
        %dma_start3A_1280 = tpu.memref_squeeze %dma_start3A_1279 : memref<1x1x4x8x128xf32, #tpu.memory_space<hbm>> -> memref<4x8x128xf32, #tpu.memory_space<hbm>>
        %dma_start3A_1281 = arith.constant 0 : i32
        %dma_start3A_1282 = arith.constant 0 : i32
        %dma_start3A_1283 = tpu.memref_slice %arg4[%sub3A_1247, %dma_start3A_1271, %mul3A_4, %dma_start3A_1281, %dma_start3A_1282] : memref<100x4x128x8x128xf32, #tpu.memory_space<hbm>> -> memref<1x1x4x8x128xf32, #tpu.memory_space<hbm>>
        %dma_start3A_1284 = tpu.memref_squeeze %dma_start3A_1283 : memref<1x1x4x8x128xf32, #tpu.memory_space<hbm>> -> memref<4x8x128xf32, #tpu.memory_space<hbm>>
        %dma_start3A_1285 = arith.constant 0 : i32
        %dma_start3A_1286 = arith.constant 0 : i32
        %dma_start3A_1287 = arith.constant 0 : i32
        %dma_start3A_1288 = tpu.memref_slice %arg8[%dma_start3A_1269, %dma_start3A_1270, %dma_start3A_1285, %dma_start3A_1286, %dma_start3A_1287] : memref<2x4x4x8x136xf32, #tpu.memory_space<vmem>> -> memref<1x1x4x8x128xf32, #tpu.memory_space<vmem>>
        %dma_start3A_1289 = tpu.memref_squeeze %dma_start3A_1288 : memref<1x1x4x8x128xf32, #tpu.memory_space<vmem>> -> memref<4x8x128xf32, #tpu.memory_space<vmem>>
        tpu.enqueue_dma source(%dma_start3A_1289 : memref<4x8x128xf32, #tpu.memory_space<vmem>>) target(%dma_start3A_1284 : memref<4x8x128xf32, #tpu.memory_space<hbm>>) target_semaphore(%arg14 : memref<!tpu.dma_semaphore, #tpu.memory_space<semaphore_mem>>)
        %dma_start3A_1290 = arith.constant 1 : i32
        %dma_start3A_1291 = arith.constant 2 : i32
        %dma_start3A_1292 = arith.constant 2 : i32
        %dma_start3A_1293 = arith.constant 0 : i32
        %dma_start3A_1294 = arith.constant 0 : i32
        %dma_start3A_1295 = arith.constant 0 : i32
        %dma_start3A_1296 = tpu.memref_slice %arg8[%dma_start3A_1290, %dma_start3A_1291, %dma_start3A_1293, %dma_start3A_1294, %dma_start3A_1295] : memref<2x4x4x8x136xf32, #tpu.memory_space<vmem>> -> memref<1x1x4x8x128xf32, #tpu.memory_space<vmem>>
        %dma_start3A_1297 = tpu.memref_squeeze %dma_start3A_1296 : memref<1x1x4x8x128xf32, #tpu.memory_space<vmem>> -> memref<4x8x128xf32, #tpu.memory_space<vmem>>
        %dma_start3A_1298 = arith.constant 0 : i32
        %dma_start3A_1299 = arith.constant 0 : i32
        %dma_start3A_1300 = tpu.memref_slice %arg4[%sub3A_1247, %dma_start3A_1292, %mul3A_4, %dma_start3A_1298, %dma_start3A_1299] : memref<100x4x128x8x128xf32, #tpu.memory_space<hbm>> -> memref<1x1x4x8x128xf32, #tpu.memory_space<hbm>>
        %dma_start3A_1301 = tpu.memref_squeeze %dma_start3A_1300 : memref<1x1x4x8x128xf32, #tpu.memory_space<hbm>> -> memref<4x8x128xf32, #tpu.memory_space<hbm>>
        %dma_start3A_1302 = arith.constant 0 : i32
        %dma_start3A_1303 = arith.constant 0 : i32
        %dma_start3A_1304 = tpu.memref_slice %arg4[%sub3A_1247, %dma_start3A_1292, %mul3A_4, %dma_start3A_1302, %dma_start3A_1303] : memref<100x4x128x8x128xf32, #tpu.memory_space<hbm>> -> memref<1x1x4x8x128xf32, #tpu.memory_space<hbm>>
        %dma_start3A_1305 = tpu.memref_squeeze %dma_start3A_1304 : memref<1x1x4x8x128xf32, #tpu.memory_space<hbm>> -> memref<4x8x128xf32, #tpu.memory_space<hbm>>
        %dma_start3A_1306 = arith.constant 0 : i32
        %dma_start3A_1307 = arith.constant 0 : i32
        %dma_start3A_1308 = arith.constant 0 : i32
        %dma_start3A_1309 = tpu.memref_slice %arg8[%dma_start3A_1290, %dma_start3A_1291, %dma_start3A_1306, %dma_start3A_1307, %dma_start3A_1308] : memref<2x4x4x8x136xf32, #tpu.memory_space<vmem>> -> memref<1x1x4x8x128xf32, #tpu.memory_space<vmem>>
        %dma_start3A_1310 = tpu.memref_squeeze %dma_start3A_1309 : memref<1x1x4x8x128xf32, #tpu.memory_space<vmem>> -> memref<4x8x128xf32, #tpu.memory_space<vmem>>
        tpu.enqueue_dma source(%dma_start3A_1310 : memref<4x8x128xf32, #tpu.memory_space<vmem>>) target(%dma_start3A_1305 : memref<4x8x128xf32, #tpu.memory_space<hbm>>) target_semaphore(%arg14 : memref<!tpu.dma_semaphore, #tpu.memory_space<semaphore_mem>>)
        %dma_start3A_1311 = arith.constant 1 : i32
        %dma_start3A_1312 = arith.constant 3 : i32
        %dma_start3A_1313 = arith.constant 3 : i32
        %dma_start3A_1314 = arith.constant 0 : i32
        %dma_start3A_1315 = arith.constant 0 : i32
        %dma_start3A_1316 = arith.constant 0 : i32
        %dma_start3A_1317 = tpu.memref_slice %arg8[%dma_start3A_1311, %dma_start3A_1312, %dma_start3A_1314, %dma_start3A_1315, %dma_start3A_1316] : memref<2x4x4x8x136xf32, #tpu.memory_space<vmem>> -> memref<1x1x4x8x128xf32, #tpu.memory_space<vmem>>
        %dma_start3A_1318 = tpu.memref_squeeze %dma_start3A_1317 : memref<1x1x4x8x128xf32, #tpu.memory_space<vmem>> -> memref<4x8x128xf32, #tpu.memory_space<vmem>>
        %dma_start3A_1319 = arith.constant 0 : i32
        %dma_start3A_1320 = arith.constant 0 : i32
        %dma_start3A_1321 = tpu.memref_slice %arg4[%sub3A_1247, %dma_start3A_1313, %mul3A_4, %dma_start3A_1319, %dma_start3A_1320] : memref<100x4x128x8x128xf32, #tpu.memory_space<hbm>> -> memref<1x1x4x8x128xf32, #tpu.memory_space<hbm>>
        %dma_start3A_1322 = tpu.memref_squeeze %dma_start3A_1321 : memref<1x1x4x8x128xf32, #tpu.memory_space<hbm>> -> memref<4x8x128xf32, #tpu.memory_space<hbm>>
        %dma_start3A_1323 = arith.constant 0 : i32
        %dma_start3A_1324 = arith.constant 0 : i32
        %dma_start3A_1325 = tpu.memref_slice %arg4[%sub3A_1247, %dma_start3A_1313, %mul3A_4, %dma_start3A_1323, %dma_start3A_1324] : memref<100x4x128x8x128xf32, #tpu.memory_space<hbm>> -> memref<1x1x4x8x128xf32, #tpu.memory_space<hbm>>
        %dma_start3A_1326 = tpu.memref_squeeze %dma_start3A_1325 : memref<1x1x4x8x128xf32, #tpu.memory_space<hbm>> -> memref<4x8x128xf32, #tpu.memory_space<hbm>>
        %dma_start3A_1327 = arith.constant 0 : i32
        %dma_start3A_1328 = arith.constant 0 : i32
        %dma_start3A_1329 = arith.constant 0 : i32
        %dma_start3A_1330 = tpu.memref_slice %arg8[%dma_start3A_1311, %dma_start3A_1312, %dma_start3A_1327, %dma_start3A_1328, %dma_start3A_1329] : memref<2x4x4x8x136xf32, #tpu.memory_space<vmem>> -> memref<1x1x4x8x128xf32, #tpu.memory_space<vmem>>
        %dma_start3A_1331 = tpu.memref_squeeze %dma_start3A_1330 : memref<1x1x4x8x128xf32, #tpu.memory_space<vmem>> -> memref<4x8x128xf32, #tpu.memory_space<vmem>>
        tpu.enqueue_dma source(%dma_start3A_1331 : memref<4x8x128xf32, #tpu.memory_space<vmem>>) target(%dma_start3A_1326 : memref<4x8x128xf32, #tpu.memory_space<hbm>>) target_semaphore(%arg14 : memref<!tpu.dma_semaphore, #tpu.memory_space<semaphore_mem>>)
      } else {
      }
      %mul3A_836 = arith.constant 2 : i32
      %mul3A_837 = arith.muli %mul3A_836, %scan3A_435 : i32
      %add3A_838 = arith.constant 1 : i32
      %add3A_839 = arith.addi %mul3A_837, %add3A_838 : i32
      %dma_wait3A_840 = arith.constant 1 : i32
      %dma_wait3A_841 = arith.constant 0 : i32
      %dma_wait3A_842 = tpu.memref_slice %arg5[%dma_wait3A_840, %dma_wait3A_841] : memref<2x512xi32, #tpu.memory_space<vmem>> -> memref<1x512xi32, #tpu.memory_space<vmem>>
      %dma_wait3A_843 = tpu.memref_squeeze %dma_wait3A_842 : memref<1x512xi32, #tpu.memory_space<vmem>> -> memref<512xi32, #tpu.memory_space<vmem>>
      %dma_wait3A_844 = tpu.memref_slice %arg2[%add3A_839, %mul3A_2] : memref<100x16384xi32, #tpu.memory_space<hbm>> -> memref<1x512xi32, #tpu.memory_space<hbm>>
      %dma_wait3A_845 = tpu.memref_squeeze %dma_wait3A_844 : memref<1x512xi32, #tpu.memory_space<hbm>> -> memref<512xi32, #tpu.memory_space<hbm>>
      %dma_wait3A_846 = arith.constant 0 : i32
      %dma_wait3A_847 = tpu.memref_slice %arg5[%dma_wait3A_840, %dma_wait3A_846] : memref<2x512xi32, #tpu.memory_space<vmem>> -> memref<1x512xi32, #tpu.memory_space<vmem>>
      %dma_wait3A_848 = tpu.memref_squeeze %dma_wait3A_847 : memref<1x512xi32, #tpu.memory_space<vmem>> -> memref<512xi32, #tpu.memory_space<vmem>>
      %dma_wait3A_849 = tpu.memref_slice %arg2[%add3A_839, %mul3A_2] : memref<100x16384xi32, #tpu.memory_space<hbm>> -> memref<1x512xi32, #tpu.memory_space<hbm>>
      %dma_wait3A_850 = tpu.memref_squeeze %dma_wait3A_849 : memref<1x512xi32, #tpu.memory_space<hbm>> -> memref<512xi32, #tpu.memory_space<hbm>>
      tpu.wait_dma2 semaphore(%arg10 : memref<!tpu.dma_semaphore, #tpu.memory_space<semaphore_mem>>) src(%dma_wait3A_850 : memref<512xi32, #tpu.memory_space<hbm>>) dst(%dma_wait3A_848 : memref<512xi32, #tpu.memory_space<vmem>>)
      %add3A_851 = arith.constant 1 : i32
      %add3A_852 = arith.addi %add3A_839, %add3A_851 : i32
      %lt3A_853 = arith.constant 100 : i32
      %lt3A_854 = arith.cmpi slt, %add3A_852, %lt3A_853 : i32
      %convert_element_type3A_855 = arith.extui %lt3A_854 : i1 to i32
      %cond3A_856 = arith.constant 0 : i32
      %cond3A_857 = arith.cmpi ne, %convert_element_type3A_855, %cond3A_856 : i32
      scf.if %cond3A_857 {
        %add3A_1244 = arith.constant 1 : i32
        %add3A_1245 = arith.addi %add3A_839, %add3A_1244 : i32
        %dma_start3A_1246 = arith.constant 0 : i32
        %dma_start3A_1247 = arith.constant 0 : i32
        %dma_start3A_1248 = tpu.memref_slice %arg5[%dma_start3A_1246, %dma_start3A_1247] : memref<2x512xi32, #tpu.memory_space<vmem>> -> memref<1x512xi32, #tpu.memory_space<vmem>>
        %dma_start3A_1249 = tpu.memref_squeeze %dma_start3A_1248 : memref<1x512xi32, #tpu.memory_space<vmem>> -> memref<512xi32, #tpu.memory_space<vmem>>
        %dma_start3A_1250 = tpu.memref_slice %arg2[%add3A_1245, %mul3A_2] : memref<100x16384xi32, #tpu.memory_space<hbm>> -> memref<1x512xi32, #tpu.memory_space<hbm>>
        %dma_start3A_1251 = tpu.memref_squeeze %dma_start3A_1250 : memref<1x512xi32, #tpu.memory_space<hbm>> -> memref<512xi32, #tpu.memory_space<hbm>>
        %dma_start3A_1252 = arith.constant 0 : i32
        %dma_start3A_1253 = tpu.memref_slice %arg5[%dma_start3A_1246, %dma_start3A_1252] : memref<2x512xi32, #tpu.memory_space<vmem>> -> memref<1x512xi32, #tpu.memory_space<vmem>>
        %dma_start3A_1254 = tpu.memref_squeeze %dma_start3A_1253 : memref<1x512xi32, #tpu.memory_space<vmem>> -> memref<512xi32, #tpu.memory_space<vmem>>
        %dma_start3A_1255 = tpu.memref_slice %arg2[%add3A_1245, %mul3A_2] : memref<100x16384xi32, #tpu.memory_space<hbm>> -> memref<1x512xi32, #tpu.memory_space<hbm>>
        %dma_start3A_1256 = tpu.memref_squeeze %dma_start3A_1255 : memref<1x512xi32, #tpu.memory_space<hbm>> -> memref<512xi32, #tpu.memory_space<hbm>>
        tpu.enqueue_dma source(%dma_start3A_1256 : memref<512xi32, #tpu.memory_space<hbm>>) target(%dma_start3A_1254 : memref<512xi32, #tpu.memory_space<vmem>>) target_semaphore(%arg9 : memref<!tpu.dma_semaphore, #tpu.memory_space<semaphore_mem>>)
      } else {
      }
      %mul3A_858 = arith.constant 10000 : i32
      %mul3A_859 = arith.muli %add3A_839, %mul3A_858 : i32
      %get3A_860 = arith.constant 1 : i32
      %get3A_861 = arith.index_cast %get3A_860 : i32 to index
      %get3A_862 = arith.constant 0 : index
      %get3A_863 = tpu.vector_load %arg5[%get3A_861, %get3A_862] {strides = array<i32>} : memref<2x512xi32, #tpu.memory_space<vmem>>, vector<16xi32>,
      %add3A_864 = vector.broadcast %mul3A_859 : i32 to vector<16xi32>
      %add3A_865 = arith.addi %get3A_863, %add3A_864 : vector<16xi32>
      %swap3A_866 = arith.constant 1 : i32
      %swap3A_867 = arith.index_cast %swap3A_866 : i32 to index
      %swap3A_868 = arith.constant 0 : index
      %swap3A_869 = tpu.vector_load %arg6[%swap3A_867, %swap3A_868] {strides = array<i32>} : memref<2x512xi32, #tpu.memory_space<vmem>>, vector<16xi32>,
      tpu.vector_store %arg6[%swap3A_867, %swap3A_868], %add3A_865 {strides = array<i32>} : memref<2x512xi32, #tpu.memory_space<vmem>>, vector<16xi32>,
      %get3A_870 = arith.constant 1 : i32
      %get3A_871 = arith.index_cast %get3A_870 : i32 to index
      %get3A_872 = arith.constant 16 : index
      %get3A_873 = tpu.vector_load %arg5[%get3A_871, %get3A_872] {strides = array<i32>} : memref<2x512xi32, #tpu.memory_space<vmem>>, vector<16xi32>,
      %add3A_874 = vector.broadcast %mul3A_859 : i32 to vector<16xi32>
      %add3A_875 = arith.addi %get3A_873, %add3A_874 : vector<16xi32>
      %swap3A_876 = arith.constant 1 : i32
      %swap3A_877 = arith.index_cast %swap3A_876 : i32 to index
      %swap3A_878 = arith.constant 16 : index
      %swap3A_879 = tpu.vector_load %arg6[%swap3A_877, %swap3A_878] {strides = array<i32>} : memref<2x512xi32, #tpu.memory_space<vmem>>, vector<16xi32>,
      tpu.vector_store %arg6[%swap3A_877, %swap3A_878], %add3A_875 {strides = array<i32>} : memref<2x512xi32, #tpu.memory_space<vmem>>, vector<16xi32>,
      %get3A_880 = arith.constant 1 : i32
      %get3A_881 = arith.index_cast %get3A_880 : i32 to index
      %get3A_882 = arith.constant 32 : index
      %get3A_883 = tpu.vector_load %arg5[%get3A_881, %get3A_882] {strides = array<i32>} : memref<2x512xi32, #tpu.memory_space<vmem>>, vector<16xi32>,
      %add3A_884 = vector.broadcast %mul3A_859 : i32 to vector<16xi32>
      %add3A_885 = arith.addi %get3A_883, %add3A_884 : vector<16xi32>
      %swap3A_886 = arith.constant 1 : i32
      %swap3A_887 = arith.index_cast %swap3A_886 : i32 to index
      %swap3A_888 = arith.constant 32 : index
      %swap3A_889 = tpu.vector_load %arg6[%swap3A_887, %swap3A_888] {strides = array<i32>} : memref<2x512xi32, #tpu.memory_space<vmem>>, vector<16xi32>,
      tpu.vector_store %arg6[%swap3A_887, %swap3A_888], %add3A_885 {strides = array<i32>} : memref<2x512xi32, #tpu.memory_space<vmem>>, vector<16xi32>,
      %get3A_890 = arith.constant 1 : i32
      %get3A_891 = arith.index_cast %get3A_890 : i32 to index
      %get3A_892 = arith.constant 48 : index
      %get3A_893 = tpu.vector_load %arg5[%get3A_891, %get3A_892] {strides = array<i32>} : memref<2x512xi32, #tpu.memory_space<vmem>>, vector<16xi32>,
      %add3A_894 = vector.broadcast %mul3A_859 : i32 to vector<16xi32>
      %add3A_895 = arith.addi %get3A_893, %add3A_894 : vector<16xi32>
      %swap3A_896 = arith.constant 1 : i32
      %swap3A_897 = arith.index_cast %swap3A_896 : i32 to index
      %swap3A_898 = arith.constant 48 : index
      %swap3A_899 = tpu.vector_load %arg6[%swap3A_897, %swap3A_898] {strides = array<i32>} : memref<2x512xi32, #tpu.memory_space<vmem>>, vector<16xi32>,
      tpu.vector_store %arg6[%swap3A_897, %swap3A_898], %add3A_895 {strides = array<i32>} : memref<2x512xi32, #tpu.memory_space<vmem>>, vector<16xi32>,
      %get3A_900 = arith.constant 1 : i32
      %get3A_901 = arith.index_cast %get3A_900 : i32 to index
      %get3A_902 = arith.constant 64 : index
      %get3A_903 = tpu.vector_load %arg5[%get3A_901, %get3A_902] {strides = array<i32>} : memref<2x512xi32, #tpu.memory_space<vmem>>, vector<16xi32>,
      %add3A_904 = vector.broadcast %mul3A_859 : i32 to vector<16xi32>
      %add3A_905 = arith.addi %get3A_903, %add3A_904 : vector<16xi32>
      %swap3A_906 = arith.constant 1 : i32
      %swap3A_907 = arith.index_cast %swap3A_906 : i32 to index
      %swap3A_908 = arith.constant 64 : index
      %swap3A_909 = tpu.vector_load %arg6[%swap3A_907, %swap3A_908] {strides = array<i32>} : memref<2x512xi32, #tpu.memory_space<vmem>>, vector<16xi32>,
      tpu.vector_store %arg6[%swap3A_907, %swap3A_908], %add3A_905 {strides = array<i32>} : memref<2x512xi32, #tpu.memory_space<vmem>>, vector<16xi32>,
      %get3A_910 = arith.constant 1 : i32
      %get3A_911 = arith.index_cast %get3A_910 : i32 to index
      %get3A_912 = arith.constant 80 : index
      %get3A_913 = tpu.vector_load %arg5[%get3A_911, %get3A_912] {strides = array<i32>} : memref<2x512xi32, #tpu.memory_space<vmem>>, vector<16xi32>,
      %add3A_914 = vector.broadcast %mul3A_859 : i32 to vector<16xi32>
      %add3A_915 = arith.addi %get3A_913, %add3A_914 : vector<16xi32>
      %swap3A_916 = arith.constant 1 : i32
      %swap3A_917 = arith.index_cast %swap3A_916 : i32 to index
      %swap3A_918 = arith.constant 80 : index
      %swap3A_919 = tpu.vector_load %arg6[%swap3A_917, %swap3A_918] {strides = array<i32>} : memref<2x512xi32, #tpu.memory_space<vmem>>, vector<16xi32>,
      tpu.vector_store %arg6[%swap3A_917, %swap3A_918], %add3A_915 {strides = array<i32>} : memref<2x512xi32, #tpu.memory_space<vmem>>, vector<16xi32>,
      %get3A_920 = arith.constant 1 : i32
      %get3A_921 = arith.index_cast %get3A_920 : i32 to index
      %get3A_922 = arith.constant 96 : index
      %get3A_923 = tpu.vector_load %arg5[%get3A_921, %get3A_922] {strides = array<i32>} : memref<2x512xi32, #tpu.memory_space<vmem>>, vector<16xi32>,
      %add3A_924 = vector.broadcast %mul3A_859 : i32 to vector<16xi32>
      %add3A_925 = arith.addi %get3A_923, %add3A_924 : vector<16xi32>
      %swap3A_926 = arith.constant 1 : i32
      %swap3A_927 = arith.index_cast %swap3A_926 : i32 to index
      %swap3A_928 = arith.constant 96 : index
      %swap3A_929 = tpu.vector_load %arg6[%swap3A_927, %swap3A_928] {strides = array<i32>} : memref<2x512xi32, #tpu.memory_space<vmem>>, vector<16xi32>,
      tpu.vector_store %arg6[%swap3A_927, %swap3A_928], %add3A_925 {strides = array<i32>} : memref<2x512xi32, #tpu.memory_space<vmem>>, vector<16xi32>,
      %get3A_930 = arith.constant 1 : i32
      %get3A_931 = arith.index_cast %get3A_930 : i32 to index
      %get3A_932 = arith.constant 112 : index
      %get3A_933 = tpu.vector_load %arg5[%get3A_931, %get3A_932] {strides = array<i32>} : memref<2x512xi32, #tpu.memory_space<vmem>>, vector<16xi32>,
      %add3A_934 = vector.broadcast %mul3A_859 : i32 to vector<16xi32>
      %add3A_935 = arith.addi %get3A_933, %add3A_934 : vector<16xi32>
      %swap3A_936 = arith.constant 1 : i32
      %swap3A_937 = arith.index_cast %swap3A_936 : i32 to index
      %swap3A_938 = arith.constant 112 : index
      %swap3A_939 = tpu.vector_load %arg6[%swap3A_937, %swap3A_938] {strides = array<i32>} : memref<2x512xi32, #tpu.memory_space<vmem>>, vector<16xi32>,
      tpu.vector_store %arg6[%swap3A_937, %swap3A_938], %add3A_935 {strides = array<i32>} : memref<2x512xi32, #tpu.memory_space<vmem>>, vector<16xi32>,
      %get3A_940 = arith.constant 1 : i32
      %get3A_941 = arith.index_cast %get3A_940 : i32 to index
      %get3A_942 = arith.constant 128 : index
      %get3A_943 = tpu.vector_load %arg5[%get3A_941, %get3A_942] {strides = array<i32>} : memref<2x512xi32, #tpu.memory_space<vmem>>, vector<16xi32>,
      %add3A_944 = vector.broadcast %mul3A_859 : i32 to vector<16xi32>
      %add3A_945 = arith.addi %get3A_943, %add3A_944 : vector<16xi32>
      %swap3A_946 = arith.constant 1 : i32
      %swap3A_947 = arith.index_cast %swap3A_946 : i32 to index
      %swap3A_948 = arith.constant 128 : index
      %swap3A_949 = tpu.vector_load %arg6[%swap3A_947, %swap3A_948] {strides = array<i32>} : memref<2x512xi32, #tpu.memory_space<vmem>>, vector<16xi32>,
      tpu.vector_store %arg6[%swap3A_947, %swap3A_948], %add3A_945 {strides = array<i32>} : memref<2x512xi32, #tpu.memory_space<vmem>>, vector<16xi32>,
      %get3A_950 = arith.constant 1 : i32
      %get3A_951 = arith.index_cast %get3A_950 : i32 to index
      %get3A_952 = arith.constant 144 : index
      %get3A_953 = tpu.vector_load %arg5[%get3A_951, %get3A_952] {strides = array<i32>} : memref<2x512xi32, #tpu.memory_space<vmem>>, vector<16xi32>,
      %add3A_954 = vector.broadcast %mul3A_859 : i32 to vector<16xi32>
      %add3A_955 = arith.addi %get3A_953, %add3A_954 : vector<16xi32>
      %swap3A_956 = arith.constant 1 : i32
      %swap3A_957 = arith.index_cast %swap3A_956 : i32 to index
      %swap3A_958 = arith.constant 144 : index
      %swap3A_959 = tpu.vector_load %arg6[%swap3A_957, %swap3A_958] {strides = array<i32>} : memref<2x512xi32, #tpu.memory_space<vmem>>, vector<16xi32>,
      tpu.vector_store %arg6[%swap3A_957, %swap3A_958], %add3A_955 {strides = array<i32>} : memref<2x512xi32, #tpu.memory_space<vmem>>, vector<16xi32>,
      %get3A_960 = arith.constant 1 : i32
      %get3A_961 = arith.index_cast %get3A_960 : i32 to index
      %get3A_962 = arith.constant 160 : index
      %get3A_963 = tpu.vector_load %arg5[%get3A_961, %get3A_962] {strides = array<i32>} : memref<2x512xi32, #tpu.memory_space<vmem>>, vector<16xi32>,
      %add3A_964 = vector.broadcast %mul3A_859 : i32 to vector<16xi32>
      %add3A_965 = arith.addi %get3A_963, %add3A_964 : vector<16xi32>
      %swap3A_966 = arith.constant 1 : i32
      %swap3A_967 = arith.index_cast %swap3A_966 : i32 to index
      %swap3A_968 = arith.constant 160 : index
      %swap3A_969 = tpu.vector_load %arg6[%swap3A_967, %swap3A_968] {strides = array<i32>} : memref<2x512xi32, #tpu.memory_space<vmem>>, vector<16xi32>,
      tpu.vector_store %arg6[%swap3A_967, %swap3A_968], %add3A_965 {strides = array<i32>} : memref<2x512xi32, #tpu.memory_space<vmem>>, vector<16xi32>,
      %get3A_970 = arith.constant 1 : i32
      %get3A_971 = arith.index_cast %get3A_970 : i32 to index
      %get3A_972 = arith.constant 176 : index
      %get3A_973 = tpu.vector_load %arg5[%get3A_971, %get3A_972] {strides = array<i32>} : memref<2x512xi32, #tpu.memory_space<vmem>>, vector<16xi32>,
      %add3A_974 = vector.broadcast %mul3A_859 : i32 to vector<16xi32>
      %add3A_975 = arith.addi %get3A_973, %add3A_974 : vector<16xi32>
      %swap3A_976 = arith.constant 1 : i32
      %swap3A_977 = arith.index_cast %swap3A_976 : i32 to index
      %swap3A_978 = arith.constant 176 : index
      %swap3A_979 = tpu.vector_load %arg6[%swap3A_977, %swap3A_978] {strides = array<i32>} : memref<2x512xi32, #tpu.memory_space<vmem>>, vector<16xi32>,
      tpu.vector_store %arg6[%swap3A_977, %swap3A_978], %add3A_975 {strides = array<i32>} : memref<2x512xi32, #tpu.memory_space<vmem>>, vector<16xi32>,
      %get3A_980 = arith.constant 1 : i32
      %get3A_981 = arith.index_cast %get3A_980 : i32 to index
      %get3A_982 = arith.constant 192 : index
      %get3A_983 = tpu.vector_load %arg5[%get3A_981, %get3A_982] {strides = array<i32>} : memref<2x512xi32, #tpu.memory_space<vmem>>, vector<16xi32>,
      %add3A_984 = vector.broadcast %mul3A_859 : i32 to vector<16xi32>
      %add3A_985 = arith.addi %get3A_983, %add3A_984 : vector<16xi32>
      %swap3A_986 = arith.constant 1 : i32
      %swap3A_987 = arith.index_cast %swap3A_986 : i32 to index
      %swap3A_988 = arith.constant 192 : index
      %swap3A_989 = tpu.vector_load %arg6[%swap3A_987, %swap3A_988] {strides = array<i32>} : memref<2x512xi32, #tpu.memory_space<vmem>>, vector<16xi32>,
      tpu.vector_store %arg6[%swap3A_987, %swap3A_988], %add3A_985 {strides = array<i32>} : memref<2x512xi32, #tpu.memory_space<vmem>>, vector<16xi32>,
      %get3A_990 = arith.constant 1 : i32
      %get3A_991 = arith.index_cast %get3A_990 : i32 to index
      %get3A_992 = arith.constant 208 : index
      %get3A_993 = tpu.vector_load %arg5[%get3A_991, %get3A_992] {strides = array<i32>} : memref<2x512xi32, #tpu.memory_space<vmem>>, vector<16xi32>,
      %add3A_994 = vector.broadcast %mul3A_859 : i32 to vector<16xi32>
      %add3A_995 = arith.addi %get3A_993, %add3A_994 : vector<16xi32>
      %swap3A_996 = arith.constant 1 : i32
      %swap3A_997 = arith.index_cast %swap3A_996 : i32 to index
      %swap3A_998 = arith.constant 208 : index
      %swap3A_999 = tpu.vector_load %arg6[%swap3A_997, %swap3A_998] {strides = array<i32>} : memref<2x512xi32, #tpu.memory_space<vmem>>, vector<16xi32>,
      tpu.vector_store %arg6[%swap3A_997, %swap3A_998], %add3A_995 {strides = array<i32>} : memref<2x512xi32, #tpu.memory_space<vmem>>, vector<16xi32>,
      %get3A_1000 = arith.constant 1 : i32
      %get3A_1001 = arith.index_cast %get3A_1000 : i32 to index
      %get3A_1002 = arith.constant 224 : index
      %get3A_1003 = tpu.vector_load %arg5[%get3A_1001, %get3A_1002] {strides = array<i32>} : memref<2x512xi32, #tpu.memory_space<vmem>>, vector<16xi32>,
      %add3A_1004 = vector.broadcast %mul3A_859 : i32 to vector<16xi32>
      %add3A_1005 = arith.addi %get3A_1003, %add3A_1004 : vector<16xi32>
      %swap3A_1006 = arith.constant 1 : i32
      %swap3A_1007 = arith.index_cast %swap3A_1006 : i32 to index
      %swap3A_1008 = arith.constant 224 : index
      %swap3A_1009 = tpu.vector_load %arg6[%swap3A_1007, %swap3A_1008] {strides = array<i32>} : memref<2x512xi32, #tpu.memory_space<vmem>>, vector<16xi32>,
      tpu.vector_store %arg6[%swap3A_1007, %swap3A_1008], %add3A_1005 {strides = array<i32>} : memref<2x512xi32, #tpu.memory_space<vmem>>, vector<16xi32>,
      %get3A_1010 = arith.constant 1 : i32
      %get3A_1011 = arith.index_cast %get3A_1010 : i32 to index
      %get3A_1012 = arith.constant 240 : index
      %get3A_1013 = tpu.vector_load %arg5[%get3A_1011, %get3A_1012] {strides = array<i32>} : memref<2x512xi32, #tpu.memory_space<vmem>>, vector<16xi32>,
      %add3A_1014 = vector.broadcast %mul3A_859 : i32 to vector<16xi32>
      %add3A_1015 = arith.addi %get3A_1013, %add3A_1014 : vector<16xi32>
      %swap3A_1016 = arith.constant 1 : i32
      %swap3A_1017 = arith.index_cast %swap3A_1016 : i32 to index
      %swap3A_1018 = arith.constant 240 : index
      %swap3A_1019 = tpu.vector_load %arg6[%swap3A_1017, %swap3A_1018] {strides = array<i32>} : memref<2x512xi32, #tpu.memory_space<vmem>>, vector<16xi32>,
      tpu.vector_store %arg6[%swap3A_1017, %swap3A_1018], %add3A_1015 {strides = array<i32>} : memref<2x512xi32, #tpu.memory_space<vmem>>, vector<16xi32>,
      %get3A_1020 = arith.constant 1 : i32
      %get3A_1021 = arith.index_cast %get3A_1020 : i32 to index
      %get3A_1022 = arith.constant 256 : index
      %get3A_1023 = tpu.vector_load %arg5[%get3A_1021, %get3A_1022] {strides = array<i32>} : memref<2x512xi32, #tpu.memory_space<vmem>>, vector<16xi32>,
      %add3A_1024 = vector.broadcast %mul3A_859 : i32 to vector<16xi32>
      %add3A_1025 = arith.addi %get3A_1023, %add3A_1024 : vector<16xi32>
      %swap3A_1026 = arith.constant 1 : i32
      %swap3A_1027 = arith.index_cast %swap3A_1026 : i32 to index
      %swap3A_1028 = arith.constant 256 : index
      %swap3A_1029 = tpu.vector_load %arg6[%swap3A_1027, %swap3A_1028] {strides = array<i32>} : memref<2x512xi32, #tpu.memory_space<vmem>>, vector<16xi32>,
      tpu.vector_store %arg6[%swap3A_1027, %swap3A_1028], %add3A_1025 {strides = array<i32>} : memref<2x512xi32, #tpu.memory_space<vmem>>, vector<16xi32>,
      %get3A_1030 = arith.constant 1 : i32
      %get3A_1031 = arith.index_cast %get3A_1030 : i32 to index
      %get3A_1032 = arith.constant 272 : index
      %get3A_1033 = tpu.vector_load %arg5[%get3A_1031, %get3A_1032] {strides = array<i32>} : memref<2x512xi32, #tpu.memory_space<vmem>>, vector<16xi32>,
      %add3A_1034 = vector.broadcast %mul3A_859 : i32 to vector<16xi32>
      %add3A_1035 = arith.addi %get3A_1033, %add3A_1034 : vector<16xi32>
      %swap3A_1036 = arith.constant 1 : i32
      %swap3A_1037 = arith.index_cast %swap3A_1036 : i32 to index
      %swap3A_1038 = arith.constant 272 : index
      %swap3A_1039 = tpu.vector_load %arg6[%swap3A_1037, %swap3A_1038] {strides = array<i32>} : memref<2x512xi32, #tpu.memory_space<vmem>>, vector<16xi32>,
      tpu.vector_store %arg6[%swap3A_1037, %swap3A_1038], %add3A_1035 {strides = array<i32>} : memref<2x512xi32, #tpu.memory_space<vmem>>, vector<16xi32>,
      %get3A_1040 = arith.constant 1 : i32
      %get3A_1041 = arith.index_cast %get3A_1040 : i32 to index
      %get3A_1042 = arith.constant 288 : index
      %get3A_1043 = tpu.vector_load %arg5[%get3A_1041, %get3A_1042] {strides = array<i32>} : memref<2x512xi32, #tpu.memory_space<vmem>>, vector<16xi32>,
      %add3A_1044 = vector.broadcast %mul3A_859 : i32 to vector<16xi32>
      %add3A_1045 = arith.addi %get3A_1043, %add3A_1044 : vector<16xi32>
      %swap3A_1046 = arith.constant 1 : i32
      %swap3A_1047 = arith.index_cast %swap3A_1046 : i32 to index
      %swap3A_1048 = arith.constant 288 : index
      %swap3A_1049 = tpu.vector_load %arg6[%swap3A_1047, %swap3A_1048] {strides = array<i32>} : memref<2x512xi32, #tpu.memory_space<vmem>>, vector<16xi32>,
      tpu.vector_store %arg6[%swap3A_1047, %swap3A_1048], %add3A_1045 {strides = array<i32>} : memref<2x512xi32, #tpu.memory_space<vmem>>, vector<16xi32>,
      %get3A_1050 = arith.constant 1 : i32
      %get3A_1051 = arith.index_cast %get3A_1050 : i32 to index
      %get3A_1052 = arith.constant 304 : index
      %get3A_1053 = tpu.vector_load %arg5[%get3A_1051, %get3A_1052] {strides = array<i32>} : memref<2x512xi32, #tpu.memory_space<vmem>>, vector<16xi32>,
      %add3A_1054 = vector.broadcast %mul3A_859 : i32 to vector<16xi32>
      %add3A_1055 = arith.addi %get3A_1053, %add3A_1054 : vector<16xi32>
      %swap3A_1056 = arith.constant 1 : i32
      %swap3A_1057 = arith.index_cast %swap3A_1056 : i32 to index
      %swap3A_1058 = arith.constant 304 : index
      %swap3A_1059 = tpu.vector_load %arg6[%swap3A_1057, %swap3A_1058] {strides = array<i32>} : memref<2x512xi32, #tpu.memory_space<vmem>>, vector<16xi32>,
      tpu.vector_store %arg6[%swap3A_1057, %swap3A_1058], %add3A_1055 {strides = array<i32>} : memref<2x512xi32, #tpu.memory_space<vmem>>, vector<16xi32>,
      %get3A_1060 = arith.constant 1 : i32
      %get3A_1061 = arith.index_cast %get3A_1060 : i32 to index
      %get3A_1062 = arith.constant 320 : index
      %get3A_1063 = tpu.vector_load %arg5[%get3A_1061, %get3A_1062] {strides = array<i32>} : memref<2x512xi32, #tpu.memory_space<vmem>>, vector<16xi32>,
      %add3A_1064 = vector.broadcast %mul3A_859 : i32 to vector<16xi32>
      %add3A_1065 = arith.addi %get3A_1063, %add3A_1064 : vector<16xi32>
      %swap3A_1066 = arith.constant 1 : i32
      %swap3A_1067 = arith.index_cast %swap3A_1066 : i32 to index
      %swap3A_1068 = arith.constant 320 : index
      %swap3A_1069 = tpu.vector_load %arg6[%swap3A_1067, %swap3A_1068] {strides = array<i32>} : memref<2x512xi32, #tpu.memory_space<vmem>>, vector<16xi32>,
      tpu.vector_store %arg6[%swap3A_1067, %swap3A_1068], %add3A_1065 {strides = array<i32>} : memref<2x512xi32, #tpu.memory_space<vmem>>, vector<16xi32>,
      %get3A_1070 = arith.constant 1 : i32
      %get3A_1071 = arith.index_cast %get3A_1070 : i32 to index
      %get3A_1072 = arith.constant 336 : index
      %get3A_1073 = tpu.vector_load %arg5[%get3A_1071, %get3A_1072] {strides = array<i32>} : memref<2x512xi32, #tpu.memory_space<vmem>>, vector<16xi32>,
      %add3A_1074 = vector.broadcast %mul3A_859 : i32 to vector<16xi32>
      %add3A_1075 = arith.addi %get3A_1073, %add3A_1074 : vector<16xi32>
      %swap3A_1076 = arith.constant 1 : i32
      %swap3A_1077 = arith.index_cast %swap3A_1076 : i32 to index
      %swap3A_1078 = arith.constant 336 : index
      %swap3A_1079 = tpu.vector_load %arg6[%swap3A_1077, %swap3A_1078] {strides = array<i32>} : memref<2x512xi32, #tpu.memory_space<vmem>>, vector<16xi32>,
      tpu.vector_store %arg6[%swap3A_1077, %swap3A_1078], %add3A_1075 {strides = array<i32>} : memref<2x512xi32, #tpu.memory_space<vmem>>, vector<16xi32>,
      %get3A_1080 = arith.constant 1 : i32
      %get3A_1081 = arith.index_cast %get3A_1080 : i32 to index
      %get3A_1082 = arith.constant 352 : index
      %get3A_1083 = tpu.vector_load %arg5[%get3A_1081, %get3A_1082] {strides = array<i32>} : memref<2x512xi32, #tpu.memory_space<vmem>>, vector<16xi32>,
      %add3A_1084 = vector.broadcast %mul3A_859 : i32 to vector<16xi32>
      %add3A_1085 = arith.addi %get3A_1083, %add3A_1084 : vector<16xi32>
      %swap3A_1086 = arith.constant 1 : i32
      %swap3A_1087 = arith.index_cast %swap3A_1086 : i32 to index
      %swap3A_1088 = arith.constant 352 : index
      %swap3A_1089 = tpu.vector_load %arg6[%swap3A_1087, %swap3A_1088] {strides = array<i32>} : memref<2x512xi32, #tpu.memory_space<vmem>>, vector<16xi32>,
      tpu.vector_store %arg6[%swap3A_1087, %swap3A_1088], %add3A_1085 {strides = array<i32>} : memref<2x512xi32, #tpu.memory_space<vmem>>, vector<16xi32>,
      %get3A_1090 = arith.constant 1 : i32
      %get3A_1091 = arith.index_cast %get3A_1090 : i32 to index
      %get3A_1092 = arith.constant 368 : index
      %get3A_1093 = tpu.vector_load %arg5[%get3A_1091, %get3A_1092] {strides = array<i32>} : memref<2x512xi32, #tpu.memory_space<vmem>>, vector<16xi32>,
      %add3A_1094 = vector.broadcast %mul3A_859 : i32 to vector<16xi32>
      %add3A_1095 = arith.addi %get3A_1093, %add3A_1094 : vector<16xi32>
      %swap3A_1096 = arith.constant 1 : i32
      %swap3A_1097 = arith.index_cast %swap3A_1096 : i32 to index
      %swap3A_1098 = arith.constant 368 : index
      %swap3A_1099 = tpu.vector_load %arg6[%swap3A_1097, %swap3A_1098] {strides = array<i32>} : memref<2x512xi32, #tpu.memory_space<vmem>>, vector<16xi32>,
      tpu.vector_store %arg6[%swap3A_1097, %swap3A_1098], %add3A_1095 {strides = array<i32>} : memref<2x512xi32, #tpu.memory_space<vmem>>, vector<16xi32>,
      %get3A_1100 = arith.constant 1 : i32
      %get3A_1101 = arith.index_cast %get3A_1100 : i32 to index
      %get3A_1102 = arith.constant 384 : index
      %get3A_1103 = tpu.vector_load %arg5[%get3A_1101, %get3A_1102] {strides = array<i32>} : memref<2x512xi32, #tpu.memory_space<vmem>>, vector<16xi32>,
      %add3A_1104 = vector.broadcast %mul3A_859 : i32 to vector<16xi32>
      %add3A_1105 = arith.addi %get3A_1103, %add3A_1104 : vector<16xi32>
      %swap3A_1106 = arith.constant 1 : i32
      %swap3A_1107 = arith.index_cast %swap3A_1106 : i32 to index
      %swap3A_1108 = arith.constant 384 : index
      %swap3A_1109 = tpu.vector_load %arg6[%swap3A_1107, %swap3A_1108] {strides = array<i32>} : memref<2x512xi32, #tpu.memory_space<vmem>>, vector<16xi32>,
      tpu.vector_store %arg6[%swap3A_1107, %swap3A_1108], %add3A_1105 {strides = array<i32>} : memref<2x512xi32, #tpu.memory_space<vmem>>, vector<16xi32>,
      %get3A_1110 = arith.constant 1 : i32
      %get3A_1111 = arith.index_cast %get3A_1110 : i32 to index
      %get3A_1112 = arith.constant 400 : index
      %get3A_1113 = tpu.vector_load %arg5[%get3A_1111, %get3A_1112] {strides = array<i32>} : memref<2x512xi32, #tpu.memory_space<vmem>>, vector<16xi32>,
      %add3A_1114 = vector.broadcast %mul3A_859 : i32 to vector<16xi32>
      %add3A_1115 = arith.addi %get3A_1113, %add3A_1114 : vector<16xi32>
      %swap3A_1116 = arith.constant 1 : i32
      %swap3A_1117 = arith.index_cast %swap3A_1116 : i32 to index
      %swap3A_1118 = arith.constant 400 : index
      %swap3A_1119 = tpu.vector_load %arg6[%swap3A_1117, %swap3A_1118] {strides = array<i32>} : memref<2x512xi32, #tpu.memory_space<vmem>>, vector<16xi32>,
      tpu.vector_store %arg6[%swap3A_1117, %swap3A_1118], %add3A_1115 {strides = array<i32>} : memref<2x512xi32, #tpu.memory_space<vmem>>, vector<16xi32>,
      %get3A_1120 = arith.constant 1 : i32
      %get3A_1121 = arith.index_cast %get3A_1120 : i32 to index
      %get3A_1122 = arith.constant 416 : index
      %get3A_1123 = tpu.vector_load %arg5[%get3A_1121, %get3A_1122] {strides = array<i32>} : memref<2x512xi32, #tpu.memory_space<vmem>>, vector<16xi32>,
      %add3A_1124 = vector.broadcast %mul3A_859 : i32 to vector<16xi32>
      %add3A_1125 = arith.addi %get3A_1123, %add3A_1124 : vector<16xi32>
      %swap3A_1126 = arith.constant 1 : i32
      %swap3A_1127 = arith.index_cast %swap3A_1126 : i32 to index
      %swap3A_1128 = arith.constant 416 : index
      %swap3A_1129 = tpu.vector_load %arg6[%swap3A_1127, %swap3A_1128] {strides = array<i32>} : memref<2x512xi32, #tpu.memory_space<vmem>>, vector<16xi32>,
      tpu.vector_store %arg6[%swap3A_1127, %swap3A_1128], %add3A_1125 {strides = array<i32>} : memref<2x512xi32, #tpu.memory_space<vmem>>, vector<16xi32>,
      %get3A_1130 = arith.constant 1 : i32
      %get3A_1131 = arith.index_cast %get3A_1130 : i32 to index
      %get3A_1132 = arith.constant 432 : index
      %get3A_1133 = tpu.vector_load %arg5[%get3A_1131, %get3A_1132] {strides = array<i32>} : memref<2x512xi32, #tpu.memory_space<vmem>>, vector<16xi32>,
      %add3A_1134 = vector.broadcast %mul3A_859 : i32 to vector<16xi32>
      %add3A_1135 = arith.addi %get3A_1133, %add3A_1134 : vector<16xi32>
      %swap3A_1136 = arith.constant 1 : i32
      %swap3A_1137 = arith.index_cast %swap3A_1136 : i32 to index
      %swap3A_1138 = arith.constant 432 : index
      %swap3A_1139 = tpu.vector_load %arg6[%swap3A_1137, %swap3A_1138] {strides = array<i32>} : memref<2x512xi32, #tpu.memory_space<vmem>>, vector<16xi32>,
      tpu.vector_store %arg6[%swap3A_1137, %swap3A_1138], %add3A_1135 {strides = array<i32>} : memref<2x512xi32, #tpu.memory_space<vmem>>, vector<16xi32>,
      %get3A_1140 = arith.constant 1 : i32
      %get3A_1141 = arith.index_cast %get3A_1140 : i32 to index
      %get3A_1142 = arith.constant 448 : index
      %get3A_1143 = tpu.vector_load %arg5[%get3A_1141, %get3A_1142] {strides = array<i32>} : memref<2x512xi32, #tpu.memory_space<vmem>>, vector<16xi32>,
      %add3A_1144 = vector.broadcast %mul3A_859 : i32 to vector<16xi32>
      %add3A_1145 = arith.addi %get3A_1143, %add3A_1144 : vector<16xi32>
      %swap3A_1146 = arith.constant 1 : i32
      %swap3A_1147 = arith.index_cast %swap3A_1146 : i32 to index
      %swap3A_1148 = arith.constant 448 : index
      %swap3A_1149 = tpu.vector_load %arg6[%swap3A_1147, %swap3A_1148] {strides = array<i32>} : memref<2x512xi32, #tpu.memory_space<vmem>>, vector<16xi32>,
      tpu.vector_store %arg6[%swap3A_1147, %swap3A_1148], %add3A_1145 {strides = array<i32>} : memref<2x512xi32, #tpu.memory_space<vmem>>, vector<16xi32>,
      %get3A_1150 = arith.constant 1 : i32
      %get3A_1151 = arith.index_cast %get3A_1150 : i32 to index
      %get3A_1152 = arith.constant 464 : index
      %get3A_1153 = tpu.vector_load %arg5[%get3A_1151, %get3A_1152] {strides = array<i32>} : memref<2x512xi32, #tpu.memory_space<vmem>>, vector<16xi32>,
      %add3A_1154 = vector.broadcast %mul3A_859 : i32 to vector<16xi32>
      %add3A_1155 = arith.addi %get3A_1153, %add3A_1154 : vector<16xi32>
      %swap3A_1156 = arith.constant 1 : i32
      %swap3A_1157 = arith.index_cast %swap3A_1156 : i32 to index
      %swap3A_1158 = arith.constant 464 : index
      %swap3A_1159 = tpu.vector_load %arg6[%swap3A_1157, %swap3A_1158] {strides = array<i32>} : memref<2x512xi32, #tpu.memory_space<vmem>>, vector<16xi32>,
      tpu.vector_store %arg6[%swap3A_1157, %swap3A_1158], %add3A_1155 {strides = array<i32>} : memref<2x512xi32, #tpu.memory_space<vmem>>, vector<16xi32>,
      %get3A_1160 = arith.constant 1 : i32
      %get3A_1161 = arith.index_cast %get3A_1160 : i32 to index
      %get3A_1162 = arith.constant 480 : index
      %get3A_1163 = tpu.vector_load %arg5[%get3A_1161, %get3A_1162] {strides = array<i32>} : memref<2x512xi32, #tpu.memory_space<vmem>>, vector<16xi32>,
      %add3A_1164 = vector.broadcast %mul3A_859 : i32 to vector<16xi32>
      %add3A_1165 = arith.addi %get3A_1163, %add3A_1164 : vector<16xi32>
      %swap3A_1166 = arith.constant 1 : i32
      %swap3A_1167 = arith.index_cast %swap3A_1166 : i32 to index
      %swap3A_1168 = arith.constant 480 : index
      %swap3A_1169 = tpu.vector_load %arg6[%swap3A_1167, %swap3A_1168] {strides = array<i32>} : memref<2x512xi32, #tpu.memory_space<vmem>>, vector<16xi32>,
      tpu.vector_store %arg6[%swap3A_1167, %swap3A_1168], %add3A_1165 {strides = array<i32>} : memref<2x512xi32, #tpu.memory_space<vmem>>, vector<16xi32>,
      %get3A_1170 = arith.constant 1 : i32
      %get3A_1171 = arith.index_cast %get3A_1170 : i32 to index
      %get3A_1172 = arith.constant 496 : index
      %get3A_1173 = tpu.vector_load %arg5[%get3A_1171, %get3A_1172] {strides = array<i32>} : memref<2x512xi32, #tpu.memory_space<vmem>>, vector<16xi32>,
      %add3A_1174 = vector.broadcast %mul3A_859 : i32 to vector<16xi32>
      %add3A_1175 = arith.addi %get3A_1173, %add3A_1174 : vector<16xi32>
      %swap3A_1176 = arith.constant 1 : i32
      %swap3A_1177 = arith.index_cast %swap3A_1176 : i32 to index
      %swap3A_1178 = arith.constant 496 : index
      %swap3A_1179 = tpu.vector_load %arg6[%swap3A_1177, %swap3A_1178] {strides = array<i32>} : memref<2x512xi32, #tpu.memory_space<vmem>>, vector<16xi32>,
      tpu.vector_store %arg6[%swap3A_1177, %swap3A_1178], %add3A_1175 {strides = array<i32>} : memref<2x512xi32, #tpu.memory_space<vmem>>, vector<16xi32>,
      %ge3A_1180 = arith.constant 3 : i32
      %ge3A_1181 = arith.cmpi sge, %add3A_839, %ge3A_1180 : i32
      %convert_element_type3A_1182 = arith.extui %ge3A_1181 : i1 to i32
      %cond3A_1183 = arith.constant 0 : i32
      %cond3A_1184 = arith.cmpi ne, %convert_element_type3A_1182, %cond3A_1183 : i32
      scf.if %cond3A_1184 {
        %sub3A = arith.constant 3 : i32
        %sub3A_1244 = arith.subi %add3A_839, %sub3A : i32
        %dma_wait3A_1245 = arith.constant 0 : i32
        %dma_wait3A_1246 = arith.constant 0 : i32
        %dma_wait3A_1247 = arith.constant 0 : i32
        %dma_wait3A_1248 = arith.constant 0 : i32
        %dma_wait3A_1249 = arith.constant 0 : i32
        %dma_wait3A_1250 = arith.constant 0 : i32
        %dma_wait3A_1251 = tpu.memref_slice %arg8[%dma_wait3A_1245, %dma_wait3A_1246, %dma_wait3A_1248, %dma_wait3A_1249, %dma_wait3A_1250] : memref<2x4x4x8x136xf32, #tpu.memory_space<vmem>> -> memref<1x1x4x8x128xf32, #tpu.memory_space<vmem>>
        %dma_wait3A_1252 = tpu.memref_squeeze %dma_wait3A_1251 : memref<1x1x4x8x128xf32, #tpu.memory_space<vmem>> -> memref<4x8x128xf32, #tpu.memory_space<vmem>>
        %dma_wait3A_1253 = arith.constant 0 : i32
        %dma_wait3A_1254 = arith.constant 0 : i32
        %dma_wait3A_1255 = tpu.memref_slice %arg4[%sub3A_1244, %dma_wait3A_1247, %mul3A_4, %dma_wait3A_1253, %dma_wait3A_1254] : memref<100x4x128x8x128xf32, #tpu.memory_space<hbm>> -> memref<1x1x4x8x128xf32, #tpu.memory_space<hbm>>
        %dma_wait3A_1256 = tpu.memref_squeeze %dma_wait3A_1255 : memref<1x1x4x8x128xf32, #tpu.memory_space<hbm>> -> memref<4x8x128xf32, #tpu.memory_space<hbm>>
        %dma_wait3A_1257 = arith.constant 0 : i32
        %dma_wait3A_1258 = arith.constant 0 : i32
        %dma_wait3A_1259 = tpu.memref_slice %arg4[%sub3A_1244, %dma_wait3A_1247, %mul3A_4, %dma_wait3A_1257, %dma_wait3A_1258] : memref<100x4x128x8x128xf32, #tpu.memory_space<hbm>> -> memref<1x1x4x8x128xf32, #tpu.memory_space<hbm>>
        %dma_wait3A_1260 = tpu.memref_squeeze %dma_wait3A_1259 : memref<1x1x4x8x128xf32, #tpu.memory_space<hbm>> -> memref<4x8x128xf32, #tpu.memory_space<hbm>>
        %dma_wait3A_1261 = arith.constant 0 : i32
        %dma_wait3A_1262 = arith.constant 0 : i32
        %dma_wait3A_1263 = arith.constant 0 : i32
        %dma_wait3A_1264 = tpu.memref_slice %arg8[%dma_wait3A_1245, %dma_wait3A_1246, %dma_wait3A_1261, %dma_wait3A_1262, %dma_wait3A_1263] : memref<2x4x4x8x136xf32, #tpu.memory_space<vmem>> -> memref<1x1x4x8x128xf32, #tpu.memory_space<vmem>>
        %dma_wait3A_1265 = tpu.memref_squeeze %dma_wait3A_1264 : memref<1x1x4x8x128xf32, #tpu.memory_space<vmem>> -> memref<4x8x128xf32, #tpu.memory_space<vmem>>
        tpu.wait_dma2 semaphore(%arg13 : memref<!tpu.dma_semaphore, #tpu.memory_space<semaphore_mem>>) src(%dma_wait3A_1265 : memref<4x8x128xf32, #tpu.memory_space<vmem>>) dst(%dma_wait3A_1260 : memref<4x8x128xf32, #tpu.memory_space<hbm>>)
        %dma_wait3A_1266 = arith.constant 0 : i32
        %dma_wait3A_1267 = arith.constant 1 : i32
        %dma_wait3A_1268 = arith.constant 1 : i32
        %dma_wait3A_1269 = arith.constant 0 : i32
        %dma_wait3A_1270 = arith.constant 0 : i32
        %dma_wait3A_1271 = arith.constant 0 : i32
        %dma_wait3A_1272 = tpu.memref_slice %arg8[%dma_wait3A_1266, %dma_wait3A_1267, %dma_wait3A_1269, %dma_wait3A_1270, %dma_wait3A_1271] : memref<2x4x4x8x136xf32, #tpu.memory_space<vmem>> -> memref<1x1x4x8x128xf32, #tpu.memory_space<vmem>>
        %dma_wait3A_1273 = tpu.memref_squeeze %dma_wait3A_1272 : memref<1x1x4x8x128xf32, #tpu.memory_space<vmem>> -> memref<4x8x128xf32, #tpu.memory_space<vmem>>
        %dma_wait3A_1274 = arith.constant 0 : i32
        %dma_wait3A_1275 = arith.constant 0 : i32
        %dma_wait3A_1276 = tpu.memref_slice %arg4[%sub3A_1244, %dma_wait3A_1268, %mul3A_4, %dma_wait3A_1274, %dma_wait3A_1275] : memref<100x4x128x8x128xf32, #tpu.memory_space<hbm>> -> memref<1x1x4x8x128xf32, #tpu.memory_space<hbm>>
        %dma_wait3A_1277 = tpu.memref_squeeze %dma_wait3A_1276 : memref<1x1x4x8x128xf32, #tpu.memory_space<hbm>> -> memref<4x8x128xf32, #tpu.memory_space<hbm>>
        %dma_wait3A_1278 = arith.constant 0 : i32
        %dma_wait3A_1279 = arith.constant 0 : i32
        %dma_wait3A_1280 = tpu.memref_slice %arg4[%sub3A_1244, %dma_wait3A_1268, %mul3A_4, %dma_wait3A_1278, %dma_wait3A_1279] : memref<100x4x128x8x128xf32, #tpu.memory_space<hbm>> -> memref<1x1x4x8x128xf32, #tpu.memory_space<hbm>>
        %dma_wait3A_1281 = tpu.memref_squeeze %dma_wait3A_1280 : memref<1x1x4x8x128xf32, #tpu.memory_space<hbm>> -> memref<4x8x128xf32, #tpu.memory_space<hbm>>
        %dma_wait3A_1282 = arith.constant 0 : i32
        %dma_wait3A_1283 = arith.constant 0 : i32
        %dma_wait3A_1284 = arith.constant 0 : i32
        %dma_wait3A_1285 = tpu.memref_slice %arg8[%dma_wait3A_1266, %dma_wait3A_1267, %dma_wait3A_1282, %dma_wait3A_1283, %dma_wait3A_1284] : memref<2x4x4x8x136xf32, #tpu.memory_space<vmem>> -> memref<1x1x4x8x128xf32, #tpu.memory_space<vmem>>
        %dma_wait3A_1286 = tpu.memref_squeeze %dma_wait3A_1285 : memref<1x1x4x8x128xf32, #tpu.memory_space<vmem>> -> memref<4x8x128xf32, #tpu.memory_space<vmem>>
        tpu.wait_dma2 semaphore(%arg13 : memref<!tpu.dma_semaphore, #tpu.memory_space<semaphore_mem>>) src(%dma_wait3A_1286 : memref<4x8x128xf32, #tpu.memory_space<vmem>>) dst(%dma_wait3A_1281 : memref<4x8x128xf32, #tpu.memory_space<hbm>>)
        %dma_wait3A_1287 = arith.constant 0 : i32
        %dma_wait3A_1288 = arith.constant 2 : i32
        %dma_wait3A_1289 = arith.constant 2 : i32
        %dma_wait3A_1290 = arith.constant 0 : i32
        %dma_wait3A_1291 = arith.constant 0 : i32
        %dma_wait3A_1292 = arith.constant 0 : i32
        %dma_wait3A_1293 = tpu.memref_slice %arg8[%dma_wait3A_1287, %dma_wait3A_1288, %dma_wait3A_1290, %dma_wait3A_1291, %dma_wait3A_1292] : memref<2x4x4x8x136xf32, #tpu.memory_space<vmem>> -> memref<1x1x4x8x128xf32, #tpu.memory_space<vmem>>
        %dma_wait3A_1294 = tpu.memref_squeeze %dma_wait3A_1293 : memref<1x1x4x8x128xf32, #tpu.memory_space<vmem>> -> memref<4x8x128xf32, #tpu.memory_space<vmem>>
        %dma_wait3A_1295 = arith.constant 0 : i32
        %dma_wait3A_1296 = arith.constant 0 : i32
        %dma_wait3A_1297 = tpu.memref_slice %arg4[%sub3A_1244, %dma_wait3A_1289, %mul3A_4, %dma_wait3A_1295, %dma_wait3A_1296] : memref<100x4x128x8x128xf32, #tpu.memory_space<hbm>> -> memref<1x1x4x8x128xf32, #tpu.memory_space<hbm>>
        %dma_wait3A_1298 = tpu.memref_squeeze %dma_wait3A_1297 : memref<1x1x4x8x128xf32, #tpu.memory_space<hbm>> -> memref<4x8x128xf32, #tpu.memory_space<hbm>>
        %dma_wait3A_1299 = arith.constant 0 : i32
        %dma_wait3A_1300 = arith.constant 0 : i32
        %dma_wait3A_1301 = tpu.memref_slice %arg4[%sub3A_1244, %dma_wait3A_1289, %mul3A_4, %dma_wait3A_1299, %dma_wait3A_1300] : memref<100x4x128x8x128xf32, #tpu.memory_space<hbm>> -> memref<1x1x4x8x128xf32, #tpu.memory_space<hbm>>
        %dma_wait3A_1302 = tpu.memref_squeeze %dma_wait3A_1301 : memref<1x1x4x8x128xf32, #tpu.memory_space<hbm>> -> memref<4x8x128xf32, #tpu.memory_space<hbm>>
        %dma_wait3A_1303 = arith.constant 0 : i32
        %dma_wait3A_1304 = arith.constant 0 : i32
        %dma_wait3A_1305 = arith.constant 0 : i32
        %dma_wait3A_1306 = tpu.memref_slice %arg8[%dma_wait3A_1287, %dma_wait3A_1288, %dma_wait3A_1303, %dma_wait3A_1304, %dma_wait3A_1305] : memref<2x4x4x8x136xf32, #tpu.memory_space<vmem>> -> memref<1x1x4x8x128xf32, #tpu.memory_space<vmem>>
        %dma_wait3A_1307 = tpu.memref_squeeze %dma_wait3A_1306 : memref<1x1x4x8x128xf32, #tpu.memory_space<vmem>> -> memref<4x8x128xf32, #tpu.memory_space<vmem>>
        tpu.wait_dma2 semaphore(%arg13 : memref<!tpu.dma_semaphore, #tpu.memory_space<semaphore_mem>>) src(%dma_wait3A_1307 : memref<4x8x128xf32, #tpu.memory_space<vmem>>) dst(%dma_wait3A_1302 : memref<4x8x128xf32, #tpu.memory_space<hbm>>)
        %dma_wait3A_1308 = arith.constant 0 : i32
        %dma_wait3A_1309 = arith.constant 3 : i32
        %dma_wait3A_1310 = arith.constant 3 : i32
        %dma_wait3A_1311 = arith.constant 0 : i32
        %dma_wait3A_1312 = arith.constant 0 : i32
        %dma_wait3A_1313 = arith.constant 0 : i32
        %dma_wait3A_1314 = tpu.memref_slice %arg8[%dma_wait3A_1308, %dma_wait3A_1309, %dma_wait3A_1311, %dma_wait3A_1312, %dma_wait3A_1313] : memref<2x4x4x8x136xf32, #tpu.memory_space<vmem>> -> memref<1x1x4x8x128xf32, #tpu.memory_space<vmem>>
        %dma_wait3A_1315 = tpu.memref_squeeze %dma_wait3A_1314 : memref<1x1x4x8x128xf32, #tpu.memory_space<vmem>> -> memref<4x8x128xf32, #tpu.memory_space<vmem>>
        %dma_wait3A_1316 = arith.constant 0 : i32
        %dma_wait3A_1317 = arith.constant 0 : i32
        %dma_wait3A_1318 = tpu.memref_slice %arg4[%sub3A_1244, %dma_wait3A_1310, %mul3A_4, %dma_wait3A_1316, %dma_wait3A_1317] : memref<100x4x128x8x128xf32, #tpu.memory_space<hbm>> -> memref<1x1x4x8x128xf32, #tpu.memory_space<hbm>>
        %dma_wait3A_1319 = tpu.memref_squeeze %dma_wait3A_1318 : memref<1x1x4x8x128xf32, #tpu.memory_space<hbm>> -> memref<4x8x128xf32, #tpu.memory_space<hbm>>
        %dma_wait3A_1320 = arith.constant 0 : i32
        %dma_wait3A_1321 = arith.constant 0 : i32
        %dma_wait3A_1322 = tpu.memref_slice %arg4[%sub3A_1244, %dma_wait3A_1310, %mul3A_4, %dma_wait3A_1320, %dma_wait3A_1321] : memref<100x4x128x8x128xf32, #tpu.memory_space<hbm>> -> memref<1x1x4x8x128xf32, #tpu.memory_space<hbm>>
        %dma_wait3A_1323 = tpu.memref_squeeze %dma_wait3A_1322 : memref<1x1x4x8x128xf32, #tpu.memory_space<hbm>> -> memref<4x8x128xf32, #tpu.memory_space<hbm>>
        %dma_wait3A_1324 = arith.constant 0 : i32
        %dma_wait3A_1325 = arith.constant 0 : i32
        %dma_wait3A_1326 = arith.constant 0 : i32
        %dma_wait3A_1327 = tpu.memref_slice %arg8[%dma_wait3A_1308, %dma_wait3A_1309, %dma_wait3A_1324, %dma_wait3A_1325, %dma_wait3A_1326] : memref<2x4x4x8x136xf32, #tpu.memory_space<vmem>> -> memref<1x1x4x8x128xf32, #tpu.memory_space<vmem>>
        %dma_wait3A_1328 = tpu.memref_squeeze %dma_wait3A_1327 : memref<1x1x4x8x128xf32, #tpu.memory_space<vmem>> -> memref<4x8x128xf32, #tpu.memory_space<vmem>>
        tpu.wait_dma2 semaphore(%arg13 : memref<!tpu.dma_semaphore, #tpu.memory_space<semaphore_mem>>) src(%dma_wait3A_1328 : memref<4x8x128xf32, #tpu.memory_space<vmem>>) dst(%dma_wait3A_1323 : memref<4x8x128xf32, #tpu.memory_space<hbm>>)
      } else {
      }
      %ge3A_1185 = arith.constant 1 : i32
      %ge3A_1186 = arith.cmpi sge, %add3A_839, %ge3A_1185 : i32
      %convert_element_type3A_1187 = arith.extui %ge3A_1186 : i1 to i32
      %cond3A_1188 = arith.constant 0 : i32
      %cond3A_1189 = arith.cmpi ne, %convert_element_type3A_1187, %cond3A_1188 : i32
      scf.if %cond3A_1189 {
        %dma_wait3A_1244 = arith.constant 0 : i32
        %dma_wait3A_1245 = arith.constant 0 : i32
        %dma_wait3A_1246 = arith.constant 0 : i32
        %dma_wait3A_1247 = arith.constant 0 : i32
        %dma_wait3A_1248 = tpu.memref_slice %arg7[%dma_wait3A_1245, %dma_wait3A_1246, %dma_wait3A_1247] : memref<2x512x32xf32, #tpu.memory_space<vmem>> -> memref<1x128x32xf32, #tpu.memory_space<vmem>>
        %dma_wait3A_1249 = tpu.memref_squeeze %dma_wait3A_1248 : memref<1x128x32xf32, #tpu.memory_space<vmem>> -> memref<128x32xf32, #tpu.memory_space<vmem>>
        %dma_wait3A_1250 = arith.constant 0 : i32
        %dma_wait3A_1251 = tpu.memref_slice %arg6[%dma_wait3A_1244, %dma_wait3A_1250] : memref<2x512xi32, #tpu.memory_space<vmem>> -> memref<1x128xi32, #tpu.memory_space<vmem>>
        %dma_wait3A_1252 = tpu.memref_squeeze %dma_wait3A_1251 : memref<1x128xi32, #tpu.memory_space<vmem>> -> memref<128xi32, #tpu.memory_space<vmem>>
        %dma_wait3A_1253 = arith.constant 0 : i32
        %dma_wait3A_1254 = arith.constant 0 : i32
        %dma_wait3A_1255 = tpu.memref_slice %arg3[%dma_wait3A_1253, %dma_wait3A_1254] : memref<1000000x32xf32, #tpu.memory_space<hbm>> -> memref<1000000x32xf32, #tpu.memory_space<hbm>>
        tpu.wait_indirect_dma semaphore(%arg11 : memref<!tpu.dma_semaphore, #tpu.memory_space<semaphore_mem>>) src(%dma_wait3A_1255 : memref<1000000x32xf32, #tpu.memory_space<hbm>>) dst(%dma_wait3A_1249 : memref<128x32xf32, #tpu.memory_space<vmem>>)
        %dma_wait3A_1256 = arith.constant 0 : i32
        %dma_wait3A_1257 = arith.constant 0 : i32
        %dma_wait3A_1258 = arith.constant 128 : i32
        %dma_wait3A_1259 = arith.constant 0 : i32
        %dma_wait3A_1260 = tpu.memref_slice %arg7[%dma_wait3A_1257, %dma_wait3A_1258, %dma_wait3A_1259] : memref<2x512x32xf32, #tpu.memory_space<vmem>> -> memref<1x128x32xf32, #tpu.memory_space<vmem>>
        %dma_wait3A_1261 = tpu.memref_squeeze %dma_wait3A_1260 : memref<1x128x32xf32, #tpu.memory_space<vmem>> -> memref<128x32xf32, #tpu.memory_space<vmem>>
        %dma_wait3A_1262 = arith.constant 128 : i32
        %dma_wait3A_1263 = tpu.memref_slice %arg6[%dma_wait3A_1256, %dma_wait3A_1262] : memref<2x512xi32, #tpu.memory_space<vmem>> -> memref<1x128xi32, #tpu.memory_space<vmem>>
        %dma_wait3A_1264 = tpu.memref_squeeze %dma_wait3A_1263 : memref<1x128xi32, #tpu.memory_space<vmem>> -> memref<128xi32, #tpu.memory_space<vmem>>
        %dma_wait3A_1265 = arith.constant 0 : i32
        %dma_wait3A_1266 = arith.constant 0 : i32
        %dma_wait3A_1267 = tpu.memref_slice %arg3[%dma_wait3A_1265, %dma_wait3A_1266] : memref<1000000x32xf32, #tpu.memory_space<hbm>> -> memref<1000000x32xf32, #tpu.memory_space<hbm>>
        tpu.wait_indirect_dma semaphore(%arg11 : memref<!tpu.dma_semaphore, #tpu.memory_space<semaphore_mem>>) src(%dma_wait3A_1267 : memref<1000000x32xf32, #tpu.memory_space<hbm>>) dst(%dma_wait3A_1261 : memref<128x32xf32, #tpu.memory_space<vmem>>)
        %dma_wait3A_1268 = arith.constant 0 : i32
        %dma_wait3A_1269 = arith.constant 0 : i32
        %dma_wait3A_1270 = arith.constant 256 : i32
        %dma_wait3A_1271 = arith.constant 0 : i32
        %dma_wait3A_1272 = tpu.memref_slice %arg7[%dma_wait3A_1269, %dma_wait3A_1270, %dma_wait3A_1271] : memref<2x512x32xf32, #tpu.memory_space<vmem>> -> memref<1x128x32xf32, #tpu.memory_space<vmem>>
        %dma_wait3A_1273 = tpu.memref_squeeze %dma_wait3A_1272 : memref<1x128x32xf32, #tpu.memory_space<vmem>> -> memref<128x32xf32, #tpu.memory_space<vmem>>
        %dma_wait3A_1274 = arith.constant 256 : i32
        %dma_wait3A_1275 = tpu.memref_slice %arg6[%dma_wait3A_1268, %dma_wait3A_1274] : memref<2x512xi32, #tpu.memory_space<vmem>> -> memref<1x128xi32, #tpu.memory_space<vmem>>
        %dma_wait3A_1276 = tpu.memref_squeeze %dma_wait3A_1275 : memref<1x128xi32, #tpu.memory_space<vmem>> -> memref<128xi32, #tpu.memory_space<vmem>>
        %dma_wait3A_1277 = arith.constant 0 : i32
        %dma_wait3A_1278 = arith.constant 0 : i32
        %dma_wait3A_1279 = tpu.memref_slice %arg3[%dma_wait3A_1277, %dma_wait3A_1278] : memref<1000000x32xf32, #tpu.memory_space<hbm>> -> memref<1000000x32xf32, #tpu.memory_space<hbm>>
        tpu.wait_indirect_dma semaphore(%arg11 : memref<!tpu.dma_semaphore, #tpu.memory_space<semaphore_mem>>) src(%dma_wait3A_1279 : memref<1000000x32xf32, #tpu.memory_space<hbm>>) dst(%dma_wait3A_1273 : memref<128x32xf32, #tpu.memory_space<vmem>>)
        %dma_wait3A_1280 = arith.constant 0 : i32
        %dma_wait3A_1281 = arith.constant 0 : i32
        %dma_wait3A_1282 = arith.constant 384 : i32
        %dma_wait3A_1283 = arith.constant 0 : i32
        %dma_wait3A_1284 = tpu.memref_slice %arg7[%dma_wait3A_1281, %dma_wait3A_1282, %dma_wait3A_1283] : memref<2x512x32xf32, #tpu.memory_space<vmem>> -> memref<1x128x32xf32, #tpu.memory_space<vmem>>
        %dma_wait3A_1285 = tpu.memref_squeeze %dma_wait3A_1284 : memref<1x128x32xf32, #tpu.memory_space<vmem>> -> memref<128x32xf32, #tpu.memory_space<vmem>>
        %dma_wait3A_1286 = arith.constant 384 : i32
        %dma_wait3A_1287 = tpu.memref_slice %arg6[%dma_wait3A_1280, %dma_wait3A_1286] : memref<2x512xi32, #tpu.memory_space<vmem>> -> memref<1x128xi32, #tpu.memory_space<vmem>>
        %dma_wait3A_1288 = tpu.memref_squeeze %dma_wait3A_1287 : memref<1x128xi32, #tpu.memory_space<vmem>> -> memref<128xi32, #tpu.memory_space<vmem>>
        %dma_wait3A_1289 = arith.constant 0 : i32
        %dma_wait3A_1290 = arith.constant 0 : i32
        %dma_wait3A_1291 = tpu.memref_slice %arg3[%dma_wait3A_1289, %dma_wait3A_1290] : memref<1000000x32xf32, #tpu.memory_space<hbm>> -> memref<1000000x32xf32, #tpu.memory_space<hbm>>
        tpu.wait_indirect_dma semaphore(%arg11 : memref<!tpu.dma_semaphore, #tpu.memory_space<semaphore_mem>>) src(%dma_wait3A_1291 : memref<1000000x32xf32, #tpu.memory_space<hbm>>) dst(%dma_wait3A_1285 : memref<128x32xf32, #tpu.memory_space<vmem>>)
      } else {
      }
      %dma_start3A_1190 = arith.constant 1 : i32
      %dma_start3A_1191 = arith.constant 1 : i32
      %dma_start3A_1192 = arith.constant 0 : i32
      %dma_start3A_1193 = arith.constant 0 : i32
      %dma_start3A_1194 = tpu.memref_slice %arg7[%dma_start3A_1191, %dma_start3A_1192, %dma_start3A_1193] : memref<2x512x32xf32, #tpu.memory_space<vmem>> -> memref<1x128x32xf32, #tpu.memory_space<vmem>>
      %dma_start3A_1195 = tpu.memref_squeeze %dma_start3A_1194 : memref<1x128x32xf32, #tpu.memory_space<vmem>> -> memref<128x32xf32, #tpu.memory_space<vmem>>
      %dma_start3A_1196 = arith.constant 0 : i32
      %dma_start3A_1197 = tpu.memref_slice %arg6[%dma_start3A_1190, %dma_start3A_1196] : memref<2x512xi32, #tpu.memory_space<vmem>> -> memref<1x128xi32, #tpu.memory_space<vmem>>
      %dma_start3A_1198 = tpu.memref_squeeze %dma_start3A_1197 : memref<1x128xi32, #tpu.memory_space<vmem>> -> memref<128xi32, #tpu.memory_space<vmem>>
      %dma_start3A_1199 = arith.constant 0 : i32
      %dma_start3A_1200 = arith.constant 0 : i32
      %dma_start3A_1201 = tpu.memref_slice %arg3[%dma_start3A_1199, %dma_start3A_1200] : memref<1000000x32xf32, #tpu.memory_space<hbm>> -> memref<1000000x32xf32, #tpu.memory_space<hbm>>
      tpu.enqueue_indirect_dma source(%dma_start3A_1201 : memref<1000000x32xf32, #tpu.memory_space<hbm>>) target(%dma_start3A_1195 : memref<128x32xf32, #tpu.memory_space<vmem>>) offsets(%dma_start3A_1198 : memref<128xi32, #tpu.memory_space<vmem>>) semaphore(%arg12 : memref<!tpu.dma_semaphore, #tpu.memory_space<semaphore_mem>>)
      %dma_start3A_1202 = arith.constant 1 : i32
      %dma_start3A_1203 = arith.constant 1 : i32
      %dma_start3A_1204 = arith.constant 128 : i32
      %dma_start3A_1205 = arith.constant 0 : i32
      %dma_start3A_1206 = tpu.memref_slice %arg7[%dma_start3A_1203, %dma_start3A_1204, %dma_start3A_1205] : memref<2x512x32xf32, #tpu.memory_space<vmem>> -> memref<1x128x32xf32, #tpu.memory_space<vmem>>
      %dma_start3A_1207 = tpu.memref_squeeze %dma_start3A_1206 : memref<1x128x32xf32, #tpu.memory_space<vmem>> -> memref<128x32xf32, #tpu.memory_space<vmem>>
      %dma_start3A_1208 = arith.constant 128 : i32
      %dma_start3A_1209 = tpu.memref_slice %arg6[%dma_start3A_1202, %dma_start3A_1208] : memref<2x512xi32, #tpu.memory_space<vmem>> -> memref<1x128xi32, #tpu.memory_space<vmem>>
      %dma_start3A_1210 = tpu.memref_squeeze %dma_start3A_1209 : memref<1x128xi32, #tpu.memory_space<vmem>> -> memref<128xi32, #tpu.memory_space<vmem>>
      %dma_start3A_1211 = arith.constant 0 : i32
      %dma_start3A_1212 = arith.constant 0 : i32
      %dma_start3A_1213 = tpu.memref_slice %arg3[%dma_start3A_1211, %dma_start3A_1212] : memref<1000000x32xf32, #tpu.memory_space<hbm>> -> memref<1000000x32xf32, #tpu.memory_space<hbm>>
      tpu.enqueue_indirect_dma source(%dma_start3A_1213 : memref<1000000x32xf32, #tpu.memory_space<hbm>>) target(%dma_start3A_1207 : memref<128x32xf32, #tpu.memory_space<vmem>>) offsets(%dma_start3A_1210 : memref<128xi32, #tpu.memory_space<vmem>>) semaphore(%arg12 : memref<!tpu.dma_semaphore, #tpu.memory_space<semaphore_mem>>)
      %dma_start3A_1214 = arith.constant 1 : i32
      %dma_start3A_1215 = arith.constant 1 : i32
      %dma_start3A_1216 = arith.constant 256 : i32
      %dma_start3A_1217 = arith.constant 0 : i32
      %dma_start3A_1218 = tpu.memref_slice %arg7[%dma_start3A_1215, %dma_start3A_1216, %dma_start3A_1217] : memref<2x512x32xf32, #tpu.memory_space<vmem>> -> memref<1x128x32xf32, #tpu.memory_space<vmem>>
      %dma_start3A_1219 = tpu.memref_squeeze %dma_start3A_1218 : memref<1x128x32xf32, #tpu.memory_space<vmem>> -> memref<128x32xf32, #tpu.memory_space<vmem>>
      %dma_start3A_1220 = arith.constant 256 : i32
      %dma_start3A_1221 = tpu.memref_slice %arg6[%dma_start3A_1214, %dma_start3A_1220] : memref<2x512xi32, #tpu.memory_space<vmem>> -> memref<1x128xi32, #tpu.memory_space<vmem>>
      %dma_start3A_1222 = tpu.memref_squeeze %dma_start3A_1221 : memref<1x128xi32, #tpu.memory_space<vmem>> -> memref<128xi32, #tpu.memory_space<vmem>>
      %dma_start3A_1223 = arith.constant 0 : i32
      %dma_start3A_1224 = arith.constant 0 : i32
      %dma_start3A_1225 = tpu.memref_slice %arg3[%dma_start3A_1223, %dma_start3A_1224] : memref<1000000x32xf32, #tpu.memory_space<hbm>> -> memref<1000000x32xf32, #tpu.memory_space<hbm>>
      tpu.enqueue_indirect_dma source(%dma_start3A_1225 : memref<1000000x32xf32, #tpu.memory_space<hbm>>) target(%dma_start3A_1219 : memref<128x32xf32, #tpu.memory_space<vmem>>) offsets(%dma_start3A_1222 : memref<128xi32, #tpu.memory_space<vmem>>) semaphore(%arg12 : memref<!tpu.dma_semaphore, #tpu.memory_space<semaphore_mem>>)
      %dma_start3A_1226 = arith.constant 1 : i32
      %dma_start3A_1227 = arith.constant 1 : i32
      %dma_start3A_1228 = arith.constant 384 : i32
      %dma_start3A_1229 = arith.constant 0 : i32
      %dma_start3A_1230 = tpu.memref_slice %arg7[%dma_start3A_1227, %dma_start3A_1228, %dma_start3A_1229] : memref<2x512x32xf32, #tpu.memory_space<vmem>> -> memref<1x128x32xf32, #tpu.memory_space<vmem>>
      %dma_start3A_1231 = tpu.memref_squeeze %dma_start3A_1230 : memref<1x128x32xf32, #tpu.memory_space<vmem>> -> memref<128x32xf32, #tpu.memory_space<vmem>>
      %dma_start3A_1232 = arith.constant 384 : i32
      %dma_start3A_1233 = tpu.memref_slice %arg6[%dma_start3A_1226, %dma_start3A_1232] : memref<2x512xi32, #tpu.memory_space<vmem>> -> memref<1x128xi32, #tpu.memory_space<vmem>>
      %dma_start3A_1234 = tpu.memref_squeeze %dma_start3A_1233 : memref<1x128xi32, #tpu.memory_space<vmem>> -> memref<128xi32, #tpu.memory_space<vmem>>
      %dma_start3A_1235 = arith.constant 0 : i32
      %dma_start3A_1236 = arith.constant 0 : i32
      %dma_start3A_1237 = tpu.memref_slice %arg3[%dma_start3A_1235, %dma_start3A_1236] : memref<1000000x32xf32, #tpu.memory_space<hbm>> -> memref<1000000x32xf32, #tpu.memory_space<hbm>>
      tpu.enqueue_indirect_dma source(%dma_start3A_1237 : memref<1000000x32xf32, #tpu.memory_space<hbm>>) target(%dma_start3A_1231 : memref<128x32xf32, #tpu.memory_space<vmem>>) offsets(%dma_start3A_1234 : memref<128xi32, #tpu.memory_space<vmem>>) semaphore(%arg12 : memref<!tpu.dma_semaphore, #tpu.memory_space<semaphore_mem>>)
      %ge3A_1238 = arith.constant 1 : i32
      %ge3A_1239 = arith.cmpi sge, %add3A_839, %ge3A_1238 : i32
      %convert_element_type3A_1240 = arith.extui %ge3A_1239 : i1 to i32
      %cond3A_1241 = arith.constant 0 : i32
      %cond3A_1242 = arith.cmpi ne, %convert_element_type3A_1240, %cond3A_1241 : i32
      scf.if %cond3A_1242 {
        %parallel_loop3A_1244 = arith.constant 0 : i32
        %parallel_loop3A_1245 = arith.constant 512 : i32
        %parallel_loop3A_1246 = arith.constant 1 : i32
        scf.for %parallel_loop3A_1332 = %parallel_loop3A_1244 to %parallel_loop3A_1245 step %parallel_loop3A_1246  : i32 {
          %parallel_loop3A_1333 = arith.constant 7 : i32
          %parallel_loop3A_1334 = arith.shrsi %parallel_loop3A_1332, %parallel_loop3A_1333 : i32
          %parallel_loop3A_1335 = arith.constant 1088 : i32
          %parallel_loop3A_1336 = arith.muli %parallel_loop3A_1334, %parallel_loop3A_1335 : i32
          %parallel_loop3A_1337 = arith.constant 127 : i32
          %parallel_loop3A_1338 = arith.andi %parallel_loop3A_1332, %parallel_loop3A_1337 : i32
          %parallel_loop3A_1339 = arith.addi %parallel_loop3A_1336, %parallel_loop3A_1338 : i32
          %parallel_loop3A_1340 = vector.broadcast %parallel_loop3A_1339 : i32 to vector<16xi32>
          %parallel_loop3A_1341 = arith.addi %add3A_16, %parallel_loop3A_1340 : vector<16xi32>
          %parallel_loop3A_1342 = arith.constant 8704 : i32
          %parallel_loop3A_1343 = vector.broadcast %parallel_loop3A_1342 : i32 to vector<16xi32>
          %parallel_loop3A_1344 = arith.addi %parallel_loop3A_1341, %parallel_loop3A_1343 : vector<16xi32>
          %parallel_loop3A_1345 = arith.constant 0 : i32
          %parallel_loop3A_1346 = arith.index_cast %parallel_loop3A_1345 : i32 to index
          %parallel_loop3A_1347 = arith.index_cast %parallel_loop3A_1332 : i32 to index
          %parallel_loop3A_1348 = arith.constant 0 : index
          %parallel_loop3A_1349 = tpu.vector_load %arg7[%parallel_loop3A_1346, %parallel_loop3A_1347, %parallel_loop3A_1348] {strides = array<i32>} : memref<2x512x32xf32, #tpu.memory_space<vmem>>, vector<16xf32>,
          %parallel_loop3A_1350 = arith.constant 0 : i32
          %parallel_loop3A_1351 = arith.index_cast %parallel_loop3A_1350 : i32 to index
          %parallel_loop3A_1352 = arith.index_cast %parallel_loop3A_1332 : i32 to index
          %parallel_loop3A_1353 = arith.constant 16 : index
          %parallel_loop3A_1354 = tpu.vector_load %arg7[%parallel_loop3A_1351, %parallel_loop3A_1352, %parallel_loop3A_1353] {strides = array<i32>} : memref<2x512x32xf32, #tpu.memory_space<vmem>>, vector<16xf32>,
          %parallel_loop3A_1355 = arith.constant 0 : i32
          %parallel_loop3A_1356 = arith.constant 0 : i32
          %parallel_loop3A_1357 = arith.constant 0 : i32
          %parallel_loop3A_1358 = arith.constant 0 : i32
          %parallel_loop3A_1359 = arith.constant 0 : i32
          %parallel_loop3A_1360 = tpu.memref_slice %arg8[%parallel_loop3A_1355, %parallel_loop3A_1356, %parallel_loop3A_1357, %parallel_loop3A_1358, %parallel_loop3A_1359] : memref<2x4x4x8x136xf32, #tpu.memory_space<vmem>> -> memref<1x4x4x8x136xf32, #tpu.memory_space<vmem>>
          %parallel_loop3A_1361 = tpu.memref_squeeze %parallel_loop3A_1360 : memref<1x4x4x8x136xf32, #tpu.memory_space<vmem>> -> memref<4x4x8x136xf32, #tpu.memory_space<vmem>>
          tpu.vector_store_idx %parallel_loop3A_1361[%broadcast_in_dim3A_5, %broadcast_in_dim3A_5, %broadcast_in_dim3A_5, %parallel_loop3A_1341], %parallel_loop3A_1349 : memref<4x4x8x136xf32, #tpu.memory_space<vmem>>[vector<16xi32>, vector<16xi32>, vector<16xi32>, vector<16xi32>], vector<16xf32>,
          %parallel_loop3A_1362 = arith.constant 0 : i32
          %parallel_loop3A_1363 = arith.constant 0 : i32
          %parallel_loop3A_1364 = arith.constant 0 : i32
          %parallel_loop3A_1365 = arith.constant 0 : i32
          %parallel_loop3A_1366 = arith.constant 0 : i32
          %parallel_loop3A_1367 = tpu.memref_slice %arg8[%parallel_loop3A_1362, %parallel_loop3A_1363, %parallel_loop3A_1364, %parallel_loop3A_1365, %parallel_loop3A_1366] : memref<2x4x4x8x136xf32, #tpu.memory_space<vmem>> -> memref<1x4x4x8x136xf32, #tpu.memory_space<vmem>>
          %parallel_loop3A_1368 = tpu.memref_squeeze %parallel_loop3A_1367 : memref<1x4x4x8x136xf32, #tpu.memory_space<vmem>> -> memref<4x4x8x136xf32, #tpu.memory_space<vmem>>
          tpu.vector_store_idx %parallel_loop3A_1368[%broadcast_in_dim3A_5, %broadcast_in_dim3A_5, %broadcast_in_dim3A_5, %parallel_loop3A_1344], %parallel_loop3A_1354 : memref<4x4x8x136xf32, #tpu.memory_space<vmem>>[vector<16xi32>, vector<16xi32>, vector<16xi32>, vector<16xi32>], vector<16xf32>,
        } {sc.loop_unroll_factor = 4 : i64, sc.parallel_access}
        %sub3A = arith.constant 1 : i32
        %sub3A_1247 = arith.subi %add3A_839, %sub3A : i32
        %dma_start3A_1248 = arith.constant 0 : i32
        %dma_start3A_1249 = arith.constant 0 : i32
        %dma_start3A_1250 = arith.constant 0 : i32
        %dma_start3A_1251 = arith.constant 0 : i32
        %dma_start3A_1252 = arith.constant 0 : i32
        %dma_start3A_1253 = arith.constant 0 : i32
        %dma_start3A_1254 = tpu.memref_slice %arg8[%dma_start3A_1248, %dma_start3A_1249, %dma_start3A_1251, %dma_start3A_1252, %dma_start3A_1253] : memref<2x4x4x8x136xf32, #tpu.memory_space<vmem>> -> memref<1x1x4x8x128xf32, #tpu.memory_space<vmem>>
        %dma_start3A_1255 = tpu.memref_squeeze %dma_start3A_1254 : memref<1x1x4x8x128xf32, #tpu.memory_space<vmem>> -> memref<4x8x128xf32, #tpu.memory_space<vmem>>
        %dma_start3A_1256 = arith.constant 0 : i32
        %dma_start3A_1257 = arith.constant 0 : i32
        %dma_start3A_1258 = tpu.memref_slice %arg4[%sub3A_1247, %dma_start3A_1250, %mul3A_4, %dma_start3A_1256, %dma_start3A_1257] : memref<100x4x128x8x128xf32, #tpu.memory_space<hbm>> -> memref<1x1x4x8x128xf32, #tpu.memory_space<hbm>>
        %dma_start3A_1259 = tpu.memref_squeeze %dma_start3A_1258 : memref<1x1x4x8x128xf32, #tpu.memory_space<hbm>> -> memref<4x8x128xf32, #tpu.memory_space<hbm>>
        %dma_start3A_1260 = arith.constant 0 : i32
        %dma_start3A_1261 = arith.constant 0 : i32
        %dma_start3A_1262 = tpu.memref_slice %arg4[%sub3A_1247, %dma_start3A_1250, %mul3A_4, %dma_start3A_1260, %dma_start3A_1261] : memref<100x4x128x8x128xf32, #tpu.memory_space<hbm>> -> memref<1x1x4x8x128xf32, #tpu.memory_space<hbm>>
        %dma_start3A_1263 = tpu.memref_squeeze %dma_start3A_1262 : memref<1x1x4x8x128xf32, #tpu.memory_space<hbm>> -> memref<4x8x128xf32, #tpu.memory_space<hbm>>
        %dma_start3A_1264 = arith.constant 0 : i32
        %dma_start3A_1265 = arith.constant 0 : i32
        %dma_start3A_1266 = arith.constant 0 : i32
        %dma_start3A_1267 = tpu.memref_slice %arg8[%dma_start3A_1248, %dma_start3A_1249, %dma_start3A_1264, %dma_start3A_1265, %dma_start3A_1266] : memref<2x4x4x8x136xf32, #tpu.memory_space<vmem>> -> memref<1x1x4x8x128xf32, #tpu.memory_space<vmem>>
        %dma_start3A_1268 = tpu.memref_squeeze %dma_start3A_1267 : memref<1x1x4x8x128xf32, #tpu.memory_space<vmem>> -> memref<4x8x128xf32, #tpu.memory_space<vmem>>
        tpu.enqueue_dma source(%dma_start3A_1268 : memref<4x8x128xf32, #tpu.memory_space<vmem>>) target(%dma_start3A_1263 : memref<4x8x128xf32, #tpu.memory_space<hbm>>) target_semaphore(%arg13 : memref<!tpu.dma_semaphore, #tpu.memory_space<semaphore_mem>>)
        %dma_start3A_1269 = arith.constant 0 : i32
        %dma_start3A_1270 = arith.constant 1 : i32
        %dma_start3A_1271 = arith.constant 1 : i32
        %dma_start3A_1272 = arith.constant 0 : i32
        %dma_start3A_1273 = arith.constant 0 : i32
        %dma_start3A_1274 = arith.constant 0 : i32
        %dma_start3A_1275 = tpu.memref_slice %arg8[%dma_start3A_1269, %dma_start3A_1270, %dma_start3A_1272, %dma_start3A_1273, %dma_start3A_1274] : memref<2x4x4x8x136xf32, #tpu.memory_space<vmem>> -> memref<1x1x4x8x128xf32, #tpu.memory_space<vmem>>
        %dma_start3A_1276 = tpu.memref_squeeze %dma_start3A_1275 : memref<1x1x4x8x128xf32, #tpu.memory_space<vmem>> -> memref<4x8x128xf32, #tpu.memory_space<vmem>>
        %dma_start3A_1277 = arith.constant 0 : i32
        %dma_start3A_1278 = arith.constant 0 : i32
        %dma_start3A_1279 = tpu.memref_slice %arg4[%sub3A_1247, %dma_start3A_1271, %mul3A_4, %dma_start3A_1277, %dma_start3A_1278] : memref<100x4x128x8x128xf32, #tpu.memory_space<hbm>> -> memref<1x1x4x8x128xf32, #tpu.memory_space<hbm>>
        %dma_start3A_1280 = tpu.memref_squeeze %dma_start3A_1279 : memref<1x1x4x8x128xf32, #tpu.memory_space<hbm>> -> memref<4x8x128xf32, #tpu.memory_space<hbm>>
        %dma_start3A_1281 = arith.constant 0 : i32
        %dma_start3A_1282 = arith.constant 0 : i32
        %dma_start3A_1283 = tpu.memref_slice %arg4[%sub3A_1247, %dma_start3A_1271, %mul3A_4, %dma_start3A_1281, %dma_start3A_1282] : memref<100x4x128x8x128xf32, #tpu.memory_space<hbm>> -> memref<1x1x4x8x128xf32, #tpu.memory_space<hbm>>
        %dma_start3A_1284 = tpu.memref_squeeze %dma_start3A_1283 : memref<1x1x4x8x128xf32, #tpu.memory_space<hbm>> -> memref<4x8x128xf32, #tpu.memory_space<hbm>>
        %dma_start3A_1285 = arith.constant 0 : i32
        %dma_start3A_1286 = arith.constant 0 : i32
        %dma_start3A_1287 = arith.constant 0 : i32
        %dma_start3A_1288 = tpu.memref_slice %arg8[%dma_start3A_1269, %dma_start3A_1270, %dma_start3A_1285, %dma_start3A_1286, %dma_start3A_1287] : memref<2x4x4x8x136xf32, #tpu.memory_space<vmem>> -> memref<1x1x4x8x128xf32, #tpu.memory_space<vmem>>
        %dma_start3A_1289 = tpu.memref_squeeze %dma_start3A_1288 : memref<1x1x4x8x128xf32, #tpu.memory_space<vmem>> -> memref<4x8x128xf32, #tpu.memory_space<vmem>>
        tpu.enqueue_dma source(%dma_start3A_1289 : memref<4x8x128xf32, #tpu.memory_space<vmem>>) target(%dma_start3A_1284 : memref<4x8x128xf32, #tpu.memory_space<hbm>>) target_semaphore(%arg13 : memref<!tpu.dma_semaphore, #tpu.memory_space<semaphore_mem>>)
        %dma_start3A_1290 = arith.constant 0 : i32
        %dma_start3A_1291 = arith.constant 2 : i32
        %dma_start3A_1292 = arith.constant 2 : i32
        %dma_start3A_1293 = arith.constant 0 : i32
        %dma_start3A_1294 = arith.constant 0 : i32
        %dma_start3A_1295 = arith.constant 0 : i32
        %dma_start3A_1296 = tpu.memref_slice %arg8[%dma_start3A_1290, %dma_start3A_1291, %dma_start3A_1293, %dma_start3A_1294, %dma_start3A_1295] : memref<2x4x4x8x136xf32, #tpu.memory_space<vmem>> -> memref<1x1x4x8x128xf32, #tpu.memory_space<vmem>>
        %dma_start3A_1297 = tpu.memref_squeeze %dma_start3A_1296 : memref<1x1x4x8x128xf32, #tpu.memory_space<vmem>> -> memref<4x8x128xf32, #tpu.memory_space<vmem>>
        %dma_start3A_1298 = arith.constant 0 : i32
        %dma_start3A_1299 = arith.constant 0 : i32
        %dma_start3A_1300 = tpu.memref_slice %arg4[%sub3A_1247, %dma_start3A_1292, %mul3A_4, %dma_start3A_1298, %dma_start3A_1299] : memref<100x4x128x8x128xf32, #tpu.memory_space<hbm>> -> memref<1x1x4x8x128xf32, #tpu.memory_space<hbm>>
        %dma_start3A_1301 = tpu.memref_squeeze %dma_start3A_1300 : memref<1x1x4x8x128xf32, #tpu.memory_space<hbm>> -> memref<4x8x128xf32, #tpu.memory_space<hbm>>
        %dma_start3A_1302 = arith.constant 0 : i32
        %dma_start3A_1303 = arith.constant 0 : i32
        %dma_start3A_1304 = tpu.memref_slice %arg4[%sub3A_1247, %dma_start3A_1292, %mul3A_4, %dma_start3A_1302, %dma_start3A_1303] : memref<100x4x128x8x128xf32, #tpu.memory_space<hbm>> -> memref<1x1x4x8x128xf32, #tpu.memory_space<hbm>>
        %dma_start3A_1305 = tpu.memref_squeeze %dma_start3A_1304 : memref<1x1x4x8x128xf32, #tpu.memory_space<hbm>> -> memref<4x8x128xf32, #tpu.memory_space<hbm>>
        %dma_start3A_1306 = arith.constant 0 : i32
        %dma_start3A_1307 = arith.constant 0 : i32
        %dma_start3A_1308 = arith.constant 0 : i32
        %dma_start3A_1309 = tpu.memref_slice %arg8[%dma_start3A_1290, %dma_start3A_1291, %dma_start3A_1306, %dma_start3A_1307, %dma_start3A_1308] : memref<2x4x4x8x136xf32, #tpu.memory_space<vmem>> -> memref<1x1x4x8x128xf32, #tpu.memory_space<vmem>>
        %dma_start3A_1310 = tpu.memref_squeeze %dma_start3A_1309 : memref<1x1x4x8x128xf32, #tpu.memory_space<vmem>> -> memref<4x8x128xf32, #tpu.memory_space<vmem>>
        tpu.enqueue_dma source(%dma_start3A_1310 : memref<4x8x128xf32, #tpu.memory_space<vmem>>) target(%dma_start3A_1305 : memref<4x8x128xf32, #tpu.memory_space<hbm>>) target_semaphore(%arg13 : memref<!tpu.dma_semaphore, #tpu.memory_space<semaphore_mem>>)
        %dma_start3A_1311 = arith.constant 0 : i32
        %dma_start3A_1312 = arith.constant 3 : i32
        %dma_start3A_1313 = arith.constant 3 : i32
        %dma_start3A_1314 = arith.constant 0 : i32
        %dma_start3A_1315 = arith.constant 0 : i32
        %dma_start3A_1316 = arith.constant 0 : i32
        %dma_start3A_1317 = tpu.memref_slice %arg8[%dma_start3A_1311, %dma_start3A_1312, %dma_start3A_1314, %dma_start3A_1315, %dma_start3A_1316] : memref<2x4x4x8x136xf32, #tpu.memory_space<vmem>> -> memref<1x1x4x8x128xf32, #tpu.memory_space<vmem>>
        %dma_start3A_1318 = tpu.memref_squeeze %dma_start3A_1317 : memref<1x1x4x8x128xf32, #tpu.memory_space<vmem>> -> memref<4x8x128xf32, #tpu.memory_space<vmem>>
        %dma_start3A_1319 = arith.constant 0 : i32
        %dma_start3A_1320 = arith.constant 0 : i32
        %dma_start3A_1321 = tpu.memref_slice %arg4[%sub3A_1247, %dma_start3A_1313, %mul3A_4, %dma_start3A_1319, %dma_start3A_1320] : memref<100x4x128x8x128xf32, #tpu.memory_space<hbm>> -> memref<1x1x4x8x128xf32, #tpu.memory_space<hbm>>
        %dma_start3A_1322 = tpu.memref_squeeze %dma_start3A_1321 : memref<1x1x4x8x128xf32, #tpu.memory_space<hbm>> -> memref<4x8x128xf32, #tpu.memory_space<hbm>>
        %dma_start3A_1323 = arith.constant 0 : i32
        %dma_start3A_1324 = arith.constant 0 : i32
        %dma_start3A_1325 = tpu.memref_slice %arg4[%sub3A_1247, %dma_start3A_1313, %mul3A_4, %dma_start3A_1323, %dma_start3A_1324] : memref<100x4x128x8x128xf32, #tpu.memory_space<hbm>> -> memref<1x1x4x8x128xf32, #tpu.memory_space<hbm>>
        %dma_start3A_1326 = tpu.memref_squeeze %dma_start3A_1325 : memref<1x1x4x8x128xf32, #tpu.memory_space<hbm>> -> memref<4x8x128xf32, #tpu.memory_space<hbm>>
        %dma_start3A_1327 = arith.constant 0 : i32
        %dma_start3A_1328 = arith.constant 0 : i32
        %dma_start3A_1329 = arith.constant 0 : i32
        %dma_start3A_1330 = tpu.memref_slice %arg8[%dma_start3A_1311, %dma_start3A_1312, %dma_start3A_1327, %dma_start3A_1328, %dma_start3A_1329] : memref<2x4x4x8x136xf32, #tpu.memory_space<vmem>> -> memref<1x1x4x8x128xf32, #tpu.memory_space<vmem>>
        %dma_start3A_1331 = tpu.memref_squeeze %dma_start3A_1330 : memref<1x1x4x8x128xf32, #tpu.memory_space<vmem>> -> memref<4x8x128xf32, #tpu.memory_space<vmem>>
        tpu.enqueue_dma source(%dma_start3A_1331 : memref<4x8x128xf32, #tpu.memory_space<vmem>>) target(%dma_start3A_1326 : memref<4x8x128xf32, #tpu.memory_space<hbm>>) target_semaphore(%arg13 : memref<!tpu.dma_semaphore, #tpu.memory_space<semaphore_mem>>)
      } else {
      }
      %scan3A_1243 = arith.constant 0 : i32
      scf.yield %scan3A_1243 : i32
    }
    %scan3A_33 = arith.constant 50 : i32
    %dma_wait3A = arith.constant 1 : i32
    %dma_wait3A_34 = arith.constant 1 : i32
    %dma_wait3A_35 = arith.constant 0 : i32
    %dma_wait3A_36 = arith.constant 0 : i32
    %dma_wait3A_37 = tpu.memref_slice %arg7[%dma_wait3A_34, %dma_wait3A_35, %dma_wait3A_36] : memref<2x512x32xf32, #tpu.memory_space<vmem>> -> memref<1x128x32xf32, #tpu.memory_space<vmem>>
    %dma_wait3A_38 = tpu.memref_squeeze %dma_wait3A_37 : memref<1x128x32xf32, #tpu.memory_space<vmem>> -> memref<128x32xf32, #tpu.memory_space<vmem>>
    %dma_wait3A_39 = arith.constant 0 : i32
    %dma_wait3A_40 = tpu.memref_slice %arg6[%dma_wait3A, %dma_wait3A_39] : memref<2x512xi32, #tpu.memory_space<vmem>> -> memref<1x128xi32, #tpu.memory_space<vmem>>
    %dma_wait3A_41 = tpu.memref_squeeze %dma_wait3A_40 : memref<1x128xi32, #tpu.memory_space<vmem>> -> memref<128xi32, #tpu.memory_space<vmem>>
    %dma_wait3A_42 = arith.constant 0 : i32
    %dma_wait3A_43 = arith.constant 0 : i32
    %dma_wait3A_44 = tpu.memref_slice %arg3[%dma_wait3A_42, %dma_wait3A_43] : memref<1000000x32xf32, #tpu.memory_space<hbm>> -> memref<1000000x32xf32, #tpu.memory_space<hbm>>
    tpu.wait_indirect_dma semaphore(%arg12 : memref<!tpu.dma_semaphore, #tpu.memory_space<semaphore_mem>>) src(%dma_wait3A_44 : memref<1000000x32xf32, #tpu.memory_space<hbm>>) dst(%dma_wait3A_38 : memref<128x32xf32, #tpu.memory_space<vmem>>)
    %dma_wait3A_45 = arith.constant 1 : i32
    %dma_wait3A_46 = arith.constant 1 : i32
    %dma_wait3A_47 = arith.constant 128 : i32
    %dma_wait3A_48 = arith.constant 0 : i32
    %dma_wait3A_49 = tpu.memref_slice %arg7[%dma_wait3A_46, %dma_wait3A_47, %dma_wait3A_48] : memref<2x512x32xf32, #tpu.memory_space<vmem>> -> memref<1x128x32xf32, #tpu.memory_space<vmem>>
    %dma_wait3A_50 = tpu.memref_squeeze %dma_wait3A_49 : memref<1x128x32xf32, #tpu.memory_space<vmem>> -> memref<128x32xf32, #tpu.memory_space<vmem>>
    %dma_wait3A_51 = arith.constant 128 : i32
    %dma_wait3A_52 = tpu.memref_slice %arg6[%dma_wait3A_45, %dma_wait3A_51] : memref<2x512xi32, #tpu.memory_space<vmem>> -> memref<1x128xi32, #tpu.memory_space<vmem>>
    %dma_wait3A_53 = tpu.memref_squeeze %dma_wait3A_52 : memref<1x128xi32, #tpu.memory_space<vmem>> -> memref<128xi32, #tpu.memory_space<vmem>>
    %dma_wait3A_54 = arith.constant 0 : i32
    %dma_wait3A_55 = arith.constant 0 : i32
    %dma_wait3A_56 = tpu.memref_slice %arg3[%dma_wait3A_54, %dma_wait3A_55] : memref<1000000x32xf32, #tpu.memory_space<hbm>> -> memref<1000000x32xf32, #tpu.memory_space<hbm>>
    tpu.wait_indirect_dma semaphore(%arg12 : memref<!tpu.dma_semaphore, #tpu.memory_space<semaphore_mem>>) src(%dma_wait3A_56 : memref<1000000x32xf32, #tpu.memory_space<hbm>>) dst(%dma_wait3A_50 : memref<128x32xf32, #tpu.memory_space<vmem>>)
    %dma_wait3A_57 = arith.constant 1 : i32
    %dma_wait3A_58 = arith.constant 1 : i32
    %dma_wait3A_59 = arith.constant 256 : i32
    %dma_wait3A_60 = arith.constant 0 : i32
    %dma_wait3A_61 = tpu.memref_slice %arg7[%dma_wait3A_58, %dma_wait3A_59, %dma_wait3A_60] : memref<2x512x32xf32, #tpu.memory_space<vmem>> -> memref<1x128x32xf32, #tpu.memory_space<vmem>>
    %dma_wait3A_62 = tpu.memref_squeeze %dma_wait3A_61 : memref<1x128x32xf32, #tpu.memory_space<vmem>> -> memref<128x32xf32, #tpu.memory_space<vmem>>
    %dma_wait3A_63 = arith.constant 256 : i32
    %dma_wait3A_64 = tpu.memref_slice %arg6[%dma_wait3A_57, %dma_wait3A_63] : memref<2x512xi32, #tpu.memory_space<vmem>> -> memref<1x128xi32, #tpu.memory_space<vmem>>
    %dma_wait3A_65 = tpu.memref_squeeze %dma_wait3A_64 : memref<1x128xi32, #tpu.memory_space<vmem>> -> memref<128xi32, #tpu.memory_space<vmem>>
    %dma_wait3A_66 = arith.constant 0 : i32
    %dma_wait3A_67 = arith.constant 0 : i32
    %dma_wait3A_68 = tpu.memref_slice %arg3[%dma_wait3A_66, %dma_wait3A_67] : memref<1000000x32xf32, #tpu.memory_space<hbm>> -> memref<1000000x32xf32, #tpu.memory_space<hbm>>
    tpu.wait_indirect_dma semaphore(%arg12 : memref<!tpu.dma_semaphore, #tpu.memory_space<semaphore_mem>>) src(%dma_wait3A_68 : memref<1000000x32xf32, #tpu.memory_space<hbm>>) dst(%dma_wait3A_62 : memref<128x32xf32, #tpu.memory_space<vmem>>)
    %dma_wait3A_69 = arith.constant 1 : i32
    %dma_wait3A_70 = arith.constant 1 : i32
    %dma_wait3A_71 = arith.constant 384 : i32
    %dma_wait3A_72 = arith.constant 0 : i32
    %dma_wait3A_73 = tpu.memref_slice %arg7[%dma_wait3A_70, %dma_wait3A_71, %dma_wait3A_72] : memref<2x512x32xf32, #tpu.memory_space<vmem>> -> memref<1x128x32xf32, #tpu.memory_space<vmem>>
    %dma_wait3A_74 = tpu.memref_squeeze %dma_wait3A_73 : memref<1x128x32xf32, #tpu.memory_space<vmem>> -> memref<128x32xf32, #tpu.memory_space<vmem>>
    %dma_wait3A_75 = arith.constant 384 : i32
    %dma_wait3A_76 = tpu.memref_slice %arg6[%dma_wait3A_69, %dma_wait3A_75] : memref<2x512xi32, #tpu.memory_space<vmem>> -> memref<1x128xi32, #tpu.memory_space<vmem>>
    %dma_wait3A_77 = tpu.memref_squeeze %dma_wait3A_76 : memref<1x128xi32, #tpu.memory_space<vmem>> -> memref<128xi32, #tpu.memory_space<vmem>>
    %dma_wait3A_78 = arith.constant 0 : i32
    %dma_wait3A_79 = arith.constant 0 : i32
    %dma_wait3A_80 = tpu.memref_slice %arg3[%dma_wait3A_78, %dma_wait3A_79] : memref<1000000x32xf32, #tpu.memory_space<hbm>> -> memref<1000000x32xf32, #tpu.memory_space<hbm>>
    tpu.wait_indirect_dma semaphore(%arg12 : memref<!tpu.dma_semaphore, #tpu.memory_space<semaphore_mem>>) src(%dma_wait3A_80 : memref<1000000x32xf32, #tpu.memory_space<hbm>>) dst(%dma_wait3A_74 : memref<128x32xf32, #tpu.memory_space<vmem>>)
    %dma_wait3A_81 = arith.constant 1 : i32
    %dma_wait3A_82 = arith.constant 0 : i32
    %dma_wait3A_83 = arith.constant 97 : i32
    %dma_wait3A_84 = arith.constant 0 : i32
    %dma_wait3A_85 = arith.constant 0 : i32
    %dma_wait3A_86 = arith.constant 0 : i32
    %dma_wait3A_87 = arith.constant 0 : i32
    %dma_wait3A_88 = tpu.memref_slice %arg8[%dma_wait3A_81, %dma_wait3A_82, %dma_wait3A_85, %dma_wait3A_86, %dma_wait3A_87] : memref<2x4x4x8x136xf32, #tpu.memory_space<vmem>> -> memref<1x1x4x8x128xf32, #tpu.memory_space<vmem>>
    %dma_wait3A_89 = tpu.memref_squeeze %dma_wait3A_88 : memref<1x1x4x8x128xf32, #tpu.memory_space<vmem>> -> memref<4x8x128xf32, #tpu.memory_space<vmem>>
    %dma_wait3A_90 = arith.constant 0 : i32
    %dma_wait3A_91 = arith.constant 0 : i32
    %dma_wait3A_92 = tpu.memref_slice %arg4[%dma_wait3A_83, %dma_wait3A_84, %mul3A_4, %dma_wait3A_90, %dma_wait3A_91] : memref<100x4x128x8x128xf32, #tpu.memory_space<hbm>> -> memref<1x1x4x8x128xf32, #tpu.memory_space<hbm>>
    %dma_wait3A_93 = tpu.memref_squeeze %dma_wait3A_92 : memref<1x1x4x8x128xf32, #tpu.memory_space<hbm>> -> memref<4x8x128xf32, #tpu.memory_space<hbm>>
    %dma_wait3A_94 = arith.constant 0 : i32
    %dma_wait3A_95 = arith.constant 0 : i32
    %dma_wait3A_96 = tpu.memref_slice %arg4[%dma_wait3A_83, %dma_wait3A_84, %mul3A_4, %dma_wait3A_94, %dma_wait3A_95] : memref<100x4x128x8x128xf32, #tpu.memory_space<hbm>> -> memref<1x1x4x8x128xf32, #tpu.memory_space<hbm>>
    %dma_wait3A_97 = tpu.memref_squeeze %dma_wait3A_96 : memref<1x1x4x8x128xf32, #tpu.memory_space<hbm>> -> memref<4x8x128xf32, #tpu.memory_space<hbm>>
    %dma_wait3A_98 = arith.constant 0 : i32
    %dma_wait3A_99 = arith.constant 0 : i32
    %dma_wait3A_100 = arith.constant 0 : i32
    %dma_wait3A_101 = tpu.memref_slice %arg8[%dma_wait3A_81, %dma_wait3A_82, %dma_wait3A_98, %dma_wait3A_99, %dma_wait3A_100] : memref<2x4x4x8x136xf32, #tpu.memory_space<vmem>> -> memref<1x1x4x8x128xf32, #tpu.memory_space<vmem>>
    %dma_wait3A_102 = tpu.memref_squeeze %dma_wait3A_101 : memref<1x1x4x8x128xf32, #tpu.memory_space<vmem>> -> memref<4x8x128xf32, #tpu.memory_space<vmem>>
    tpu.wait_dma2 semaphore(%arg14 : memref<!tpu.dma_semaphore, #tpu.memory_space<semaphore_mem>>) src(%dma_wait3A_102 : memref<4x8x128xf32, #tpu.memory_space<vmem>>) dst(%dma_wait3A_97 : memref<4x8x128xf32, #tpu.memory_space<hbm>>)
    %dma_wait3A_103 = arith.constant 1 : i32
    %dma_wait3A_104 = arith.constant 1 : i32
    %dma_wait3A_105 = arith.constant 97 : i32
    %dma_wait3A_106 = arith.constant 1 : i32
    %dma_wait3A_107 = arith.constant 0 : i32
    %dma_wait3A_108 = arith.constant 0 : i32
    %dma_wait3A_109 = arith.constant 0 : i32
    %dma_wait3A_110 = tpu.memref_slice %arg8[%dma_wait3A_103, %dma_wait3A_104, %dma_wait3A_107, %dma_wait3A_108, %dma_wait3A_109] : memref<2x4x4x8x136xf32, #tpu.memory_space<vmem>> -> memref<1x1x4x8x128xf32, #tpu.memory_space<vmem>>
    %dma_wait3A_111 = tpu.memref_squeeze %dma_wait3A_110 : memref<1x1x4x8x128xf32, #tpu.memory_space<vmem>> -> memref<4x8x128xf32, #tpu.memory_space<vmem>>
    %dma_wait3A_112 = arith.constant 0 : i32
    %dma_wait3A_113 = arith.constant 0 : i32
    %dma_wait3A_114 = tpu.memref_slice %arg4[%dma_wait3A_105, %dma_wait3A_106, %mul3A_4, %dma_wait3A_112, %dma_wait3A_113] : memref<100x4x128x8x128xf32, #tpu.memory_space<hbm>> -> memref<1x1x4x8x128xf32, #tpu.memory_space<hbm>>
    %dma_wait3A_115 = tpu.memref_squeeze %dma_wait3A_114 : memref<1x1x4x8x128xf32, #tpu.memory_space<hbm>> -> memref<4x8x128xf32, #tpu.memory_space<hbm>>
    %dma_wait3A_116 = arith.constant 0 : i32
    %dma_wait3A_117 = arith.constant 0 : i32
    %dma_wait3A_118 = tpu.memref_slice %arg4[%dma_wait3A_105, %dma_wait3A_106, %mul3A_4, %dma_wait3A_116, %dma_wait3A_117] : memref<100x4x128x8x128xf32, #tpu.memory_space<hbm>> -> memref<1x1x4x8x128xf32, #tpu.memory_space<hbm>>
    %dma_wait3A_119 = tpu.memref_squeeze %dma_wait3A_118 : memref<1x1x4x8x128xf32, #tpu.memory_space<hbm>> -> memref<4x8x128xf32, #tpu.memory_space<hbm>>
    %dma_wait3A_120 = arith.constant 0 : i32
    %dma_wait3A_121 = arith.constant 0 : i32
    %dma_wait3A_122 = arith.constant 0 : i32
    %dma_wait3A_123 = tpu.memref_slice %arg8[%dma_wait3A_103, %dma_wait3A_104, %dma_wait3A_120, %dma_wait3A_121, %dma_wait3A_122] : memref<2x4x4x8x136xf32, #tpu.memory_space<vmem>> -> memref<1x1x4x8x128xf32, #tpu.memory_space<vmem>>
    %dma_wait3A_124 = tpu.memref_squeeze %dma_wait3A_123 : memref<1x1x4x8x128xf32, #tpu.memory_space<vmem>> -> memref<4x8x128xf32, #tpu.memory_space<vmem>>
    tpu.wait_dma2 semaphore(%arg14 : memref<!tpu.dma_semaphore, #tpu.memory_space<semaphore_mem>>) src(%dma_wait3A_124 : memref<4x8x128xf32, #tpu.memory_space<vmem>>) dst(%dma_wait3A_119 : memref<4x8x128xf32, #tpu.memory_space<hbm>>)
    %dma_wait3A_125 = arith.constant 1 : i32
    %dma_wait3A_126 = arith.constant 2 : i32
    %dma_wait3A_127 = arith.constant 97 : i32
    %dma_wait3A_128 = arith.constant 2 : i32
    %dma_wait3A_129 = arith.constant 0 : i32
    %dma_wait3A_130 = arith.constant 0 : i32
    %dma_wait3A_131 = arith.constant 0 : i32
    %dma_wait3A_132 = tpu.memref_slice %arg8[%dma_wait3A_125, %dma_wait3A_126, %dma_wait3A_129, %dma_wait3A_130, %dma_wait3A_131] : memref<2x4x4x8x136xf32, #tpu.memory_space<vmem>> -> memref<1x1x4x8x128xf32, #tpu.memory_space<vmem>>
    %dma_wait3A_133 = tpu.memref_squeeze %dma_wait3A_132 : memref<1x1x4x8x128xf32, #tpu.memory_space<vmem>> -> memref<4x8x128xf32, #tpu.memory_space<vmem>>
    %dma_wait3A_134 = arith.constant 0 : i32
    %dma_wait3A_135 = arith.constant 0 : i32
    %dma_wait3A_136 = tpu.memref_slice %arg4[%dma_wait3A_127, %dma_wait3A_128, %mul3A_4, %dma_wait3A_134, %dma_wait3A_135] : memref<100x4x128x8x128xf32, #tpu.memory_space<hbm>> -> memref<1x1x4x8x128xf32, #tpu.memory_space<hbm>>
    %dma_wait3A_137 = tpu.memref_squeeze %dma_wait3A_136 : memref<1x1x4x8x128xf32, #tpu.memory_space<hbm>> -> memref<4x8x128xf32, #tpu.memory_space<hbm>>
    %dma_wait3A_138 = arith.constant 0 : i32
    %dma_wait3A_139 = arith.constant 0 : i32
    %dma_wait3A_140 = tpu.memref_slice %arg4[%dma_wait3A_127, %dma_wait3A_128, %mul3A_4, %dma_wait3A_138, %dma_wait3A_139] : memref<100x4x128x8x128xf32, #tpu.memory_space<hbm>> -> memref<1x1x4x8x128xf32, #tpu.memory_space<hbm>>
    %dma_wait3A_141 = tpu.memref_squeeze %dma_wait3A_140 : memref<1x1x4x8x128xf32, #tpu.memory_space<hbm>> -> memref<4x8x128xf32, #tpu.memory_space<hbm>>
    %dma_wait3A_142 = arith.constant 0 : i32
    %dma_wait3A_143 = arith.constant 0 : i32
    %dma_wait3A_144 = arith.constant 0 : i32
    %dma_wait3A_145 = tpu.memref_slice %arg8[%dma_wait3A_125, %dma_wait3A_126, %dma_wait3A_142, %dma_wait3A_143, %dma_wait3A_144] : memref<2x4x4x8x136xf32, #tpu.memory_space<vmem>> -> memref<1x1x4x8x128xf32, #tpu.memory_space<vmem>>
    %dma_wait3A_146 = tpu.memref_squeeze %dma_wait3A_145 : memref<1x1x4x8x128xf32, #tpu.memory_space<vmem>> -> memref<4x8x128xf32, #tpu.memory_space<vmem>>
    tpu.wait_dma2 semaphore(%arg14 : memref<!tpu.dma_semaphore, #tpu.memory_space<semaphore_mem>>) src(%dma_wait3A_146 : memref<4x8x128xf32, #tpu.memory_space<vmem>>) dst(%dma_wait3A_141 : memref<4x8x128xf32, #tpu.memory_space<hbm>>)
    %dma_wait3A_147 = arith.constant 1 : i32
    %dma_wait3A_148 = arith.constant 3 : i32
    %dma_wait3A_149 = arith.constant 97 : i32
    %dma_wait3A_150 = arith.constant 3 : i32
    %dma_wait3A_151 = arith.constant 0 : i32
    %dma_wait3A_152 = arith.constant 0 : i32
    %dma_wait3A_153 = arith.constant 0 : i32
    %dma_wait3A_154 = tpu.memref_slice %arg8[%dma_wait3A_147, %dma_wait3A_148, %dma_wait3A_151, %dma_wait3A_152, %dma_wait3A_153] : memref<2x4x4x8x136xf32, #tpu.memory_space<vmem>> -> memref<1x1x4x8x128xf32, #tpu.memory_space<vmem>>
    %dma_wait3A_155 = tpu.memref_squeeze %dma_wait3A_154 : memref<1x1x4x8x128xf32, #tpu.memory_space<vmem>> -> memref<4x8x128xf32, #tpu.memory_space<vmem>>
    %dma_wait3A_156 = arith.constant 0 : i32
    %dma_wait3A_157 = arith.constant 0 : i32
    %dma_wait3A_158 = tpu.memref_slice %arg4[%dma_wait3A_149, %dma_wait3A_150, %mul3A_4, %dma_wait3A_156, %dma_wait3A_157] : memref<100x4x128x8x128xf32, #tpu.memory_space<hbm>> -> memref<1x1x4x8x128xf32, #tpu.memory_space<hbm>>
    %dma_wait3A_159 = tpu.memref_squeeze %dma_wait3A_158 : memref<1x1x4x8x128xf32, #tpu.memory_space<hbm>> -> memref<4x8x128xf32, #tpu.memory_space<hbm>>
    %dma_wait3A_160 = arith.constant 0 : i32
    %dma_wait3A_161 = arith.constant 0 : i32
    %dma_wait3A_162 = tpu.memref_slice %arg4[%dma_wait3A_149, %dma_wait3A_150, %mul3A_4, %dma_wait3A_160, %dma_wait3A_161] : memref<100x4x128x8x128xf32, #tpu.memory_space<hbm>> -> memref<1x1x4x8x128xf32, #tpu.memory_space<hbm>>
    %dma_wait3A_163 = tpu.memref_squeeze %dma_wait3A_162 : memref<1x1x4x8x128xf32, #tpu.memory_space<hbm>> -> memref<4x8x128xf32, #tpu.memory_space<hbm>>
    %dma_wait3A_164 = arith.constant 0 : i32
    %dma_wait3A_165 = arith.constant 0 : i32
    %dma_wait3A_166 = arith.constant 0 : i32
    %dma_wait3A_167 = tpu.memref_slice %arg8[%dma_wait3A_147, %dma_wait3A_148, %dma_wait3A_164, %dma_wait3A_165, %dma_wait3A_166] : memref<2x4x4x8x136xf32, #tpu.memory_space<vmem>> -> memref<1x1x4x8x128xf32, #tpu.memory_space<vmem>>
    %dma_wait3A_168 = tpu.memref_squeeze %dma_wait3A_167 : memref<1x1x4x8x128xf32, #tpu.memory_space<vmem>> -> memref<4x8x128xf32, #tpu.memory_space<vmem>>
    tpu.wait_dma2 semaphore(%arg14 : memref<!tpu.dma_semaphore, #tpu.memory_space<semaphore_mem>>) src(%dma_wait3A_168 : memref<4x8x128xf32, #tpu.memory_space<vmem>>) dst(%dma_wait3A_163 : memref<4x8x128xf32, #tpu.memory_space<hbm>>)
    %parallel_loop3A = arith.constant 0 : i32
    %parallel_loop3A_169 = arith.constant 512 : i32
    %parallel_loop3A_170 = arith.constant 1 : i32
    scf.for %parallel_loop3A_435 = %parallel_loop3A to %parallel_loop3A_169 step %parallel_loop3A_170  : i32 {
      %parallel_loop3A_436 = arith.constant 7 : i32
      %parallel_loop3A_437 = arith.shrsi %parallel_loop3A_435, %parallel_loop3A_436 : i32
      %parallel_loop3A_438 = arith.constant 1088 : i32
      %parallel_loop3A_439 = arith.muli %parallel_loop3A_437, %parallel_loop3A_438 : i32
      %parallel_loop3A_440 = arith.constant 127 : i32
      %parallel_loop3A_441 = arith.andi %parallel_loop3A_435, %parallel_loop3A_440 : i32
      %parallel_loop3A_442 = arith.addi %parallel_loop3A_439, %parallel_loop3A_441 : i32
      %parallel_loop3A_443 = vector.broadcast %parallel_loop3A_442 : i32 to vector<16xi32>
      %parallel_loop3A_444 = arith.addi %add3A_16, %parallel_loop3A_443 : vector<16xi32>
      %parallel_loop3A_445 = arith.constant 8704 : i32
      %parallel_loop3A_446 = vector.broadcast %parallel_loop3A_445 : i32 to vector<16xi32>
      %parallel_loop3A_447 = arith.addi %parallel_loop3A_444, %parallel_loop3A_446 : vector<16xi32>
      %parallel_loop3A_448 = arith.constant 1 : i32
      %parallel_loop3A_449 = arith.index_cast %parallel_loop3A_448 : i32 to index
      %parallel_loop3A_450 = arith.index_cast %parallel_loop3A_435 : i32 to index
      %parallel_loop3A_451 = arith.constant 0 : index
      %parallel_loop3A_452 = tpu.vector_load %arg7[%parallel_loop3A_449, %parallel_loop3A_450, %parallel_loop3A_451] {strides = array<i32>} : memref<2x512x32xf32, #tpu.memory_space<vmem>>, vector<16xf32>,
      %parallel_loop3A_453 = arith.constant 1 : i32
      %parallel_loop3A_454 = arith.index_cast %parallel_loop3A_453 : i32 to index
      %parallel_loop3A_455 = arith.index_cast %parallel_loop3A_435 : i32 to index
      %parallel_loop3A_456 = arith.constant 16 : index
      %parallel_loop3A_457 = tpu.vector_load %arg7[%parallel_loop3A_454, %parallel_loop3A_455, %parallel_loop3A_456] {strides = array<i32>} : memref<2x512x32xf32, #tpu.memory_space<vmem>>, vector<16xf32>,
      %parallel_loop3A_458 = arith.constant 1 : i32
      %parallel_loop3A_459 = arith.constant 0 : i32
      %parallel_loop3A_460 = arith.constant 0 : i32
      %parallel_loop3A_461 = arith.constant 0 : i32
      %parallel_loop3A_462 = arith.constant 0 : i32
      %parallel_loop3A_463 = tpu.memref_slice %arg8[%parallel_loop3A_458, %parallel_loop3A_459, %parallel_loop3A_460, %parallel_loop3A_461, %parallel_loop3A_462] : memref<2x4x4x8x136xf32, #tpu.memory_space<vmem>> -> memref<1x4x4x8x136xf32, #tpu.memory_space<vmem>>
      %parallel_loop3A_464 = tpu.memref_squeeze %parallel_loop3A_463 : memref<1x4x4x8x136xf32, #tpu.memory_space<vmem>> -> memref<4x4x8x136xf32, #tpu.memory_space<vmem>>
      tpu.vector_store_idx %parallel_loop3A_464[%broadcast_in_dim3A_5, %broadcast_in_dim3A_5, %broadcast_in_dim3A_5, %parallel_loop3A_444], %parallel_loop3A_452 : memref<4x4x8x136xf32, #tpu.memory_space<vmem>>[vector<16xi32>, vector<16xi32>, vector<16xi32>, vector<16xi32>], vector<16xf32>,
      %parallel_loop3A_465 = arith.constant 1 : i32
      %parallel_loop3A_466 = arith.constant 0 : i32
      %parallel_loop3A_467 = arith.constant 0 : i32
      %parallel_loop3A_468 = arith.constant 0 : i32
      %parallel_loop3A_469 = arith.constant 0 : i32
      %parallel_loop3A_470 = tpu.memref_slice %arg8[%parallel_loop3A_465, %parallel_loop3A_466, %parallel_loop3A_467, %parallel_loop3A_468, %parallel_loop3A_469] : memref<2x4x4x8x136xf32, #tpu.memory_space<vmem>> -> memref<1x4x4x8x136xf32, #tpu.memory_space<vmem>>
      %parallel_loop3A_471 = tpu.memref_squeeze %parallel_loop3A_470 : memref<1x4x4x8x136xf32, #tpu.memory_space<vmem>> -> memref<4x4x8x136xf32, #tpu.memory_space<vmem>>
      tpu.vector_store_idx %parallel_loop3A_471[%broadcast_in_dim3A_5, %broadcast_in_dim3A_5, %broadcast_in_dim3A_5, %parallel_loop3A_447], %parallel_loop3A_457 : memref<4x4x8x136xf32, #tpu.memory_space<vmem>>[vector<16xi32>, vector<16xi32>, vector<16xi32>, vector<16xi32>], vector<16xf32>,
    } {sc.loop_unroll_factor = 4 : i64, sc.parallel_access}
    %dma_start3A_171 = arith.constant 1 : i32
    %dma_start3A_172 = arith.constant 0 : i32
    %dma_start3A_173 = arith.constant 99 : i32
    %dma_start3A_174 = arith.constant 0 : i32
    %dma_start3A_175 = arith.constant 0 : i32
    %dma_start3A_176 = arith.constant 0 : i32
    %dma_start3A_177 = arith.constant 0 : i32
    %dma_start3A_178 = tpu.memref_slice %arg8[%dma_start3A_171, %dma_start3A_172, %dma_start3A_175, %dma_start3A_176, %dma_start3A_177] : memref<2x4x4x8x136xf32, #tpu.memory_space<vmem>> -> memref<1x1x4x8x128xf32, #tpu.memory_space<vmem>>
    %dma_start3A_179 = tpu.memref_squeeze %dma_start3A_178 : memref<1x1x4x8x128xf32, #tpu.memory_space<vmem>> -> memref<4x8x128xf32, #tpu.memory_space<vmem>>
    %dma_start3A_180 = arith.constant 0 : i32
    %dma_start3A_181 = arith.constant 0 : i32
    %dma_start3A_182 = tpu.memref_slice %arg4[%dma_start3A_173, %dma_start3A_174, %mul3A_4, %dma_start3A_180, %dma_start3A_181] : memref<100x4x128x8x128xf32, #tpu.memory_space<hbm>> -> memref<1x1x4x8x128xf32, #tpu.memory_space<hbm>>
    %dma_start3A_183 = tpu.memref_squeeze %dma_start3A_182 : memref<1x1x4x8x128xf32, #tpu.memory_space<hbm>> -> memref<4x8x128xf32, #tpu.memory_space<hbm>>
    %dma_start3A_184 = arith.constant 0 : i32
    %dma_start3A_185 = arith.constant 0 : i32
    %dma_start3A_186 = tpu.memref_slice %arg4[%dma_start3A_173, %dma_start3A_174, %mul3A_4, %dma_start3A_184, %dma_start3A_185] : memref<100x4x128x8x128xf32, #tpu.memory_space<hbm>> -> memref<1x1x4x8x128xf32, #tpu.memory_space<hbm>>
    %dma_start3A_187 = tpu.memref_squeeze %dma_start3A_186 : memref<1x1x4x8x128xf32, #tpu.memory_space<hbm>> -> memref<4x8x128xf32, #tpu.memory_space<hbm>>
    %dma_start3A_188 = arith.constant 0 : i32
    %dma_start3A_189 = arith.constant 0 : i32
    %dma_start3A_190 = arith.constant 0 : i32
    %dma_start3A_191 = tpu.memref_slice %arg8[%dma_start3A_171, %dma_start3A_172, %dma_start3A_188, %dma_start3A_189, %dma_start3A_190] : memref<2x4x4x8x136xf32, #tpu.memory_space<vmem>> -> memref<1x1x4x8x128xf32, #tpu.memory_space<vmem>>
    %dma_start3A_192 = tpu.memref_squeeze %dma_start3A_191 : memref<1x1x4x8x128xf32, #tpu.memory_space<vmem>> -> memref<4x8x128xf32, #tpu.memory_space<vmem>>
    tpu.enqueue_dma source(%dma_start3A_192 : memref<4x8x128xf32, #tpu.memory_space<vmem>>) target(%dma_start3A_187 : memref<4x8x128xf32, #tpu.memory_space<hbm>>) target_semaphore(%arg14 : memref<!tpu.dma_semaphore, #tpu.memory_space<semaphore_mem>>)
    %dma_start3A_193 = arith.constant 1 : i32
    %dma_start3A_194 = arith.constant 1 : i32
    %dma_start3A_195 = arith.constant 99 : i32
    %dma_start3A_196 = arith.constant 1 : i32
    %dma_start3A_197 = arith.constant 0 : i32
    %dma_start3A_198 = arith.constant 0 : i32
    %dma_start3A_199 = arith.constant 0 : i32
    %dma_start3A_200 = tpu.memref_slice %arg8[%dma_start3A_193, %dma_start3A_194, %dma_start3A_197, %dma_start3A_198, %dma_start3A_199] : memref<2x4x4x8x136xf32, #tpu.memory_space<vmem>> -> memref<1x1x4x8x128xf32, #tpu.memory_space<vmem>>
    %dma_start3A_201 = tpu.memref_squeeze %dma_start3A_200 : memref<1x1x4x8x128xf32, #tpu.memory_space<vmem>> -> memref<4x8x128xf32, #tpu.memory_space<vmem>>
    %dma_start3A_202 = arith.constant 0 : i32
    %dma_start3A_203 = arith.constant 0 : i32
    %dma_start3A_204 = tpu.memref_slice %arg4[%dma_start3A_195, %dma_start3A_196, %mul3A_4, %dma_start3A_202, %dma_start3A_203] : memref<100x4x128x8x128xf32, #tpu.memory_space<hbm>> -> memref<1x1x4x8x128xf32, #tpu.memory_space<hbm>>
    %dma_start3A_205 = tpu.memref_squeeze %dma_start3A_204 : memref<1x1x4x8x128xf32, #tpu.memory_space<hbm>> -> memref<4x8x128xf32, #tpu.memory_space<hbm>>
    %dma_start3A_206 = arith.constant 0 : i32
    %dma_start3A_207 = arith.constant 0 : i32
    %dma_start3A_208 = tpu.memref_slice %arg4[%dma_start3A_195, %dma_start3A_196, %mul3A_4, %dma_start3A_206, %dma_start3A_207] : memref<100x4x128x8x128xf32, #tpu.memory_space<hbm>> -> memref<1x1x4x8x128xf32, #tpu.memory_space<hbm>>
    %dma_start3A_209 = tpu.memref_squeeze %dma_start3A_208 : memref<1x1x4x8x128xf32, #tpu.memory_space<hbm>> -> memref<4x8x128xf32, #tpu.memory_space<hbm>>
    %dma_start3A_210 = arith.constant 0 : i32
    %dma_start3A_211 = arith.constant 0 : i32
    %dma_start3A_212 = arith.constant 0 : i32
    %dma_start3A_213 = tpu.memref_slice %arg8[%dma_start3A_193, %dma_start3A_194, %dma_start3A_210, %dma_start3A_211, %dma_start3A_212] : memref<2x4x4x8x136xf32, #tpu.memory_space<vmem>> -> memref<1x1x4x8x128xf32, #tpu.memory_space<vmem>>
    %dma_start3A_214 = tpu.memref_squeeze %dma_start3A_213 : memref<1x1x4x8x128xf32, #tpu.memory_space<vmem>> -> memref<4x8x128xf32, #tpu.memory_space<vmem>>
    tpu.enqueue_dma source(%dma_start3A_214 : memref<4x8x128xf32, #tpu.memory_space<vmem>>) target(%dma_start3A_209 : memref<4x8x128xf32, #tpu.memory_space<hbm>>) target_semaphore(%arg14 : memref<!tpu.dma_semaphore, #tpu.memory_space<semaphore_mem>>)
    %dma_start3A_215 = arith.constant 1 : i32
    %dma_start3A_216 = arith.constant 2 : i32
    %dma_start3A_217 = arith.constant 99 : i32
    %dma_start3A_218 = arith.constant 2 : i32
    %dma_start3A_219 = arith.constant 0 : i32
    %dma_start3A_220 = arith.constant 0 : i32
    %dma_start3A_221 = arith.constant 0 : i32
    %dma_start3A_222 = tpu.memref_slice %arg8[%dma_start3A_215, %dma_start3A_216, %dma_start3A_219, %dma_start3A_220, %dma_start3A_221] : memref<2x4x4x8x136xf32, #tpu.memory_space<vmem>> -> memref<1x1x4x8x128xf32, #tpu.memory_space<vmem>>
    %dma_start3A_223 = tpu.memref_squeeze %dma_start3A_222 : memref<1x1x4x8x128xf32, #tpu.memory_space<vmem>> -> memref<4x8x128xf32, #tpu.memory_space<vmem>>
    %dma_start3A_224 = arith.constant 0 : i32
    %dma_start3A_225 = arith.constant 0 : i32
    %dma_start3A_226 = tpu.memref_slice %arg4[%dma_start3A_217, %dma_start3A_218, %mul3A_4, %dma_start3A_224, %dma_start3A_225] : memref<100x4x128x8x128xf32, #tpu.memory_space<hbm>> -> memref<1x1x4x8x128xf32, #tpu.memory_space<hbm>>
    %dma_start3A_227 = tpu.memref_squeeze %dma_start3A_226 : memref<1x1x4x8x128xf32, #tpu.memory_space<hbm>> -> memref<4x8x128xf32, #tpu.memory_space<hbm>>
    %dma_start3A_228 = arith.constant 0 : i32
    %dma_start3A_229 = arith.constant 0 : i32
    %dma_start3A_230 = tpu.memref_slice %arg4[%dma_start3A_217, %dma_start3A_218, %mul3A_4, %dma_start3A_228, %dma_start3A_229] : memref<100x4x128x8x128xf32, #tpu.memory_space<hbm>> -> memref<1x1x4x8x128xf32, #tpu.memory_space<hbm>>
    %dma_start3A_231 = tpu.memref_squeeze %dma_start3A_230 : memref<1x1x4x8x128xf32, #tpu.memory_space<hbm>> -> memref<4x8x128xf32, #tpu.memory_space<hbm>>
    %dma_start3A_232 = arith.constant 0 : i32
    %dma_start3A_233 = arith.constant 0 : i32
    %dma_start3A_234 = arith.constant 0 : i32
    %dma_start3A_235 = tpu.memref_slice %arg8[%dma_start3A_215, %dma_start3A_216, %dma_start3A_232, %dma_start3A_233, %dma_start3A_234] : memref<2x4x4x8x136xf32, #tpu.memory_space<vmem>> -> memref<1x1x4x8x128xf32, #tpu.memory_space<vmem>>
    %dma_start3A_236 = tpu.memref_squeeze %dma_start3A_235 : memref<1x1x4x8x128xf32, #tpu.memory_space<vmem>> -> memref<4x8x128xf32, #tpu.memory_space<vmem>>
    tpu.enqueue_dma source(%dma_start3A_236 : memref<4x8x128xf32, #tpu.memory_space<vmem>>) target(%dma_start3A_231 : memref<4x8x128xf32, #tpu.memory_space<hbm>>) target_semaphore(%arg14 : memref<!tpu.dma_semaphore, #tpu.memory_space<semaphore_mem>>)
    %dma_start3A_237 = arith.constant 1 : i32
    %dma_start3A_238 = arith.constant 3 : i32
    %dma_start3A_239 = arith.constant 99 : i32
    %dma_start3A_240 = arith.constant 3 : i32
    %dma_start3A_241 = arith.constant 0 : i32
    %dma_start3A_242 = arith.constant 0 : i32
    %dma_start3A_243 = arith.constant 0 : i32
    %dma_start3A_244 = tpu.memref_slice %arg8[%dma_start3A_237, %dma_start3A_238, %dma_start3A_241, %dma_start3A_242, %dma_start3A_243] : memref<2x4x4x8x136xf32, #tpu.memory_space<vmem>> -> memref<1x1x4x8x128xf32, #tpu.memory_space<vmem>>
    %dma_start3A_245 = tpu.memref_squeeze %dma_start3A_244 : memref<1x1x4x8x128xf32, #tpu.memory_space<vmem>> -> memref<4x8x128xf32, #tpu.memory_space<vmem>>
    %dma_start3A_246 = arith.constant 0 : i32
    %dma_start3A_247 = arith.constant 0 : i32
    %dma_start3A_248 = tpu.memref_slice %arg4[%dma_start3A_239, %dma_start3A_240, %mul3A_4, %dma_start3A_246, %dma_start3A_247] : memref<100x4x128x8x128xf32, #tpu.memory_space<hbm>> -> memref<1x1x4x8x128xf32, #tpu.memory_space<hbm>>
    %dma_start3A_249 = tpu.memref_squeeze %dma_start3A_248 : memref<1x1x4x8x128xf32, #tpu.memory_space<hbm>> -> memref<4x8x128xf32, #tpu.memory_space<hbm>>
    %dma_start3A_250 = arith.constant 0 : i32
    %dma_start3A_251 = arith.constant 0 : i32
    %dma_start3A_252 = tpu.memref_slice %arg4[%dma_start3A_239, %dma_start3A_240, %mul3A_4, %dma_start3A_250, %dma_start3A_251] : memref<100x4x128x8x128xf32, #tpu.memory_space<hbm>> -> memref<1x1x4x8x128xf32, #tpu.memory_space<hbm>>
    %dma_start3A_253 = tpu.memref_squeeze %dma_start3A_252 : memref<1x1x4x8x128xf32, #tpu.memory_space<hbm>> -> memref<4x8x128xf32, #tpu.memory_space<hbm>>
    %dma_start3A_254 = arith.constant 0 : i32
    %dma_start3A_255 = arith.constant 0 : i32
    %dma_start3A_256 = arith.constant 0 : i32
    %dma_start3A_257 = tpu.memref_slice %arg8[%dma_start3A_237, %dma_start3A_238, %dma_start3A_254, %dma_start3A_255, %dma_start3A_256] : memref<2x4x4x8x136xf32, #tpu.memory_space<vmem>> -> memref<1x1x4x8x128xf32, #tpu.memory_space<vmem>>
    %dma_start3A_258 = tpu.memref_squeeze %dma_start3A_257 : memref<1x1x4x8x128xf32, #tpu.memory_space<vmem>> -> memref<4x8x128xf32, #tpu.memory_space<vmem>>
    tpu.enqueue_dma source(%dma_start3A_258 : memref<4x8x128xf32, #tpu.memory_space<vmem>>) target(%dma_start3A_253 : memref<4x8x128xf32, #tpu.memory_space<hbm>>) target_semaphore(%arg14 : memref<!tpu.dma_semaphore, #tpu.memory_space<semaphore_mem>>)
    %dma_wait3A_259 = arith.constant 0 : i32
    %dma_wait3A_260 = arith.constant 0 : i32
    %dma_wait3A_261 = arith.constant 98 : i32
    %dma_wait3A_262 = arith.constant 0 : i32
    %dma_wait3A_263 = arith.constant 0 : i32
    %dma_wait3A_264 = arith.constant 0 : i32
    %dma_wait3A_265 = arith.constant 0 : i32
    %dma_wait3A_266 = tpu.memref_slice %arg8[%dma_wait3A_259, %dma_wait3A_260, %dma_wait3A_263, %dma_wait3A_264, %dma_wait3A_265] : memref<2x4x4x8x136xf32, #tpu.memory_space<vmem>> -> memref<1x1x4x8x128xf32, #tpu.memory_space<vmem>>
    %dma_wait3A_267 = tpu.memref_squeeze %dma_wait3A_266 : memref<1x1x4x8x128xf32, #tpu.memory_space<vmem>> -> memref<4x8x128xf32, #tpu.memory_space<vmem>>
    %dma_wait3A_268 = arith.constant 0 : i32
    %dma_wait3A_269 = arith.constant 0 : i32
    %dma_wait3A_270 = tpu.memref_slice %arg4[%dma_wait3A_261, %dma_wait3A_262, %mul3A_4, %dma_wait3A_268, %dma_wait3A_269] : memref<100x4x128x8x128xf32, #tpu.memory_space<hbm>> -> memref<1x1x4x8x128xf32, #tpu.memory_space<hbm>>
    %dma_wait3A_271 = tpu.memref_squeeze %dma_wait3A_270 : memref<1x1x4x8x128xf32, #tpu.memory_space<hbm>> -> memref<4x8x128xf32, #tpu.memory_space<hbm>>
    %dma_wait3A_272 = arith.constant 0 : i32
    %dma_wait3A_273 = arith.constant 0 : i32
    %dma_wait3A_274 = tpu.memref_slice %arg4[%dma_wait3A_261, %dma_wait3A_262, %mul3A_4, %dma_wait3A_272, %dma_wait3A_273] : memref<100x4x128x8x128xf32, #tpu.memory_space<hbm>> -> memref<1x1x4x8x128xf32, #tpu.memory_space<hbm>>
    %dma_wait3A_275 = tpu.memref_squeeze %dma_wait3A_274 : memref<1x1x4x8x128xf32, #tpu.memory_space<hbm>> -> memref<4x8x128xf32, #tpu.memory_space<hbm>>
    %dma_wait3A_276 = arith.constant 0 : i32
    %dma_wait3A_277 = arith.constant 0 : i32
    %dma_wait3A_278 = arith.constant 0 : i32
    %dma_wait3A_279 = tpu.memref_slice %arg8[%dma_wait3A_259, %dma_wait3A_260, %dma_wait3A_276, %dma_wait3A_277, %dma_wait3A_278] : memref<2x4x4x8x136xf32, #tpu.memory_space<vmem>> -> memref<1x1x4x8x128xf32, #tpu.memory_space<vmem>>
    %dma_wait3A_280 = tpu.memref_squeeze %dma_wait3A_279 : memref<1x1x4x8x128xf32, #tpu.memory_space<vmem>> -> memref<4x8x128xf32, #tpu.memory_space<vmem>>
    tpu.wait_dma2 semaphore(%arg13 : memref<!tpu.dma_semaphore, #tpu.memory_space<semaphore_mem>>) src(%dma_wait3A_280 : memref<4x8x128xf32, #tpu.memory_space<vmem>>) dst(%dma_wait3A_275 : memref<4x8x128xf32, #tpu.memory_space<hbm>>)
    %dma_wait3A_281 = arith.constant 0 : i32
    %dma_wait3A_282 = arith.constant 1 : i32
    %dma_wait3A_283 = arith.constant 98 : i32
    %dma_wait3A_284 = arith.constant 1 : i32
    %dma_wait3A_285 = arith.constant 0 : i32
    %dma_wait3A_286 = arith.constant 0 : i32
    %dma_wait3A_287 = arith.constant 0 : i32
    %dma_wait3A_288 = tpu.memref_slice %arg8[%dma_wait3A_281, %dma_wait3A_282, %dma_wait3A_285, %dma_wait3A_286, %dma_wait3A_287] : memref<2x4x4x8x136xf32, #tpu.memory_space<vmem>> -> memref<1x1x4x8x128xf32, #tpu.memory_space<vmem>>
    %dma_wait3A_289 = tpu.memref_squeeze %dma_wait3A_288 : memref<1x1x4x8x128xf32, #tpu.memory_space<vmem>> -> memref<4x8x128xf32, #tpu.memory_space<vmem>>
    %dma_wait3A_290 = arith.constant 0 : i32
    %dma_wait3A_291 = arith.constant 0 : i32
    %dma_wait3A_292 = tpu.memref_slice %arg4[%dma_wait3A_283, %dma_wait3A_284, %mul3A_4, %dma_wait3A_290, %dma_wait3A_291] : memref<100x4x128x8x128xf32, #tpu.memory_space<hbm>> -> memref<1x1x4x8x128xf32, #tpu.memory_space<hbm>>
    %dma_wait3A_293 = tpu.memref_squeeze %dma_wait3A_292 : memref<1x1x4x8x128xf32, #tpu.memory_space<hbm>> -> memref<4x8x128xf32, #tpu.memory_space<hbm>>
    %dma_wait3A_294 = arith.constant 0 : i32
    %dma_wait3A_295 = arith.constant 0 : i32
    %dma_wait3A_296 = tpu.memref_slice %arg4[%dma_wait3A_283, %dma_wait3A_284, %mul3A_4, %dma_wait3A_294, %dma_wait3A_295] : memref<100x4x128x8x128xf32, #tpu.memory_space<hbm>> -> memref<1x1x4x8x128xf32, #tpu.memory_space<hbm>>
    %dma_wait3A_297 = tpu.memref_squeeze %dma_wait3A_296 : memref<1x1x4x8x128xf32, #tpu.memory_space<hbm>> -> memref<4x8x128xf32, #tpu.memory_space<hbm>>
    %dma_wait3A_298 = arith.constant 0 : i32
    %dma_wait3A_299 = arith.constant 0 : i32
    %dma_wait3A_300 = arith.constant 0 : i32
    %dma_wait3A_301 = tpu.memref_slice %arg8[%dma_wait3A_281, %dma_wait3A_282, %dma_wait3A_298, %dma_wait3A_299, %dma_wait3A_300] : memref<2x4x4x8x136xf32, #tpu.memory_space<vmem>> -> memref<1x1x4x8x128xf32, #tpu.memory_space<vmem>>
    %dma_wait3A_302 = tpu.memref_squeeze %dma_wait3A_301 : memref<1x1x4x8x128xf32, #tpu.memory_space<vmem>> -> memref<4x8x128xf32, #tpu.memory_space<vmem>>
    tpu.wait_dma2 semaphore(%arg13 : memref<!tpu.dma_semaphore, #tpu.memory_space<semaphore_mem>>) src(%dma_wait3A_302 : memref<4x8x128xf32, #tpu.memory_space<vmem>>) dst(%dma_wait3A_297 : memref<4x8x128xf32, #tpu.memory_space<hbm>>)
    %dma_wait3A_303 = arith.constant 0 : i32
    %dma_wait3A_304 = arith.constant 2 : i32
    %dma_wait3A_305 = arith.constant 98 : i32
    %dma_wait3A_306 = arith.constant 2 : i32
    %dma_wait3A_307 = arith.constant 0 : i32
    %dma_wait3A_308 = arith.constant 0 : i32
    %dma_wait3A_309 = arith.constant 0 : i32
    %dma_wait3A_310 = tpu.memref_slice %arg8[%dma_wait3A_303, %dma_wait3A_304, %dma_wait3A_307, %dma_wait3A_308, %dma_wait3A_309] : memref<2x4x4x8x136xf32, #tpu.memory_space<vmem>> -> memref<1x1x4x8x128xf32, #tpu.memory_space<vmem>>
    %dma_wait3A_311 = tpu.memref_squeeze %dma_wait3A_310 : memref<1x1x4x8x128xf32, #tpu.memory_space<vmem>> -> memref<4x8x128xf32, #tpu.memory_space<vmem>>
    %dma_wait3A_312 = arith.constant 0 : i32
    %dma_wait3A_313 = arith.constant 0 : i32
    %dma_wait3A_314 = tpu.memref_slice %arg4[%dma_wait3A_305, %dma_wait3A_306, %mul3A_4, %dma_wait3A_312, %dma_wait3A_313] : memref<100x4x128x8x128xf32, #tpu.memory_space<hbm>> -> memref<1x1x4x8x128xf32, #tpu.memory_space<hbm>>
    %dma_wait3A_315 = tpu.memref_squeeze %dma_wait3A_314 : memref<1x1x4x8x128xf32, #tpu.memory_space<hbm>> -> memref<4x8x128xf32, #tpu.memory_space<hbm>>
    %dma_wait3A_316 = arith.constant 0 : i32
    %dma_wait3A_317 = arith.constant 0 : i32
    %dma_wait3A_318 = tpu.memref_slice %arg4[%dma_wait3A_305, %dma_wait3A_306, %mul3A_4, %dma_wait3A_316, %dma_wait3A_317] : memref<100x4x128x8x128xf32, #tpu.memory_space<hbm>> -> memref<1x1x4x8x128xf32, #tpu.memory_space<hbm>>
    %dma_wait3A_319 = tpu.memref_squeeze %dma_wait3A_318 : memref<1x1x4x8x128xf32, #tpu.memory_space<hbm>> -> memref<4x8x128xf32, #tpu.memory_space<hbm>>
    %dma_wait3A_320 = arith.constant 0 : i32
    %dma_wait3A_321 = arith.constant 0 : i32
    %dma_wait3A_322 = arith.constant 0 : i32
    %dma_wait3A_323 = tpu.memref_slice %arg8[%dma_wait3A_303, %dma_wait3A_304, %dma_wait3A_320, %dma_wait3A_321, %dma_wait3A_322] : memref<2x4x4x8x136xf32, #tpu.memory_space<vmem>> -> memref<1x1x4x8x128xf32, #tpu.memory_space<vmem>>
    %dma_wait3A_324 = tpu.memref_squeeze %dma_wait3A_323 : memref<1x1x4x8x128xf32, #tpu.memory_space<vmem>> -> memref<4x8x128xf32, #tpu.memory_space<vmem>>
    tpu.wait_dma2 semaphore(%arg13 : memref<!tpu.dma_semaphore, #tpu.memory_space<semaphore_mem>>) src(%dma_wait3A_324 : memref<4x8x128xf32, #tpu.memory_space<vmem>>) dst(%dma_wait3A_319 : memref<4x8x128xf32, #tpu.memory_space<hbm>>)
    %dma_wait3A_325 = arith.constant 0 : i32
    %dma_wait3A_326 = arith.constant 3 : i32
    %dma_wait3A_327 = arith.constant 98 : i32
    %dma_wait3A_328 = arith.constant 3 : i32
    %dma_wait3A_329 = arith.constant 0 : i32
    %dma_wait3A_330 = arith.constant 0 : i32
    %dma_wait3A_331 = arith.constant 0 : i32
    %dma_wait3A_332 = tpu.memref_slice %arg8[%dma_wait3A_325, %dma_wait3A_326, %dma_wait3A_329, %dma_wait3A_330, %dma_wait3A_331] : memref<2x4x4x8x136xf32, #tpu.memory_space<vmem>> -> memref<1x1x4x8x128xf32, #tpu.memory_space<vmem>>
    %dma_wait3A_333 = tpu.memref_squeeze %dma_wait3A_332 : memref<1x1x4x8x128xf32, #tpu.memory_space<vmem>> -> memref<4x8x128xf32, #tpu.memory_space<vmem>>
    %dma_wait3A_334 = arith.constant 0 : i32
    %dma_wait3A_335 = arith.constant 0 : i32
    %dma_wait3A_336 = tpu.memref_slice %arg4[%dma_wait3A_327, %dma_wait3A_328, %mul3A_4, %dma_wait3A_334, %dma_wait3A_335] : memref<100x4x128x8x128xf32, #tpu.memory_space<hbm>> -> memref<1x1x4x8x128xf32, #tpu.memory_space<hbm>>
    %dma_wait3A_337 = tpu.memref_squeeze %dma_wait3A_336 : memref<1x1x4x8x128xf32, #tpu.memory_space<hbm>> -> memref<4x8x128xf32, #tpu.memory_space<hbm>>
    %dma_wait3A_338 = arith.constant 0 : i32
    %dma_wait3A_339 = arith.constant 0 : i32
    %dma_wait3A_340 = tpu.memref_slice %arg4[%dma_wait3A_327, %dma_wait3A_328, %mul3A_4, %dma_wait3A_338, %dma_wait3A_339] : memref<100x4x128x8x128xf32, #tpu.memory_space<hbm>> -> memref<1x1x4x8x128xf32, #tpu.memory_space<hbm>>
    %dma_wait3A_341 = tpu.memref_squeeze %dma_wait3A_340 : memref<1x1x4x8x128xf32, #tpu.memory_space<hbm>> -> memref<4x8x128xf32, #tpu.memory_space<hbm>>
    %dma_wait3A_342 = arith.constant 0 : i32
    %dma_wait3A_343 = arith.constant 0 : i32
    %dma_wait3A_344 = arith.constant 0 : i32
    %dma_wait3A_345 = tpu.memref_slice %arg8[%dma_wait3A_325, %dma_wait3A_326, %dma_wait3A_342, %dma_wait3A_343, %dma_wait3A_344] : memref<2x4x4x8x136xf32, #tpu.memory_space<vmem>> -> memref<1x1x4x8x128xf32, #tpu.memory_space<vmem>>
    %dma_wait3A_346 = tpu.memref_squeeze %dma_wait3A_345 : memref<1x1x4x8x128xf32, #tpu.memory_space<vmem>> -> memref<4x8x128xf32, #tpu.memory_space<vmem>>
    tpu.wait_dma2 semaphore(%arg13 : memref<!tpu.dma_semaphore, #tpu.memory_space<semaphore_mem>>) src(%dma_wait3A_346 : memref<4x8x128xf32, #tpu.memory_space<vmem>>) dst(%dma_wait3A_341 : memref<4x8x128xf32, #tpu.memory_space<hbm>>)
    %dma_wait3A_347 = arith.constant 1 : i32
    %dma_wait3A_348 = arith.constant 0 : i32
    %dma_wait3A_349 = arith.constant 99 : i32
    %dma_wait3A_350 = arith.constant 0 : i32
    %dma_wait3A_351 = arith.constant 0 : i32
    %dma_wait3A_352 = arith.constant 0 : i32
    %dma_wait3A_353 = arith.constant 0 : i32
    %dma_wait3A_354 = tpu.memref_slice %arg8[%dma_wait3A_347, %dma_wait3A_348, %dma_wait3A_351, %dma_wait3A_352, %dma_wait3A_353] : memref<2x4x4x8x136xf32, #tpu.memory_space<vmem>> -> memref<1x1x4x8x128xf32, #tpu.memory_space<vmem>>
    %dma_wait3A_355 = tpu.memref_squeeze %dma_wait3A_354 : memref<1x1x4x8x128xf32, #tpu.memory_space<vmem>> -> memref<4x8x128xf32, #tpu.memory_space<vmem>>
    %dma_wait3A_356 = arith.constant 0 : i32
    %dma_wait3A_357 = arith.constant 0 : i32
    %dma_wait3A_358 = tpu.memref_slice %arg4[%dma_wait3A_349, %dma_wait3A_350, %mul3A_4, %dma_wait3A_356, %dma_wait3A_357] : memref<100x4x128x8x128xf32, #tpu.memory_space<hbm>> -> memref<1x1x4x8x128xf32, #tpu.memory_space<hbm>>
    %dma_wait3A_359 = tpu.memref_squeeze %dma_wait3A_358 : memref<1x1x4x8x128xf32, #tpu.memory_space<hbm>> -> memref<4x8x128xf32, #tpu.memory_space<hbm>>
    %dma_wait3A_360 = arith.constant 0 : i32
    %dma_wait3A_361 = arith.constant 0 : i32
    %dma_wait3A_362 = tpu.memref_slice %arg4[%dma_wait3A_349, %dma_wait3A_350, %mul3A_4, %dma_wait3A_360, %dma_wait3A_361] : memref<100x4x128x8x128xf32, #tpu.memory_space<hbm>> -> memref<1x1x4x8x128xf32, #tpu.memory_space<hbm>>
    %dma_wait3A_363 = tpu.memref_squeeze %dma_wait3A_362 : memref<1x1x4x8x128xf32, #tpu.memory_space<hbm>> -> memref<4x8x128xf32, #tpu.memory_space<hbm>>
    %dma_wait3A_364 = arith.constant 0 : i32
    %dma_wait3A_365 = arith.constant 0 : i32
    %dma_wait3A_366 = arith.constant 0 : i32
    %dma_wait3A_367 = tpu.memref_slice %arg8[%dma_wait3A_347, %dma_wait3A_348, %dma_wait3A_364, %dma_wait3A_365, %dma_wait3A_366] : memref<2x4x4x8x136xf32, #tpu.memory_space<vmem>> -> memref<1x1x4x8x128xf32, #tpu.memory_space<vmem>>
    %dma_wait3A_368 = tpu.memref_squeeze %dma_wait3A_367 : memref<1x1x4x8x128xf32, #tpu.memory_space<vmem>> -> memref<4x8x128xf32, #tpu.memory_space<vmem>>
    tpu.wait_dma2 semaphore(%arg14 : memref<!tpu.dma_semaphore, #tpu.memory_space<semaphore_mem>>) src(%dma_wait3A_368 : memref<4x8x128xf32, #tpu.memory_space<vmem>>) dst(%dma_wait3A_363 : memref<4x8x128xf32, #tpu.memory_space<hbm>>)
    %dma_wait3A_369 = arith.constant 1 : i32
    %dma_wait3A_370 = arith.constant 1 : i32
    %dma_wait3A_371 = arith.constant 99 : i32
    %dma_wait3A_372 = arith.constant 1 : i32
    %dma_wait3A_373 = arith.constant 0 : i32
    %dma_wait3A_374 = arith.constant 0 : i32
    %dma_wait3A_375 = arith.constant 0 : i32
    %dma_wait3A_376 = tpu.memref_slice %arg8[%dma_wait3A_369, %dma_wait3A_370, %dma_wait3A_373, %dma_wait3A_374, %dma_wait3A_375] : memref<2x4x4x8x136xf32, #tpu.memory_space<vmem>> -> memref<1x1x4x8x128xf32, #tpu.memory_space<vmem>>
    %dma_wait3A_377 = tpu.memref_squeeze %dma_wait3A_376 : memref<1x1x4x8x128xf32, #tpu.memory_space<vmem>> -> memref<4x8x128xf32, #tpu.memory_space<vmem>>
    %dma_wait3A_378 = arith.constant 0 : i32
    %dma_wait3A_379 = arith.constant 0 : i32
    %dma_wait3A_380 = tpu.memref_slice %arg4[%dma_wait3A_371, %dma_wait3A_372, %mul3A_4, %dma_wait3A_378, %dma_wait3A_379] : memref<100x4x128x8x128xf32, #tpu.memory_space<hbm>> -> memref<1x1x4x8x128xf32, #tpu.memory_space<hbm>>
    %dma_wait3A_381 = tpu.memref_squeeze %dma_wait3A_380 : memref<1x1x4x8x128xf32, #tpu.memory_space<hbm>> -> memref<4x8x128xf32, #tpu.memory_space<hbm>>
    %dma_wait3A_382 = arith.constant 0 : i32
    %dma_wait3A_383 = arith.constant 0 : i32
    %dma_wait3A_384 = tpu.memref_slice %arg4[%dma_wait3A_371, %dma_wait3A_372, %mul3A_4, %dma_wait3A_382, %dma_wait3A_383] : memref<100x4x128x8x128xf32, #tpu.memory_space<hbm>> -> memref<1x1x4x8x128xf32, #tpu.memory_space<hbm>>
    %dma_wait3A_385 = tpu.memref_squeeze %dma_wait3A_384 : memref<1x1x4x8x128xf32, #tpu.memory_space<hbm>> -> memref<4x8x128xf32, #tpu.memory_space<hbm>>
    %dma_wait3A_386 = arith.constant 0 : i32
    %dma_wait3A_387 = arith.constant 0 : i32
    %dma_wait3A_388 = arith.constant 0 : i32
    %dma_wait3A_389 = tpu.memref_slice %arg8[%dma_wait3A_369, %dma_wait3A_370, %dma_wait3A_386, %dma_wait3A_387, %dma_wait3A_388] : memref<2x4x4x8x136xf32, #tpu.memory_space<vmem>> -> memref<1x1x4x8x128xf32, #tpu.memory_space<vmem>>
    %dma_wait3A_390 = tpu.memref_squeeze %dma_wait3A_389 : memref<1x1x4x8x128xf32, #tpu.memory_space<vmem>> -> memref<4x8x128xf32, #tpu.memory_space<vmem>>
    tpu.wait_dma2 semaphore(%arg14 : memref<!tpu.dma_semaphore, #tpu.memory_space<semaphore_mem>>) src(%dma_wait3A_390 : memref<4x8x128xf32, #tpu.memory_space<vmem>>) dst(%dma_wait3A_385 : memref<4x8x128xf32, #tpu.memory_space<hbm>>)
    %dma_wait3A_391 = arith.constant 1 : i32
    %dma_wait3A_392 = arith.constant 2 : i32
    %dma_wait3A_393 = arith.constant 99 : i32
    %dma_wait3A_394 = arith.constant 2 : i32
    %dma_wait3A_395 = arith.constant 0 : i32
    %dma_wait3A_396 = arith.constant 0 : i32
    %dma_wait3A_397 = arith.constant 0 : i32
    %dma_wait3A_398 = tpu.memref_slice %arg8[%dma_wait3A_391, %dma_wait3A_392, %dma_wait3A_395, %dma_wait3A_396, %dma_wait3A_397] : memref<2x4x4x8x136xf32, #tpu.memory_space<vmem>> -> memref<1x1x4x8x128xf32, #tpu.memory_space<vmem>>
    %dma_wait3A_399 = tpu.memref_squeeze %dma_wait3A_398 : memref<1x1x4x8x128xf32, #tpu.memory_space<vmem>> -> memref<4x8x128xf32, #tpu.memory_space<vmem>>
    %dma_wait3A_400 = arith.constant 0 : i32
    %dma_wait3A_401 = arith.constant 0 : i32
    %dma_wait3A_402 = tpu.memref_slice %arg4[%dma_wait3A_393, %dma_wait3A_394, %mul3A_4, %dma_wait3A_400, %dma_wait3A_401] : memref<100x4x128x8x128xf32, #tpu.memory_space<hbm>> -> memref<1x1x4x8x128xf32, #tpu.memory_space<hbm>>
    %dma_wait3A_403 = tpu.memref_squeeze %dma_wait3A_402 : memref<1x1x4x8x128xf32, #tpu.memory_space<hbm>> -> memref<4x8x128xf32, #tpu.memory_space<hbm>>
    %dma_wait3A_404 = arith.constant 0 : i32
    %dma_wait3A_405 = arith.constant 0 : i32
    %dma_wait3A_406 = tpu.memref_slice %arg4[%dma_wait3A_393, %dma_wait3A_394, %mul3A_4, %dma_wait3A_404, %dma_wait3A_405] : memref<100x4x128x8x128xf32, #tpu.memory_space<hbm>> -> memref<1x1x4x8x128xf32, #tpu.memory_space<hbm>>
    %dma_wait3A_407 = tpu.memref_squeeze %dma_wait3A_406 : memref<1x1x4x8x128xf32, #tpu.memory_space<hbm>> -> memref<4x8x128xf32, #tpu.memory_space<hbm>>
    %dma_wait3A_408 = arith.constant 0 : i32
    %dma_wait3A_409 = arith.constant 0 : i32
    %dma_wait3A_410 = arith.constant 0 : i32
    %dma_wait3A_411 = tpu.memref_slice %arg8[%dma_wait3A_391, %dma_wait3A_392, %dma_wait3A_408, %dma_wait3A_409, %dma_wait3A_410] : memref<2x4x4x8x136xf32, #tpu.memory_space<vmem>> -> memref<1x1x4x8x128xf32, #tpu.memory_space<vmem>>
    %dma_wait3A_412 = tpu.memref_squeeze %dma_wait3A_411 : memref<1x1x4x8x128xf32, #tpu.memory_space<vmem>> -> memref<4x8x128xf32, #tpu.memory_space<vmem>>
    tpu.wait_dma2 semaphore(%arg14 : memref<!tpu.dma_semaphore, #tpu.memory_space<semaphore_mem>>) src(%dma_wait3A_412 : memref<4x8x128xf32, #tpu.memory_space<vmem>>) dst(%dma_wait3A_407 : memref<4x8x128xf32, #tpu.memory_space<hbm>>)
    %dma_wait3A_413 = arith.constant 1 : i32
    %dma_wait3A_414 = arith.constant 3 : i32
    %dma_wait3A_415 = arith.constant 99 : i32
    %dma_wait3A_416 = arith.constant 3 : i32
    %dma_wait3A_417 = arith.constant 0 : i32
    %dma_wait3A_418 = arith.constant 0 : i32
    %dma_wait3A_419 = arith.constant 0 : i32
    %dma_wait3A_420 = tpu.memref_slice %arg8[%dma_wait3A_413, %dma_wait3A_414, %dma_wait3A_417, %dma_wait3A_418, %dma_wait3A_419] : memref<2x4x4x8x136xf32, #tpu.memory_space<vmem>> -> memref<1x1x4x8x128xf32, #tpu.memory_space<vmem>>
    %dma_wait3A_421 = tpu.memref_squeeze %dma_wait3A_420 : memref<1x1x4x8x128xf32, #tpu.memory_space<vmem>> -> memref<4x8x128xf32, #tpu.memory_space<vmem>>
    %dma_wait3A_422 = arith.constant 0 : i32
    %dma_wait3A_423 = arith.constant 0 : i32
    %dma_wait3A_424 = tpu.memref_slice %arg4[%dma_wait3A_415, %dma_wait3A_416, %mul3A_4, %dma_wait3A_422, %dma_wait3A_423] : memref<100x4x128x8x128xf32, #tpu.memory_space<hbm>> -> memref<1x1x4x8x128xf32, #tpu.memory_space<hbm>>
    %dma_wait3A_425 = tpu.memref_squeeze %dma_wait3A_424 : memref<1x1x4x8x128xf32, #tpu.memory_space<hbm>> -> memref<4x8x128xf32, #tpu.memory_space<hbm>>
    %dma_wait3A_426 = arith.constant 0 : i32
    %dma_wait3A_427 = arith.constant 0 : i32
    %dma_wait3A_428 = tpu.memref_slice %arg4[%dma_wait3A_415, %dma_wait3A_416, %mul3A_4, %dma_wait3A_426, %dma_wait3A_427] : memref<100x4x128x8x128xf32, #tpu.memory_space<hbm>> -> memref<1x1x4x8x128xf32, #tpu.memory_space<hbm>>
    %dma_wait3A_429 = tpu.memref_squeeze %dma_wait3A_428 : memref<1x1x4x8x128xf32, #tpu.memory_space<hbm>> -> memref<4x8x128xf32, #tpu.memory_space<hbm>>
    %dma_wait3A_430 = arith.constant 0 : i32
    %dma_wait3A_431 = arith.constant 0 : i32
    %dma_wait3A_432 = arith.constant 0 : i32
    %dma_wait3A_433 = tpu.memref_slice %arg8[%dma_wait3A_413, %dma_wait3A_414, %dma_wait3A_430, %dma_wait3A_431, %dma_wait3A_432] : memref<2x4x4x8x136xf32, #tpu.memory_space<vmem>> -> memref<1x1x4x8x128xf32, #tpu.memory_space<vmem>>
    %dma_wait3A_434 = tpu.memref_squeeze %dma_wait3A_433 : memref<1x1x4x8x128xf32, #tpu.memory_space<vmem>> -> memref<4x8x128xf32, #tpu.memory_space<vmem>>
    tpu.wait_dma2 semaphore(%arg14 : memref<!tpu.dma_semaphore, #tpu.memory_space<semaphore_mem>>) src(%dma_wait3A_434 : memref<4x8x128xf32, #tpu.memory_space<vmem>>) dst(%dma_wait3A_429 : memref<4x8x128xf32, #tpu.memory_space<hbm>>)
    return
  }
}

</mosaic_0001>

<sc_bundles>
// kernel: kernel.3.cloned.1.call-start
scs
__scs_entry_jumppad:
0x0: {  	(pc) =	sbr.rel $0x88, $3  }
0x1: {  	(tag) =	ssettag $0x0;
	lr =	simm.s32 $0x1  }
0x2: {  	[smem:$0x3F9F] =	sst lr;
	_ =	strace $0xD0000000  }
0x3: {  	_ = 	snop  }
0x4: {  	_ = 	snop  }
0x5: {  	_ = 	snop  }
0x6: {  	_ = 	snop  }
0x7: {  	_ = 	snop  }
__scs_overlays_trampoline_lowered:
0x8: {  	[smem:$0x3FAE] =	sst s0  }
0x9: {  	[smem:$0x3FAF] =	sst s1  }
0xa: {  	[smem:$0x3FB0] =	sst s2  }
0xb: {  	[smem:$0x3FB1] =	sst s3  }
0xc: {  	[smem:$0x3FB2] =	sst s4  }
0xd: {  	[smem:$0x3FB3] =	sst s5  }
0xe: {  	[smem:$0x3FB4] =	sst s6  }
0xf: {  	[smem:$0x3FB5] =	sst s7  }
0x10: {  	[smem:$0x3FB6] =	sst s8  }
0x11: {  	[smem:$0x3FB7] =	sst s9;
	s0 =	simm.s32 @!p0 $0x0  }
0x12: {  	s1 =	sld [smem:$0x3F9D];
	s0 =	simm.s32 @p0 $0x1  }
0x13: {  	[smem:$0x3FB8] =	sst s0;
	s0 =	simm.s32 @!p1 $0x0  }
0x14: {  	s2 =	sld [smem:$0x3F9C];
	s0 =	simm.s32 @p1 $0x1  }
0x15: {  	[smem:$0x3FB9] =	sst s0;
	s0 =	simm.s32 @!p2 $0x0  }
0x16: {  	s3 =	sld [smem:$0x3FDB];
	s0 =	simm.s32 @p2 $0x1  }
0x17: {  	s4 =	simm.s32 $0x1BF5;
	[smem:$0x3FBB] =	sst s0  }
0x18: {  	s0 =	sld [smem:$0x3F9E];
	_ =	swait.ge [sflag:s4], $0x0  }
0x19: {  	s7 =	sld [smem:$0x3F9F]  }
0x1a: {  	s8 =	sadd.s32 $0xFFFFE003, lr  }
0x1b: {  	s9 =	sadd.s32 $0xFFFFFEF7, lr;
	s5 =	simm.s32 $0xFFFFFFFF;
	p2 =	slt.u32 s8, $0xFFFFF086  }
0x1c: {  	p1 =	slt.u32 s9, $0xF7A;
	s5 =	simm.s32 @!p2 $0x0  }
0x1d: {  	s5 =	simm.s32 @p1 $0x1;
	p0 =	seq.s32 s7, s2  }
0x1e: {  	s7 =	smul.u32 @!p0 $0xF7A, s2;
	p2 =	seq.s32 @!p0 s5, $0x0  }
0x1f: {  	s9 =	smul.u32 $0xF7A, s1;
	s8 =	simm.s32 @!p0 $0x1BF5;
	p2 =	por !p2, p0  }
0x20: {  	[sflag:s8] =	ssyncset.s32 @!p0 $0xFFFFF086;
	s6 =	sadd.s32 @!p0 s3, s7;
	s7 =	simm.s32 @!p0 $0x108  }
0x21: {  	s3 =	sadd.s32 s3, s9;
	s6 =	sadd.s32 @!p0 $0x88, s6;
	s7 =	simm.s32 @p2 $0x1082  }
0x22: {  	[simem:s7], [sflag:s8] =	dma.local @!p0 [hbm:s6], $0xF7A  }
0x23: {  	s9 =	sor.u32 $0xD0000000, s2;
	s6 =	simm.s32 $0x108;
	_ =	swait.ge @!p0 [sflag:s8], $0x0  }
0x24: {  	s3 =	sadd.s32 $0x88, s3;
	s6 =	simm.s32 @!p1 $0x1082;
	[sflag:s4] =	ssyncset.s32 $0xFFFFF086  }
0x25: {  	[simem:s6], [sflag:s4] =	dma.local [hbm:s3], $0xF7A  }
0x26: {  	[smem:$0x3F9F] =	sst s1;
	(tag) =	ssettag s2;
	_ =	strace s9  }
0x27: {  	s1 =	sld [smem:$0x3FAF]  }
0x28: {  	s2 =	sld [smem:$0x3FB0]  }
0x29: {  	s4 =	sld [smem:$0x3FB2]  }
0x2a: {  	p0 =	seq.s32 s5, $0x0;
	s5 =	sld [smem:$0x3FB3]  }
0x2b: {  	s6 =	sld [smem:$0x3FB4]  }
0x2c: {  	s7 =	sld [smem:$0x3FB5]  }
0x2d: {  	s3 =	simm.s32 $0x108;
	s8 =	sld [smem:$0x3FB6]  }
0x2e: {  	s3 =	simm.s32 @!p0 $0x1082;
	s9 =	sld [smem:$0x3FB7]  }
0x2f: {  	lr =	sadd.s32 s0, s3;
	s0 =	sld [smem:$0x3FAE]  }
0x30: {  	s3 =	sld [smem:$0x3FB1]  }
0x31: {  	[smem:$0x3FBA] =	sst s10  }
0x32: {  	s10 =	sld [smem:$0x3FB8];
	_ =	sdelay $0x3  }
0x33: {  	p0 =	seq.s32 s10, $0x1;
	s10 =	sld [smem:$0x3FBA];
	_ =	sdelay $0x3  }
0x34: {  	[smem:$0x3FBA] =	sst s10  }
0x35: {  	s10 =	sld [smem:$0x3FB9];
	_ =	sdelay $0x3  }
0x36: {  	p1 =	seq.s32 s10, $0x1;
	s10 =	sld [smem:$0x3FBA];
	_ =	sdelay $0x3  }
0x37: {  	[smem:$0x3FBA] =	sst s10  }
0x38: {  	s10 =	sld [smem:$0x3FBB]  }
0x39: {  	_ = 	snop;
	(pc) =	sbr.ind lr, $3  }
0x3a: {  	_ = 	snop  }
0x3b: {  	_ = 	snop  }
0x3c: {  	p2 =	seq.s32 s10, $0x1;
	s10 =	sld [smem:$0x3FBA]  }
0x3d: {  	_ =	shalt  }
0x3e: {  	_ =	shalt  }
0x3f: {  	_ =	shalt  }
0x40: {  	_ =	shalt  }
0x41: {  	_ =	shalt  }
0x42: {  	_ =	shalt  }
0x43: {  	_ =	shalt  }
0x44: {  	_ =	shalt  }
0x45: {  	_ =	shalt  }
0x46: {  	_ =	shalt  }
0x47: {  	_ =	shalt  }
0x48: {  	_ =	shalt  }
0x49: {  	_ =	shalt  }
0x4a: {  	_ =	shalt  }
0x4b: {  	_ =	shalt  }
0x4c: {  	_ =	shalt  }
0x4d: {  	_ =	shalt  }
0x4e: {  	_ =	shalt  }
0x4f: {  	_ =	shalt  }
0x50: {  	_ =	shalt  }
0x51: {  	_ =	shalt  }
0x52: {  	_ =	shalt  }
0x53: {  	_ =	shalt  }
0x54: {  	_ =	shalt  }
0x55: {  	_ =	shalt  }
0x56: {  	_ =	shalt  }
0x57: {  	_ =	shalt  }
0x58: {  	_ =	shalt  }
0x59: {  	_ =	shalt  }
0x5a: {  	_ =	shalt  }
0x5b: {  	_ =	shalt  }
0x5c: {  	_ =	shalt  }
0x5d: {  	_ =	shalt  }
0x5e: {  	_ =	shalt  }
0x5f: {  	_ =	shalt  }
0x60: {  	_ =	shalt  }
0x61: {  	_ =	shalt  }
0x62: {  	_ =	shalt  }
0x63: {  	_ =	shalt  }
0x64: {  	_ =	shalt  }
0x65: {  	_ =	shalt  }
0x66: {  	_ =	shalt  }
0x67: {  	_ =	shalt  }
0x68: {  	_ =	shalt  }
0x69: {  	_ =	shalt  }
0x6a: {  	_ =	shalt  }
0x6b: {  	_ =	shalt  }
0x6c: {  	_ =	shalt  }
0x6d: {  	_ =	shalt  }
0x6e: {  	_ =	shalt  }
0x6f: {  	_ =	shalt  }
0x70: {  	_ =	shalt  }
0x71: {  	_ =	shalt  }
0x72: {  	_ =	shalt  }
0x73: {  	_ =	shalt  }
0x74: {  	_ =	shalt  }
0x75: {  	_ =	shalt  }
0x76: {  	_ =	shalt  }
0x77: {  	_ =	shalt  }
0x78: {  	_ =	shalt  }
0x79: {  	_ =	shalt  }
0x7a: {  	_ =	shalt  }
0x7b: {  	_ =	shalt  }
0x7c: {  	_ =	shalt  }
0x7d: {  	_ =	shalt  }
0x7e: {  	_ =	shalt  }
0x7f: {  	_ =	shalt  }
0x80: {  	_ =	shalt  }
0x81: {  	_ =	shalt  }
0x82: {  	_ =	shalt  }
0x83: {  	_ =	shalt  }
0x84: {  	_ =	shalt  }
0x85: {  	_ =	shalt  }
0x86: {  	_ =	shalt  }
0x87: {  	_ =	shalt  }
.Lfunc_end0:
.L_simem_size_0:
called_computation_lowered:
.L_overlay_start_0:
0x88: {  	s2 =	sld [smem:$0x3FD9]  }
0x89: {  	s3 =	sld [smem:$0x3FFE];
	_ =	sdelay $0x1  }
0x8a: {  	s1 =	srdreg.scid  }
0x8b: {  	s0 =	sand.u32 $0x1, s1  }
0x8c: {  	s17 =	sshll.u32 s0, $0xA;
	s2 =	sadd.s32 s3, s2  }
0x8d: {  	s2 =	sadd.s32 s2, s17  }
0x8e: {  	[smem:$0x3FC6] =	sst s2  }
0x8f: {  	_ = 	snop  }
0x90: {  	s2 =	sld [smem:$0x3FD0];
	(tm) =	ssettm $0x1  }
0x91: {  	s18 =	sld [smem:$0x3FFB];
	_ =	sdelay $0x3  }
0x92: {  	_ =	strace s18  }
0x93: {  	s3 =	sld [smem:$0x3FFC];
	_ =	sdelay $0x3  }
0x94: {  	_ =	strace s3  }
0x95: {  	s3 =	sld [smem:$0x3FFD];
	_ =	sdelay $0x3  }
0x96: {  	_ =	strace s3  }
0x97: {  	_ =	strace $0x8FFFFFFF  }
0x98: {  	s19 =	sld [smem:$0x3FDB];
	_ =	sdelay $0x1  }
0x99: {  	s4 =	simm.s32 $_scs_section_size  }
0x9a: {  	s5 =	simm.s32 $_size__tile_overlayer_lowered;
	s6 =	simm.s32 $_tile_overlayer_lowered  }
0x9b: {  	s22 =	simm.s32 $0x1BFF;
	s21 =	sshll.u32 s6, $0x1;
	s3 =	sadd.s32 s4, s19  }
0x9c: {  	s7 =	simm.s32 $0x0;
	s20 =	sshll.u32 s5, $0x1;
	s5 =	sadd.s32 s21, s3  }
0x9d: {  	[timem:s7], [sflag:s22] =	dma.local [hbm:s5], s20  }
0x9e: {  	_ =	swait.ge [sflag:s22], s20  }
0x9f: {  	s4 =	ssub.s32 $0x0, s20;
	[sflag:s22] =	ssyncset.done $0x0  }
0xa0: {  	[sflag:s22] =	ssyncadd.s32 s4;
	_ =	sdelay $0x1  }
0xa1: {  	s23 =	simm.s32 $0x1B8B  }
0xa2: {  	_ =	swait.ge [sflag:s23], $0x1  }
0xa3: {  	[sflag:s23] =	ssyncset.done $0x0  }
0xa4: {  	s25 =	simm.s32 $0x1B8E;
	s24 =	sld [smem:$0x3FFE];
	[sflag:s23] =	ssyncadd.s32 $0xFFFFFFFF  }
0xa5: {  	s26 =	simm.s32 $execute0_lowered;
	[smem:$0x3FD2] =	sst s25  }
0xa6: {  	s5 =	sshll.u32 s26, $0x1;
	_ =	strace $0x80000046;
	[dreg:$0x1] =	wrdreg $0xFFFFFFFF  }
0xa7: {  	s28 =	simm.s32 $_size_execute0_lowered;
	s3 =	sadd.s32 s3, s5;
	[dreg:$0x0] =	wrdreg $0x0  }
0xa8: {  	s5 =	sshll.u32 s28, $0x1;
	[dreg:$0x2] =	wrdreg s3  }
0xa9: {  	[dreg:$0x3] =	wrdreg s5  }
0xaa: {  	[dreg:$0x4] =	wrdreg $0xC0  }
0xab: {  	_ =	task [dreg:s7], $0x5FFFF  }
0xac: {  	[dreg:$0x1] =	wrdreg $0xFFFFFFFF  }
0xad: {  	[dreg:$0x0] =	wrdreg $0x60  }
0xae: {  	[dreg:$0x2] =	wrdreg s24  }
0xaf: {  	[dreg:$0x3] =	wrdreg s2  }
0xb0: {  	[dreg:$0x4] =	wrdreg $0x9  }
0xb1: {  	_ =	task.clear_ibuf [dreg:s7], $0x5FFFF;
	_ =	strace $0x90000046  }
0xb2: {  	s29 =	simm.s32 $0x9;
	_ =	strace $0x80000048  }
0xb3: {  	_ =	swait.ge [sflag:s29], $0x1  }
0xb4: {  	[sflag:s29] =	ssyncadd.s32 $0xFFFFFFFF  }
0xb5: {  	_ =	strace $0x90000048  }
0xb6: {  	_ =	sfence  }
0xb7: {  	s30 =	sld [smem:$0x0];
	_ =	sdelay $0x2  }
0xb8: {  	s31 =	sshll.u32 s1, $0xD;
	s1 =	sshrl.u32 s1, $0x2  }
0xb9: {  	s3 =	sand.u32 $0x4000, s31;
	s1 =	sadd.s32 s1, s30  }
0xba: {  	s0 =	sor.u32 s3, s0;
	s1 =	sshll.u32 s1, $0x11  }
0xbb: {  	s0 =	sor.u32 s1, s0  }
0xbc: {  	s0 =	sadd.s32 $0x8F2B, s0  }
0xbd: {  	[sflag:s0] =	ssyncadd.remote.s32 $0x1  }
0xbe: {  	_ =	sfence.sel $0xFFFF  }
0xbf: {  	[dreg:$0x0] =	wrdreg $0xFFFFFFFF;
	(pc) =	sbr.abs _section_cstart, $3  }
0xc0: {  	[dreg:$0x1] =	wrdreg $0xFFFFFFFF  }
0xc1: {  	_ =	task.clear_ibuf [dreg:s7], $0x2FFFF;
	_ =	strace $0x9FFFFFFF  }
0xc2: {  	(tm) =	ssettm $0x7FFFFFFF  }
0xc3: {  	_ =	shalt  }
tec
execute0_lowered:
.L_overlay_start_1:
0x0: {  	(tag) =	ssettag $0x1  }
0x1: {  	v0 =	vimm.s32 $0x14B8;
	vm0 =	vcmask $0x300;
	v1 =	vimm.s32 $0x36B8  }
0x2: {  	s0 =	rddreg [dreg:$0x0];
	vm1 =	vcmask $0x704;
	v0 =	vsel vm0, $0x0, v0;
	v1 =	vsel vm0, $0x2200, v1  }
0x3: {  	s29 =	rddreg [dreg:$0x1];
	s2 =	simm.s32 $0x0;
	s3 =	srdreg.scid;
	vm15 =	vcmask $0xB08;
	v0 =	vsel vm1, $0x88, v0;
	v1 =	vsel vm1, $0x2288, v1  }
0x4: {  	s1 =	stileid.u32;
	vm4 =	vcmask $0xF0C;
	s18 =	simm.s32 $0x1;
	s20 =	simm.s32 $0x6;
	v0 =	vsel vm15, $0x110, v0;
	v1 =	vsel vm15, $0x2310, v1  }
0x5: {  	vm5 =	vcmask $0x1310;
	s21 =	simm.s32 $0x4;
	s22 =	simm.s32 $0x80;
	s30 =	simm.s32 $0x8800;
	v0 =	vsel vm4, $0x198, v0;
	v1 =	vsel vm4, $0x2398, v1  }
0x6: {  	vm6 =	vcmask $0x1714;
	[smem:$0x7FF] =	sst s2;
	s3 =	sand.u32 $0x1, s3;
	s4 =	sadd.s32 $0x600, s0;
	v0 =	vsel vm5, $0x220, v0;
	v1 =	vsel vm5, $0x2420, v1  }
0x7: {  	vm7 =	vcmask $0x1B18;
	s8 =	sshll.u32 s1, $0x1;
	s5 =	sadd.s32 $0xF42A00, s0;
	s10 =	sadd.s32 $0x4000, s29;
	v0 =	vsel vm6, $0x2A8, v0;
	v1 =	vsel vm6, $0x24A8, v1  }
0x8: {  	vm8 =	vcmask $0x1F1C;
	s11 =	sadd.s32 $0x8000, s29;
	s12 =	sadd.s32 $0xC000, s29;
	s6 =	ssub.s32 $0x2, s3;
	v0 =	vsel vm7, $0x330, v0;
	v1 =	vsel vm7, $0x2530, v1  }
0x9: {  	vm9 =	vcmask $0x2320;
	_ =	strace $0x80000047;
	s3 =	sor.u32 s3, s8;
	s7 =	sshrl.u32 s6, $0x1;
	v0 =	vsel vm8, $0x3B8, v0;
	v1 =	vsel vm8, $0x25B8, v1  }
0xa: {  	vm10 =	vcmask $0x2724;
	s8 =	simm.s32 $0x0;
	s24 =	sshll.u32 s3, $0x6;
	s23 =	ssub.s32 s6, s7;
	v0 =	vsel vm9, $0x1100, v0;
	v1 =	vsel vm9, $0x3300, v1  }
0xb: {  	vm11 =	vcmask $0x2B28;
	s6 =	sshll.u32 s3, $0x9;
	s3 =	sshll.u32 s3, $0xC;
	s25 =	sadd.s32 s4, s24;
	v0 =	vsel vm10, $0x1188, v0;
	v1 =	vsel vm10, $0x3388, v1  }
0xc: {  	vm12 =	vcmask $0x2F2C;
	s7 =	simm.s32 $0x3;
	[dreg:$0x3] =	wrdreg s25;
	s26 =	sor.u32 $0x8000, s6;
	v0 =	vsel vm11, $0x1210, v0;
	v1 =	vsel vm11, $0x3410, v1  }
0xd: {  	vm13 =	vcmask $0x3330;
	s28 =	sor.u32 $0xFFF80000, s3;
	s31 =	sadd.s32 s6, s29;
	[dreg:$0x4] =	wrdreg s26;
	v0 =	vsel vm12, $0x1298, v0;
	v1 =	vsel vm12, $0x3498, v1  }
0xe: {  	vm14 =	vcmask $0x3734;
	s0 =	smax.u32 s23, $0x1;
	s3 =	simm.s32 $0x2;
	[dreg:$0x5] =	wrdreg s28;
	v0 =	vsel vm13, $0x1320, v0;
	v1 =	vsel vm13, $0x3520, v1  }
0xf: {  	vm15 =	vcmask $0x3B38;
	s13 =	sadd.s32 $0x630000, s31;
	s14 =	sadd.s32 $0x634000, s31;
	s15 =	sadd.s32 $0x638000, s31;
	v0 =	vsel vm14, $0x13A8, v0;
	v1 =	vsel vm14, $0x35A8, v1  }
0x10: {  	s16 =	sadd.s32 $0x63C000, s31;
	[dreg:$0x6] =	wrdreg s0;
	s0 =	simm.s32 $0xCC00;
	v0 =	vsel vm15, $0x1430, v0;
	v1 =	vsel vm15, $0x3630, v1  }
.LBB2_1:
0x11: {  	[dreg:$0x7] =	wrdreg s8  }
0x12: {  	s1 =	rddreg [dreg:$0x3];
	s31 =	simm.s32 $0x0  }
0x13: {  	[tilespmem:s2], [sflag:$0x1] =	stream.linear.gather [hbm4b:s1+s2], $0x200, $0x38;
	[tilespmem:$0x11000] =	vst v63  }
.LBB2_2:
0x14: {  	s17 =	sshllo.u32 s31, $0x1  }
0x15: {  	s19 =	sshll.u32 s17, $0xE  }
0x16: {  	_ =	swait.ge [sflag:s18], $0x200;
	s19 =	sor.u32 s6, s19  }
0x17: {  	[sflag:s18] =	ssyncset.done $0x0;
	s19 =	sshrl.u32 s19, $0x3  }
0x18: {  	s1 =	simm.s32 $0x200;
	[sflag:s18] =	ssyncadd.s32 $0xFFFFFE00;
	s19 =	sadd.s32 s4, s19  }
0x19: {  	[tilespmem:s1], [sflag:$0x2] =	stream.linear.gather [hbm4b:s19+s2], $0x200, $0x38;
	[tilespmem:$0x11000] =	vst v63  }
0x1a: {  	v2 =	vld [tilespmem:$0x0]  }
0x1b: {  	v3 =	vld [tilespmem:$0x10]  }
0x1c: {  	v4 =	vld [tilespmem:$0x20]  }
0x1d: {  	s28 =	smul.u32 $0x4E20, s31;
	v5 =	vld [tilespmem:$0x30]  }
0x1e: {  	v6 =	vld [tilespmem:$0x40]  }
0x1f: {  	v7 =	vld [tilespmem:$0x50];
	v2 =	vadd.s32 s28, v2  }
0x20: {  	[tilespmem:$0x400] =	vst v2;
	v2 =	vadd.s32 s28, v3;
	v3 =	vld [tilespmem:$0x60]  }
0x21: {  	v44 =	vld [tilespmem:$0x70];
	[tilespmem:$0x410] =	vst v2;
	v2 =	vadd.s32 s28, v4  }
0x22: {  	v45 =	vld [tilespmem:$0x80];
	[tilespmem:$0x420] =	vst v2;
	v2 =	vadd.s32 s28, v5  }
0x23: {  	v46 =	vld [tilespmem:$0x90];
	[tilespmem:$0x430] =	vst v2;
	v2 =	vadd.s32 s28, v6  }
0x24: {  	v47 =	vld [tilespmem:$0xA0];
	[tilespmem:$0x440] =	vst v2;
	v2 =	vadd.s32 s28, v7  }
0x25: {  	[tilespmem:$0x450] =	vst v2;
	v2 =	vadd.s32 s28, v3;
	v3 =	vld [tilespmem:$0xB0]  }
0x26: {  	v48 =	vld [tilespmem:$0xC0];
	[tilespmem:$0x460] =	vst v2;
	v2 =	vadd.s32 s28, v44  }
0x27: {  	v49 =	vld [tilespmem:$0xD0];
	[tilespmem:$0x470] =	vst v2;
	v2 =	vadd.s32 s28, v45  }
0x28: {  	v50 =	vld [tilespmem:$0xE0];
	[tilespmem:$0x480] =	vst v2;
	v2 =	vadd.s32 s28, v46  }
0x29: {  	v51 =	vld [tilespmem:$0xF0];
	[tilespmem:$0x490] =	vst v2;
	v2 =	vadd.s32 s28, v47  }
0x2a: {  	[tilespmem:$0x4A0] =	vst v2;
	v2 =	vadd.s32 s28, v3;
	v3 =	vld [tilespmem:$0x100]  }
0x2b: {  	v52 =	vld [tilespmem:$0x110];
	[tilespmem:$0x4B0] =	vst v2;
	v2 =	vadd.s32 s28, v48  }
0x2c: {  	v53 =	vld [tilespmem:$0x120];
	[tilespmem:$0x4C0] =	vst v2;
	v2 =	vadd.s32 s28, v49  }
0x2d: {  	v54 =	vld [tilespmem:$0x130];
	[tilespmem:$0x4D0] =	vst v2;
	v2 =	vadd.s32 s28, v50  }
0x2e: {  	v55 =	vld [tilespmem:$0x140];
	[tilespmem:$0x4E0] =	vst v2;
	v2 =	vadd.s32 s28, v51  }
0x2f: {  	[tilespmem:$0x4F0] =	vst v2;
	v2 =	vadd.s32 s28, v3;
	v3 =	vld [tilespmem:$0x150]  }
0x30: {  	v56 =	vld [tilespmem:$0x160];
	[tilespmem:$0x500] =	vst v2;
	v2 =	vadd.s32 s28, v52  }
0x31: {  	v57 =	vld [tilespmem:$0x170];
	[tilespmem:$0x510] =	vst v2;
	v2 =	vadd.s32 s28, v53  }
0x32: {  	v58 =	vld [tilespmem:$0x180];
	[tilespmem:$0x520] =	vst v2;
	v2 =	vadd.s32 s28, v54  }
0x33: {  	v59 =	vld [tilespmem:$0x190];
	[tilespmem:$0x530] =	vst v2;
	v2 =	vadd.s32 s28, v55  }
0x34: {  	[tilespmem:$0x540] =	vst v2;
	v2 =	vadd.s32 s28, v3;
	v3 =	vld [tilespmem:$0x1A0]  }
0x35: {  	v60 =	vld [tilespmem:$0x1B0];
	[tilespmem:$0x550] =	vst v2;
	v2 =	vadd.s32 s28, v56  }
0x36: {  	v61 =	vld [tilespmem:$0x1C0];
	[tilespmem:$0x560] =	vst v2;
	v2 =	vadd.s32 s28, v57  }
0x37: {  	v62 =	vld [tilespmem:$0x1D0];
	[tilespmem:$0x570] =	vst v2;
	v2 =	vadd.s32 s28, v58  }
0x38: {  	v63 =	vld [tilespmem:$0x1E0];
	[tilespmem:$0x580] =	vst v2;
	v2 =	vadd.s32 s28, v59  }
0x39: {  	[tilespmem:$0x590] =	vst v2;
	v2 =	vadd.s32 s28, v3;
	v3 =	vld [tilespmem:$0x1F0]  }
0x3a: {  	p0 =	slt.u32 s31, $0x2;
	[tilespmem:$0x5A0] =	vst v2;
	v2 =	vadd.s32 s28, v60  }
.Ltmp0:
0x3b: {  	[tilespmem:$0x5B0] =	vst v2;
	v2 =	vadd.s32 s28, v61;
	(pc) =	sbr.rel @p0 .LBB2_4-.Ltmp0, $4  }
0x3c: {  	[tilespmem:$0x5C0] =	vst v2;
	v2 =	vadd.s32 s28, v62  }
0x3d: {  	[tilespmem:$0x5D0] =	vst v2;
	v2 =	vadd.s32 s28, v63  }
0x3e: {  	[tilespmem:$0x5E0] =	vst v2;
	v2 =	vadd.s32 s28, v3  }
0x3f: {  	[tilespmem:$0x5F0] =	vst v2  }
0x40: {  	_ =	swait.ge [sflag:s20], $0x1000  }
0x41: {  	[sflag:s20] =	ssyncset.done $0x0  }
0x42: {  	[sflag:s20] =	ssyncadd.s32 $0xFFFFF000  }
0x43: {  	_ =	swait.ge [sflag:s20], $0x1000  }
0x44: {  	[sflag:s20] =	ssyncset.done $0x0  }
0x45: {  	[sflag:s20] =	ssyncadd.s32 $0xFFFFF000  }
0x46: {  	_ =	swait.ge [sflag:s20], $0x1000  }
.Ltmp1:
0x47: {  	[sflag:s20] =	ssyncset.done $0x0;
	(pc) =	sbr.rel .LBB2_5-.Ltmp1, $4  }
0x48: {  	[sflag:s20] =	ssyncadd.s32 $0xFFFFF000  }
0x49: {  	_ =	swait.ge [sflag:s20], $0x1000  }
0x4a: {  	[sflag:s20] =	ssyncset.done $0x0  }
0x4b: {  	[sflag:s20] =	ssyncadd.s32 $0xFFFFF000  }
.LBB2_4:
0x4c: {  	p0 =	seq.s32 s31, $0x0  }
.Ltmp2:
0x4d: {  	_ = 	snop;
	(pc) =	sbr.rel @p0 .LBB2_16-.Ltmp2, $1  }
0x4e: {  	_ =	sdelay $0x3  }
.LBB2_5:
0x4f: {  	_ =	swait.ge [sflag:s21], $0x1000  }
0x50: {  	[sflag:s21] =	ssyncset.done $0x0  }
0x51: {  	[sflag:s21] =	ssyncadd.s32 $0xFFFFF000  }
0x52: {  	_ =	swait.ge [sflag:s21], $0x1000  }
0x53: {  	[sflag:s21] =	ssyncset.done $0x0  }
0x54: {  	[sflag:s21] =	ssyncadd.s32 $0xFFFFF000  }
0x55: {  	_ =	swait.ge [sflag:s21], $0x1000  }
0x56: {  	[sflag:s21] =	ssyncset.done $0x0  }
0x57: {  	[sflag:s21] =	ssyncadd.s32 $0xFFFFF000  }
0x58: {  	_ =	swait.ge [sflag:s21], $0x1000  }
0x59: {  	[sflag:s21] =	ssyncset.done $0x0  }
0x5a: {  	s1 =	simm.s32 $0x400;
	s9 =	simm.s32 $0x800;
	[sflag:s21] =	ssyncadd.s32 $0xFFFFF000  }
0x5b: {  	[tilespmem:s9], [sflag:$0x3] =	stream.indirect.gather [hbm4b:s5+s22], $0x20, s1, s22, $0xb8;
	[tilespmem:$0x11000] =	vst v63  }
0x5c: {  	s19 =	simm.s32 $0x480;
	s23 =	simm.s32 $0x1800  }
0x5d: {  	[tilespmem:s23], [sflag:$0x3] =	stream.indirect.gather [hbm4b:s5+s22], $0x20, s19, s22, $0xb8;
	[tilespmem:$0x11000] =	vst v63  }
0x5e: {  	s24 =	simm.s32 $0x500;
	s19 =	simm.s32 $0x0  }
0x5f: {  	s25 =	simm.s32 $0x2800;
	s23 =	simm.s32 $0x0;
	s19 =	smul.u32 $0x440, s19  }
0x60: {  	[tilespmem:s25], [sflag:$0x3] =	stream.indirect.gather [hbm4b:s5+s22], $0x20, s24, s22, $0xb8;
	[tilespmem:$0x11000] =	vst v63  }
0x61: {  	s26 =	simm.s32 $0x580;
	s23 =	sand.u32 $0x7C, s23;
	s24 =	simm.s32 $0x1  }
0x62: {  	s28 =	simm.s32 $0x3800;
	s24 =	sand.u32 $0x7D, s24;
	s23 =	sadd.s32 s23, s19  }
0x63: {  	[tilespmem:s28], [sflag:$0x3] =	stream.indirect.gather [hbm4b:s5+s22], $0x20, s26, s22, $0xb8;
	[tilespmem:$0x11000] =	vst v63  }
0x64: {  	s24 =	sadd.s32 s24, s19;
	v2 =	vmov s23  }
0x65: {  	s25 =	simm.s32 $0x4870;
	s26 =	simm.s32 $0x2;
	v3 =	vadd.s32 s23, v0;
	v4 =	vadd.s32 s24, v0;
	v5 =	vadd.s32 s24, v1  }
0x66: {  	s8 =	smov.u32 s29;
	s29 =	simm.s32 $0x3;
	v6 =	vld [tilespmem:s25+$0xFFFFFFB0];
	s26 =	sand.u32 $0x7E, s26;
	v3 =	vand.u32 $0x7FFFFFF8, v3;
	v2 =	vand.u32 $0x4, v2;
	v7 =	vmov s24  }
0x67: {  	v8 =	vld [tilespmem:s25+$0xFFFFFF90];
	s24 =	sand.u32 $0x7F, s29;
	s26 =	sadd.s32 s26, s19;
	v4 =	vand.u32 $0x7FFFFFF8, v4;
	v7 =	vand.u32 $0x5, v7;
	v9 =	vor.u32 v2, v3  }
0x68: {  	v12 =	vadd.s32 s23, v1;
	v10 =	vld [tilespmem:s25+$0x0];
	s24 =	sadd.s32 s24, s19;
	v3 =	vmov s26;
	v11 =	vor.u32 v7, v4  }
0x69: {  	s1 =	simm.s32 $0x0;
	s9 =	simm.s32 $0x5;
	v17 =	vld [tilespmem:s25+$0xFFFFFFF0];
	v4 =	vand.u32 $0x7FFFFFF8, v5;
	v5 =	vadd.s32 s26, v1;
	v16 =	vadd.s32 s24, v0  }
0x6a: {  	s28 =	smul.u32 $0x440, s1;
	s1 =	simm.s32 $0x6;
	v14 =	vld [tilespmem:s25+$0xFFFFFFC0];
	s19 =	simm.s32 $0x4;
	v18 =	vadd.s32 s24, v1;
	v15 =	vor.u32 v7, v4;
	v4 =	vadd.s32 s26, v0  }
0x6b: {  	s29 =	sand.u32 $0x7D, s9;
	s1 =	sand.u32 $0x7E, s1;
	v19 =	vld [tilespmem:s25+$0xFFFFFFD0];
	v7 =	vand.u32 $0x6, v3;
	v5 =	vand.u32 $0x7FFFFFF8, v5;
	s26 =	sand.u32 $0x7C, s19;
	v13 =	vand.u32 $0x7FFFFFF8, v4  }
0x6c: {  	s24 =	sadd.s32 s1, s28;
	v3 =	vld [tilespmem:s25+$0xFFFFFFA0];
	v4 =	vor.u32 v7, v5;
	s9 =	sadd.s32 s26, s28;
	v5 =	vand.u32 $0x7FFFFFF8, v12;
	s26 =	sadd.s32 s29, s28;
	v20 =	vor.u32 v7, v13;
	[tilespmem:v9+s0+$0x0] =	vst.idx.msk $0xffff, v8  }
0x6d: {  	v21 =	vmov s24;
	v7 =	vor.u32 v2, v5;
	v5 =	vadd.s32 s26, v0;
	[tilespmem:v11+s0+$0x0] =	vst.idx.msk $0xffff, v6;
	v11 =	vld [tilespmem:s25+$0xFFFFFFE0]  }
0x6e: {  	s23 =	simm.s32 $0x48F0;
	v13 =	vadd.s32 s26, v1;
	v8 =	vmov s9;
	v9 =	vadd.s32 s9, v0;
	[tilespmem:v16+s0+$0x0] =	vst.idx.msk $0xffff, v17  }
0x6f: {  	s1 =	simm.s32 $0x7;
	v2 =	vld [tilespmem:s23+$0xFFFFFFB0];
	v9 =	vand.u32 $0x7FFFFFF8, v9;
	v6 =	vand.u32 $0x4, v8;
	v8 =	vmov s26;
	[tilespmem:v15+s0+$0x0] =	vst.idx.msk $0xffff, v14  }
0x70: {  	s29 =	sand.u32 $0x7F, s1;
	v16 =	vand.u32 $0x7FFFFFF8, v5;
	v5 =	vld [tilespmem:s23+$0x0];
	v14 =	vand.u32 $0x5, v8;
	v15 =	vadd.s32 s24, v1;
	[tilespmem:v18+s0+$0x0] =	vst.idx.msk $0xffff, v10  }
0x71: {  	s26 =	sadd.s32 s29, s28;
	s25 =	simm.s32 $0x4970;
	v8 =	vadd.s32 s9, v1;
	v10 =	vld [tilespmem:s23+$0xFFFFFF90];
	v12 =	vor.u32 v6, v9;
	v9 =	vand.u32 $0x6, v21;
	[tilespmem:v20+s0+$0x0] =	vst.idx.msk $0xffff, v19  }
.LBB2_6:
0x72: {  	s9 =	sadd.s32 $0x5, s19;
	v17 =	vld [tilespmem:s25+$0xFFFFFFB0];
	v16 =	vor.u32 v14, v16;
	v13 =	vand.u32 $0x7FFFFFF8, v13;
	v15 =	vand.u32 $0x7FFFFFF8, v15;
	[tilespmem:v4+s0+$0x0] =	vst.idx.msk $0xffff, v11;
	s28 =	smov.u32 s19;
	s19 =	sadd.s32 $0x4, s19  }
0x73: {  	s29 =	sshrl.u32 s19, $0x7;
	s9 =	sand.u32 $0x7D, s9;
	p0 =	slt.u32 s19, $0x1FC;
	v18 =	vld [tilespmem:s23+$0xFFFFFFC0];
	v14 =	vor.u32 v14, v13;
	v4 =	vor.u32 v9, v15;
	v15 =	vadd.s32 s26, v0;
	[tilespmem:v7+s0+$0x0] =	vst.idx.msk $0xffff, v3  }
0x74: {  	v19 =	vadd.s32 s26, v1;
	v7 =	vadd.s32 s24, v0;
	s29 =	smul.u32 $0x440, s29;
	v20 =	vld [tilespmem:s23+$0xFFFFFFF0]  }
0x75: {  	s24 =	sand.u32 $0x7C, s19;
	s26 =	sadd.s32 $0x6, s28;
	s28 =	sadd.s32 $0x7, s28;
	v7 =	vand.u32 $0x7FFFFFF8, v7;
	v3 =	vld [tilespmem:s23+$0xFFFFFFA0]  }
0x76: {  	v8 =	vand.u32 $0x7FFFFFF8, v8;
	v22 =	vor.u32 v9, v7;
	s1 =	sadd.s32 s24, s29;
	s9 =	sadd.s32 s9, s29;
	s24 =	sand.u32 $0x7E, s26;
	[tilespmem:v12+s0+$0x0] =	vst.idx.msk $0xffff, v10;
	v21 =	vld [tilespmem:s23+$0xFFFFFFD0]  }
.Ltmp3:
0x77: {  	v7 =	vor.u32 v6, v8;
	s26 =	sand.u32 $0x7F, s28;
	v9 =	vmov s1;
	v10 =	vadd.s32 s1, v0;
	s24 =	sadd.s32 s24, s29;
	[tilespmem:v16+s0+$0x0] =	vst.idx.msk $0xffff, v2;
	v11 =	vld [tilespmem:s23+$0xFFFFFFE0];
	v2 =	vmovc v17;
	(pc) =	sbr.rel @p0 .LBB2_6-.Ltmp3, $4  }
0x78: {  	v8 =	vadd.s32 s9, v0;
	v13 =	vadd.s32 s9, v1;
	s26 =	sadd.s32 s26, s29;
	s23 =	smov.u32 s25;
	v17 =	vmov s24;
	[tilespmem:v14+s0+$0x0] =	vst.idx.msk $0xffff, v18  }
0x79: {  	v12 =	vand.u32 $0x7FFFFFF8, v10;
	v6 =	vand.u32 $0x4, v9;
	v9 =	vmov s9;
	[tilespmem:v15+s0+$0x0] =	vst.idx.msk $0xffff, v20  }
0x7a: {  	v16 =	vand.u32 $0x7FFFFFF8, v8;
	v14 =	vand.u32 $0x5, v9;
	v15 =	vadd.s32 s24, v1;
	[tilespmem:v19+s0+$0x0] =	vst.idx.msk $0xffff, v5;
	v5 =	vld [tilespmem:s25+$0x0]  }
0x7b: {  	v8 =	vadd.s32 s1, v1;
	v12 =	vor.u32 v6, v12;
	v9 =	vand.u32 $0x6, v17;
	s25 =	sadd.s32 $0x80, s25;
	v10 =	vld [tilespmem:s23+$0xFFFFFF90];
	[tilespmem:v22+s0+$0x0] =	vst.idx.msk $0xffff, v21  }
0x7c: {  	_ =	sdelay $0x1  }
0x7d: {  	v16 =	vor.u32 v14, v16  }
0x7e: {  	v13 =	vand.u32 $0x7FFFFFF8, v13;
	v58 =	vadd.s32 s26, v0;
	v60 =	vld [tilespmem:s23+$0xFFFFFFF0]  }
0x7f: {  	v17 =	vld [tilespmem:s23+$0xFFFFFFC0];
	[tilespmem:v4+s0+$0x0] =	vst.idx.msk $0xffff, v11;
	v13 =	vor.u32 v14, v13  }
0x80: {  	[tilespmem:v7+s0+$0x0] =	vst.idx.msk $0xffff, v3;
	v3 =	vadd.s32 s26, v1  }
0x81: {  	v59 =	vadd.s32 s24, v0;
	v61 =	vld [tilespmem:s23+$0xFFFFFFA0];
	[tilespmem:v12+s0+$0x0] =	vst.idx.msk $0xffff, v10  }
0x82: {  	v11 =	vand.u32 $0x7FFFFFF8, v59;
	[tilespmem:v16+s0+$0x0] =	vst.idx.msk $0xffff, v2  }
0x83: {  	v62 =	vld [tilespmem:s23+$0xFFFFFFD0];
	v8 =	vand.u32 $0x7FFFFFF8, v8;
	v11 =	vor.u32 v9, v11;
	[tilespmem:v58+s0+$0x0] =	vst.idx.msk $0xffff, v60  }
0x84: {  	v15 =	vand.u32 $0x7FFFFFF8, v15;
	v6 =	vor.u32 v6, v8;
	[tilespmem:v13+s0+$0x0] =	vst.idx.msk $0xffff, v17  }
0x85: {  	v63 =	vor.u32 v9, v15;
	v2 =	vld [tilespmem:s23+$0xFFFFFFE0];
	[tilespmem:v3+s0+$0x0] =	vst.idx.msk $0xffff, v5  }
0x86: {  	s1 =	sshll.u32 s31, $0x14;
	s9 =	rddreg [dreg:$0x5]  }
0x87: {  	s1 =	sadd.s32 s9, s1  }
0x88: {  	[tilespmem:v11+s0+$0x0] =	vst.idx.msk $0xffff, v62;
	s19 =	sshrl.u32 s1, $0x3  }
0x89: {  	s29 =	smov.u32 s8;
	s24 =	simm.s32 $0xCC00;
	[tilespmem:v6+s0+$0x0] =	vst.idx.msk $0xffff, v61;
	s23 =	sadd.s32 s8, s19  }
0x8a: {  	s25 =	simm.s32 $0x10;
	s26 =	simm.s32 $0xCC88;
	[tilespmem:v63+s0+$0x0] =	vst.idx.msk $0xffff, v2;
	s28 =	sadd.s32 $0x0, s23  }
.LBB2_8:
0x8b: {  	[hbm4b:s28+s2] =	stream.linear.scatter [tilespmem:s24], [sflag:$0x6], $0x80, $0x38;
	[tilespmem:$0x11000] =	vst v63  }
0x8c: {  	s1 =	smov.u32 s25;
	s24 =	smov.u32 s26;
	p0 =	sne.s32 s25, $0x1F0  }
.Ltmp4:
0x8d: {  	s25 =	sadd.s32 $0x10, s25;
	(pc) =	sbr.rel @p0 .LBB2_8-.Ltmp4, $2  }
0x8e: {  	_ =	sdelay $0x2  }
0x8f: {  	s26 =	sadd.s32 $0x88, s26;
	s28 =	sadd.s32 s1, s23  }
0x90: {  	[hbm4b:s28+s2] =	stream.linear.scatter [tilespmem:s24], [sflag:$0x6], $0x80, $0x38;
	[tilespmem:$0x11000] =	vst v63  }
0x91: {  	s23 =	sadd.s32 s19, s10;
	s24 =	simm.s32 $0xDD00  }
0x92: {  	s25 =	simm.s32 $0x10;
	s26 =	simm.s32 $0xDD88;
	s28 =	sadd.s32 $0x0, s23  }
.LBB2_10:
0x93: {  	[hbm4b:s28+s2] =	stream.linear.scatter [tilespmem:s24], [sflag:$0x6], $0x80, $0x38;
	[tilespmem:$0x11000] =	vst v63  }
0x94: {  	s1 =	smov.u32 s25;
	s24 =	smov.u32 s26;
	p0 =	sne.s32 s25, $0x1F0  }
.Ltmp5:
0x95: {  	s25 =	sadd.s32 $0x10, s25;
	(pc) =	sbr.rel @p0 .LBB2_10-.Ltmp5, $2  }
0x96: {  	_ =	sdelay $0x2  }
0x97: {  	s26 =	sadd.s32 $0x88, s26;
	s28 =	sadd.s32 s1, s23  }
0x98: {  	[hbm4b:s28+s2] =	stream.linear.scatter [tilespmem:s24], [sflag:$0x6], $0x80, $0x38;
	[tilespmem:$0x11000] =	vst v63  }
0x99: {  	s23 =	sadd.s32 s19, s11;
	s24 =	simm.s32 $0xEE00  }
0x9a: {  	s25 =	simm.s32 $0x10;
	s26 =	simm.s32 $0xEE88;
	s28 =	sadd.s32 $0x0, s23  }
.LBB2_12:
0x9b: {  	[hbm4b:s28+s2] =	stream.linear.scatter [tilespmem:s24], [sflag:$0x6], $0x80, $0x38;
	[tilespmem:$0x11000] =	vst v63  }
0x9c: {  	s1 =	smov.u32 s25;
	s24 =	smov.u32 s26;
	p0 =	sne.s32 s25, $0x1F0  }
.Ltmp6:
0x9d: {  	s25 =	sadd.s32 $0x10, s25;
	(pc) =	sbr.rel @p0 .LBB2_12-.Ltmp6, $2  }
0x9e: {  	_ =	sdelay $0x2  }
0x9f: {  	s26 =	sadd.s32 $0x88, s26;
	s28 =	sadd.s32 s1, s23  }
0xa0: {  	[hbm4b:s28+s2] =	stream.linear.scatter [tilespmem:s24], [sflag:$0x6], $0x80, $0x38;
	[tilespmem:$0x11000] =	vst v63  }
0xa1: {  	s19 =	sadd.s32 s19, s12;
	s23 =	simm.s32 $0x0;
	s24 =	simm.s32 $0xFF00  }
.LBB2_14:
0xa2: {  	p0 =	seq.s32 s23, $0x1F0  }
.Ltmp7:
0xa3: {  	_ = 	snop;
	(pc) =	sbr.rel @!p0 .LBB2_14-.Ltmp7, $4  }
0xa4: {  	_ = 	snop  }
0xa5: {  	s1 =	sadd.s32 s23, s19  }
0xa6: {  	[hbm4b:s1+s2] =	stream.linear.scatter [tilespmem:s24], [sflag:$0x6], $0x80, $0x38;
	[tilespmem:$0x11000] =	vst v63  }
0xa7: {  	s23 =	sadd.s32 $0x10, s23;
	s24 =	sadd.s32 $0x88, s24  }
0xa8: {  	p0 =	por $0x0, $0x0  }
.LBB2_17:
0xa9: {  	p1 =	seq.s32 s31, $0x31;
	_ =	swait.ge [sflag:s3], $0x200  }
0xaa: {  	s1 =	sshll.u32 @!p1 s31, $0xF;
	s8 =	rddreg [dreg:$0x4]  }
0xab: {  	s1 =	sadd.s32 @!p1 s8, s1  }
0xac: {  	[sflag:s3] =	ssyncset.done $0x0;
	s1 =	sshrl.u32 @!p1 s1, $0x3  }
0xad: {  	s9 =	simm.s32 @!p1 $0x0;
	[sflag:s3] =	ssyncadd.s32 $0xFFFFFE00;
	s1 =	sadd.s32 @!p1 s4, s1  }
0xae: {  	[tilespmem:s9], [sflag:$0x1] =	stream.linear.gather @!p1 [hbm4b:s1+s9], $0x200, $0x38;
	[tilespmem:$0x11000] =	vst v63  }
0xaf: {  	v2 =	vld [tilespmem:$0x200]  }
0xb0: {  	v3 =	vld [tilespmem:$0x210]  }
0xb1: {  	v4 =	vld [tilespmem:$0x220]  }
0xb2: {  	s17 =	smul.u32 $0x2710, s17;
	v5 =	vld [tilespmem:$0x230]  }
0xb3: {  	v6 =	vld [tilespmem:$0x240]  }
0xb4: {  	v7 =	vld [tilespmem:$0x250];
	v2 =	vadd.s32 s17, v2  }
0xb5: {  	[tilespmem:$0x600] =	vst v2;
	v2 =	vadd.s32 s17, v3;
	v3 =	vld [tilespmem:$0x260]  }
0xb6: {  	[tilespmem:$0x610] =	vst v2;
	v2 =	vadd.s32 s17, v4;
	v4 =	vld [tilespmem:$0x270]  }
0xb7: {  	[tilespmem:$0x620] =	vst v2;
	v2 =	vadd.s32 s17, v5;
	v5 =	vld [tilespmem:$0x280]  }
0xb8: {  	[tilespmem:$0x630] =	vst v2;
	v2 =	vadd.s32 s17, v6;
	v6 =	vld [tilespmem:$0x290]  }
0xb9: {  	[tilespmem:$0x640] =	vst v2;
	v2 =	vadd.s32 s17, v7;
	v7 =	vld [tilespmem:$0x2A0]  }
0xba: {  	[tilespmem:$0x650] =	vst v2;
	v2 =	vadd.s32 s17, v3;
	v3 =	vld [tilespmem:$0x2B0]  }
0xbb: {  	[tilespmem:$0x660] =	vst v2;
	v2 =	vadd.s32 s17, v4;
	v4 =	vld [tilespmem:$0x2C0]  }
0xbc: {  	[tilespmem:$0x670] =	vst v2;
	v2 =	vadd.s32 s17, v5;
	v5 =	vld [tilespmem:$0x2D0]  }
0xbd: {  	[tilespmem:$0x680] =	vst v2;
	v2 =	vadd.s32 s17, v6;
	v6 =	vld [tilespmem:$0x2E0]  }
0xbe: {  	[tilespmem:$0x690] =	vst v2;
	v2 =	vadd.s32 s17, v7;
	v7 =	vld [tilespmem:$0x2F0]  }
0xbf: {  	[tilespmem:$0x6A0] =	vst v2;
	v2 =	vadd.s32 s17, v3;
	v3 =	vld [tilespmem:$0x300]  }
0xc0: {  	[tilespmem:$0x6B0] =	vst v2;
	v2 =	vadd.s32 s17, v4;
	v4 =	vld [tilespmem:$0x310]  }
0xc1: {  	[tilespmem:$0x6C0] =	vst v2;
	v2 =	vadd.s32 s17, v5;
	v5 =	vld [tilespmem:$0x320]  }
0xc2: {  	[tilespmem:$0x6D0] =	vst v2;
	v2 =	vadd.s32 s17, v6;
	v6 =	vld [tilespmem:$0x330]  }
0xc3: {  	[tilespmem:$0x6E0] =	vst v2;
	v2 =	vadd.s32 s17, v7;
	v7 =	vld [tilespmem:$0x340]  }
0xc4: {  	[tilespmem:$0x6F0] =	vst v2;
	v2 =	vadd.s32 s17, v3;
	v3 =	vld [tilespmem:$0x350]  }
0xc5: {  	[tilespmem:$0x700] =	vst v2;
	v2 =	vadd.s32 s17, v4;
	v4 =	vld [tilespmem:$0x360]  }
0xc6: {  	[tilespmem:$0x710] =	vst v2;
	v2 =	vadd.s32 s17, v5;
	v5 =	vld [tilespmem:$0x370]  }
0xc7: {  	[tilespmem:$0x720] =	vst v2;
	v2 =	vadd.s32 s17, v6;
	v6 =	vld [tilespmem:$0x380]  }
0xc8: {  	[tilespmem:$0x730] =	vst v2;
	v2 =	vadd.s32 s17, v7;
	v7 =	vld [tilespmem:$0x390]  }
0xc9: {  	[tilespmem:$0x740] =	vst v2;
	v2 =	vadd.s32 s17, v3;
	v3 =	vld [tilespmem:$0x3A0]  }
0xca: {  	[tilespmem:$0x750] =	vst v2;
	v2 =	vadd.s32 s17, v4;
	v4 =	vld [tilespmem:$0x3B0]  }
0xcb: {  	[tilespmem:$0x760] =	vst v2;
	v2 =	vadd.s32 s17, v5;
	v5 =	vld [tilespmem:$0x3C0]  }
0xcc: {  	[tilespmem:$0x770] =	vst v2;
	v2 =	vadd.s32 s17, v6;
	v6 =	vld [tilespmem:$0x3D0]  }
0xcd: {  	[tilespmem:$0x780] =	vst v2;
	v2 =	vadd.s32 s17, v7;
	v7 =	vld [tilespmem:$0x3E0]  }
0xce: {  	[tilespmem:$0x790] =	vst v2;
	v2 =	vadd.s32 s17, v3;
	v3 =	vld [tilespmem:$0x3F0]  }
0xcf: {  	[tilespmem:$0x7A0] =	vst v2;
	v2 =	vadd.s32 s17, v4  }
0xd0: {  	[tilespmem:$0x7B0] =	vst v2;
	v2 =	vadd.s32 s17, v5  }
0xd1: {  	[tilespmem:$0x7C0] =	vst v2;
	v2 =	vadd.s32 s17, v6  }
0xd2: {  	[tilespmem:$0x7D0] =	vst v2;
	v2 =	vadd.s32 s17, v7  }
0xd3: {  	[tilespmem:$0x7E0] =	vst v2;
	v2 =	vadd.s32 s17, v3  }
0xd4: {  	s1 =	simm.s32 @!p0 $0x5;
	[tilespmem:$0x7F0] =	vst v2  }
0xd5: {  	_ =	swait.ge @!p0 [sflag:s1], $0x1000  }
0xd6: {  	[sflag:s1] =	ssyncset.done @!p0 $0x0  }
0xd7: {  	[sflag:s1] =	ssyncadd.s32 @!p0 $0xFFFFF000  }
0xd8: {  	_ =	swait.ge @!p0 [sflag:s1], $0x1000  }
0xd9: {  	[sflag:s1] =	ssyncset.done @!p0 $0x0  }
0xda: {  	[sflag:s1] =	ssyncadd.s32 @!p0 $0xFFFFF000  }
0xdb: {  	_ =	swait.ge @!p0 [sflag:s1], $0x1000  }
0xdc: {  	[sflag:s1] =	ssyncset.done @!p0 $0x0  }
0xdd: {  	[sflag:s1] =	ssyncadd.s32 @!p0 $0xFFFFF000  }
0xde: {  	_ =	swait.ge @!p0 [sflag:s1], $0x1000  }
0xdf: {  	[sflag:s1] =	ssyncset.done @!p0 $0x0  }
0xe0: {  	[sflag:s1] =	ssyncadd.s32 @!p0 $0xFFFFF000  }
0xe1: {  	_ =	swait.ge [sflag:s7], $0x1000  }
0xe2: {  	[sflag:s7] =	ssyncset.done $0x0  }
0xe3: {  	[sflag:s7] =	ssyncadd.s32 $0xFFFFF000  }
0xe4: {  	_ =	swait.ge [sflag:s7], $0x1000  }
0xe5: {  	[sflag:s7] =	ssyncset.done $0x0  }
0xe6: {  	[sflag:s7] =	ssyncadd.s32 $0xFFFFF000  }
0xe7: {  	_ =	swait.ge [sflag:s7], $0x1000  }
0xe8: {  	[sflag:s7] =	ssyncset.done $0x0  }
0xe9: {  	[sflag:s7] =	ssyncadd.s32 $0xFFFFF000  }
0xea: {  	s26 =	simm.s32 $0x600;
	s28 =	simm.s32 $0x4800;
	_ =	swait.ge [sflag:s7], $0x1000  }
0xeb: {  	s19 =	simm.s32 $0x6800;
	s23 =	simm.s32 $0x780;
	[sflag:s7] =	ssyncset.done $0x0  }
0xec: {  	s25 =	simm.s32 $0x0;
	s8 =	simm.s32 $0x680;
	[sflag:s7] =	ssyncadd.s32 $0xFFFFF000  }
0xed: {  	[tilespmem:s28], [sflag:$0x4] =	stream.indirect.gather [hbm4b:s5+s22], $0x20, s26, s22, $0xb8;
	[tilespmem:$0x11000] =	vst v63  }
0xee: {  	s9 =	simm.s32 $0x5800;
	s17 =	simm.s32 $0x700;
	s26 =	simm.s32 $0x0  }
0xef: {  	[tilespmem:s9], [sflag:$0x4] =	stream.indirect.gather [hbm4b:s5+s22], $0x20, s8, s22, $0xb8;
	[tilespmem:$0x11000] =	vst v63  }
0xf0: {  	s1 =	smul.u32 $0x440, s25;
	s28 =	simm.s32 $0x1;
	s9 =	sand.u32 $0x7C, s26  }
0xf1: {  	[tilespmem:s19], [sflag:$0x4] =	stream.indirect.gather [hbm4b:s5+s22], $0x20, s17, s22, $0xb8;
	[tilespmem:$0x11000] =	vst v63  }
0xf2: {  	s24 =	simm.s32 $0x7800;
	s9 =	sadd.s32 s9, s1;
	s17 =	sand.u32 $0x7D, s28  }
0xf3: {  	v2 =	vmov s9;
	v3 =	vadd.s32 s9, v0;
	[tilespmem:s24], [sflag:$0x4] =	stream.indirect.gather [hbm4b:s5+s22], $0x20, s23, s22, $0xb8;
	[tilespmem:$0x11000] =	vst v63  }
0xf4: {  	s19 =	simm.s32 $0x2;
	s17 =	sadd.s32 s17, s1;
	v3 =	vand.u32 $0x7FFFFFF8, v3;
	v2 =	vand.u32 $0x4, v2;
	s24 =	simm.s32 $0x840  }
0xf5: {  	s8 =	simm.s32 $0x3;
	s19 =	sand.u32 $0x7E, s19;
	v4 =	vadd.s32 s17, v0;
	v5 =	vadd.s32 s17, v1;
	v7 =	vmov s17;
	v6 =	vld [tilespmem:s24+$0xFFFFFFE0]  }
0xf6: {  	s19 =	sadd.s32 s19, s1;
	v9 =	vor.u32 v2, v3;
	s17 =	sand.u32 $0x7F, s8;
	v4 =	vand.u32 $0x7FFFFFF8, v4;
	v7 =	vand.u32 $0x5, v7;
	v8 =	vld [tilespmem:s24+$0xFFFFFFC0]  }
0xf7: {  	v12 =	vadd.s32 s9, v1;
	v3 =	vmov s19;
	v10 =	vld [tilespmem:s24+$0x30];
	s1 =	sadd.s32 s17, s1;
	v11 =	vor.u32 v7, v4  }
0xf8: {  	s23 =	simm.s32 $0x0;
	v17 =	vld [tilespmem:s24+$0x20];
	v4 =	vand.u32 $0x7FFFFFF8, v5;
	v5 =	vadd.s32 s19, v1;
	v16 =	vadd.s32 s1, v0  }
0xf9: {  	s25 =	simm.s32 $0x5;
	v14 =	vld [tilespmem:s24+$0xFFFFFFF0];
	s9 =	smul.u32 $0x440, s23;
	s23 =	simm.s32 $0x6;
	v18 =	vadd.s32 s1, v1;
	v15 =	vor.u32 v7, v4;
	v4 =	vadd.s32 s19, v0  }
0xfa: {  	s25 =	sand.u32 $0x7D, s25;
	s17 =	simm.s32 $0x4;
	v19 =	vld [tilespmem:s24+$0x0];
	s23 =	sand.u32 $0x7E, s23;
	v7 =	vand.u32 $0x6, v3;
	v5 =	vand.u32 $0x7FFFFFF8, v5;
	v13 =	vand.u32 $0x7FFFFFF8, v4  }
0xfb: {  	s26 =	sand.u32 $0x7C, s17;
	v3 =	vld [tilespmem:s24+$0xFFFFFFD0];
	s25 =	sadd.s32 s25, s9;
	s23 =	sadd.s32 s23, s9;
	v4 =	vor.u32 v7, v5;
	v5 =	vand.u32 $0x7FFFFFF8, v12;
	v20 =	vor.u32 v7, v13;
	[tilespmem:v9+s30+$0x0] =	vst.idx.msk $0xffff, v8  }
0xfc: {  	s1 =	sadd.s32 s26, s9;
	v21 =	vmov s23;
	v7 =	vor.u32 v2, v5;
	v5 =	vadd.s32 s25, v0;
	[tilespmem:v11+s30+$0x0] =	vst.idx.msk $0xffff, v6;
	v11 =	vld [tilespmem:s24+$0x10]  }
0xfd: {  	s19 =	simm.s32 $0x8C0;
	v13 =	vadd.s32 s25, v1;
	v8 =	vmov s1;
	v9 =	vadd.s32 s1, v0;
	[tilespmem:v16+s30+$0x0] =	vst.idx.msk $0xffff, v17  }
0xfe: {  	s26 =	simm.s32 $0x7;
	v2 =	vld [tilespmem:s19+$0xFFFFFFE0];
	v9 =	vand.u32 $0x7FFFFFF8, v9;
	v6 =	vand.u32 $0x4, v8;
	v8 =	vmov s25;
	[tilespmem:v15+s30+$0x0] =	vst.idx.msk $0xffff, v14  }
0xff: {  	s28 =	sand.u32 $0x7F, s26;
	v16 =	vand.u32 $0x7FFFFFF8, v5;
	v5 =	vld [tilespmem:s19+$0x30];
	v14 =	vand.u32 $0x5, v8;
	v15 =	vadd.s32 s23, v1;
	[tilespmem:v18+s30+$0x0] =	vst.idx.msk $0xffff, v10  }
0x100: {  	s25 =	sadd.s32 s28, s9;
	s24 =	simm.s32 $0x940;
	v8 =	vadd.s32 s1, v1;
	v10 =	vld [tilespmem:s19+$0xFFFFFFC0];
	v12 =	vor.u32 v6, v9;
	v9 =	vand.u32 $0x6, v21;
	[tilespmem:v20+s30+$0x0] =	vst.idx.msk $0xffff, v19  }
.LBB2_18:
0x101: {  	s1 =	sadd.s32 $0x5, s17;
	v17 =	vld [tilespmem:s24+$0xFFFFFFE0];
	v16 =	vor.u32 v14, v16;
	v13 =	vand.u32 $0x7FFFFFF8, v13;
	v15 =	vand.u32 $0x7FFFFFF8, v15;
	[tilespmem:v4+s30+$0x0] =	vst.idx.msk $0xffff, v11;
	s9 =	smov.u32 s17;
	s17 =	sadd.s32 $0x4, s17  }
0x102: {  	s26 =	sshrl.u32 s17, $0x7;
	s1 =	sand.u32 $0x7D, s1;
	p0 =	slt.u32 s17, $0x1FC;
	v18 =	vld [tilespmem:s19+$0xFFFFFFF0];
	v14 =	vor.u32 v14, v13;
	v4 =	vor.u32 v9, v15;
	v15 =	vadd.s32 s25, v0;
	[tilespmem:v7+s30+$0x0] =	vst.idx.msk $0xffff, v3  }
0x103: {  	v19 =	vadd.s32 s25, v1;
	v7 =	vadd.s32 s23, v0;
	s26 =	smul.u32 $0x440, s26;
	v20 =	vld [tilespmem:s19+$0x20]  }
0x104: {  	s23 =	sand.u32 $0x7C, s17;
	s25 =	sadd.s32 $0x6, s9;
	s9 =	sadd.s32 $0x7, s9;
	v7 =	vand.u32 $0x7FFFFFF8, v7;
	v3 =	vld [tilespmem:s19+$0xFFFFFFD0]  }
0x105: {  	v8 =	vand.u32 $0x7FFFFFF8, v8;
	v22 =	vor.u32 v9, v7;
	s28 =	sadd.s32 s23, s26;
	s1 =	sadd.s32 s1, s26;
	s23 =	sand.u32 $0x7E, s25;
	[tilespmem:v12+s30+$0x0] =	vst.idx.msk $0xffff, v10;
	v21 =	vld [tilespmem:s19+$0x0]  }
.Ltmp8:
0x106: {  	s9 =	sand.u32 $0x7F, s9;
	v7 =	vor.u32 v6, v8;
	v9 =	vmov s28;
	v10 =	vadd.s32 s28, v0;
	s23 =	sadd.s32 s23, s26;
	[tilespmem:v16+s30+$0x0] =	vst.idx.msk $0xffff, v2;
	v11 =	vld [tilespmem:s19+$0x10];
	v2 =	vmovc v17;
	(pc) =	sbr.rel @p0 .LBB2_18-.Ltmp8, $4  }
0x107: {  	s25 =	sadd.s32 s9, s26;
	v8 =	vadd.s32 s1, v0;
	v13 =	vadd.s32 s1, v1;
	s19 =	smov.u32 s24;
	v17 =	vmov s23;
	[tilespmem:v14+s30+$0x0] =	vst.idx.msk $0xffff, v18  }
0x108: {  	v12 =	vand.u32 $0x7FFFFFF8, v10;
	v6 =	vand.u32 $0x4, v9;
	v9 =	vmov s1;
	[tilespmem:v15+s30+$0x0] =	vst.idx.msk $0xffff, v20  }
0x109: {  	v16 =	vand.u32 $0x7FFFFFF8, v8;
	v14 =	vand.u32 $0x5, v9;
	v15 =	vadd.s32 s23, v1;
	[tilespmem:v19+s30+$0x0] =	vst.idx.msk $0xffff, v5;
	v5 =	vld [tilespmem:s24+$0x30]  }
0x10a: {  	v8 =	vadd.s32 s28, v1;
	v12 =	vor.u32 v6, v12;
	v9 =	vand.u32 $0x6, v17;
	s24 =	sadd.s32 $0x80, s24;
	v10 =	vld [tilespmem:s19+$0xFFFFFFC0];
	[tilespmem:v22+s30+$0x0] =	vst.idx.msk $0xffff, v21  }
0x10b: {  	_ =	sdelay $0x1  }
0x10c: {  	v16 =	vor.u32 v14, v16  }
0x10d: {  	v13 =	vand.u32 $0x7FFFFFF8, v13;
	v58 =	vadd.s32 s25, v0;
	v60 =	vld [tilespmem:s19+$0x20]  }
0x10e: {  	v17 =	vld [tilespmem:s19+$0xFFFFFFF0];
	[tilespmem:v4+s30+$0x0] =	vst.idx.msk $0xffff, v11;
	v13 =	vor.u32 v14, v13  }
0x10f: {  	v59 =	vadd.s32 s23, v0;
	[tilespmem:v7+s30+$0x0] =	vst.idx.msk $0xffff, v3;
	v3 =	vadd.s32 s25, v1;
	v8 =	vand.u32 $0x7FFFFFF8, v8  }
0x110: {  	v61 =	vld [tilespmem:s19+$0xFFFFFFD0];
	v11 =	vand.u32 $0x7FFFFFF8, v59;
	v6 =	vor.u32 v6, v8;
	[tilespmem:v12+s30+$0x0] =	vst.idx.msk $0xffff, v10  }
0x111: {  	v15 =	vand.u32 $0x7FFFFFF8, v15;
	v62 =	vld [tilespmem:s19+$0x0];
	v11 =	vor.u32 v9, v11;
	[tilespmem:v16+s30+$0x0] =	vst.idx.msk $0xffff, v2  }
0x112: {  	v63 =	vor.u32 v9, v15;
	v2 =	vld [tilespmem:s19+$0x10];
	[tilespmem:v58+s30+$0x0] =	vst.idx.msk $0xffff, v60  }
0x113: {  	[tilespmem:v13+s30+$0x0] =	vst.idx.msk $0xffff, v17  }
0x114: {  	s1 =	sshll.u32 s31, $0x11;
	[tilespmem:v3+s30+$0x0] =	vst.idx.msk $0xffff, v5  }
0x115: {  	s17 =	sor.u32 s6, s1;
	[tilespmem:v6+s30+$0x0] =	vst.idx.msk $0xffff, v61  }
0x116: {  	s23 =	simm.s32 $0x8800;
	s19 =	sadd.s32 s29, s17;
	[tilespmem:v11+s30+$0x0] =	vst.idx.msk $0xffff, v62  }
0x117: {  	s24 =	simm.s32 $0x10;
	s25 =	simm.s32 $0x8888;
	s26 =	sadd.s32 $0x0, s19;
	[tilespmem:v63+s30+$0x0] =	vst.idx.msk $0xffff, v2  }
.LBB2_20:
0x118: {  	[hbm4b:s26+s2] =	stream.linear.scatter [tilespmem:s23], [sflag:$0x5], $0x80, $0x38;
	[tilespmem:$0x11000] =	vst v63  }
0x119: {  	s1 =	smov.u32 s24;
	s23 =	smov.u32 s25;
	p0 =	sne.s32 s24, $0x1F0  }
.Ltmp9:
0x11a: {  	s24 =	sadd.s32 $0x10, s24;
	(pc) =	sbr.rel @p0 .LBB2_20-.Ltmp9, $2  }
0x11b: {  	_ =	sdelay $0x2  }
0x11c: {  	s25 =	sadd.s32 $0x88, s25;
	s26 =	sadd.s32 s1, s19  }
0x11d: {  	[hbm4b:s26+s2] =	stream.linear.scatter [tilespmem:s23], [sflag:$0x5], $0x80, $0x38;
	[tilespmem:$0x11000] =	vst v63  }
0x11e: {  	s19 =	sadd.s32 s17, s10;
	s23 =	simm.s32 $0x9900  }
0x11f: {  	s24 =	simm.s32 $0x10;
	s25 =	simm.s32 $0x9988;
	s26 =	sadd.s32 $0x0, s19  }
.LBB2_22:
0x120: {  	[hbm4b:s26+s2] =	stream.linear.scatter [tilespmem:s23], [sflag:$0x5], $0x80, $0x38;
	[tilespmem:$0x11000] =	vst v63  }
0x121: {  	s1 =	smov.u32 s24;
	s23 =	smov.u32 s25;
	p0 =	sne.s32 s24, $0x1F0  }
.Ltmp10:
0x122: {  	s24 =	sadd.s32 $0x10, s24;
	(pc) =	sbr.rel @p0 .LBB2_22-.Ltmp10, $2  }
0x123: {  	_ =	sdelay $0x2  }
0x124: {  	s25 =	sadd.s32 $0x88, s25;
	s26 =	sadd.s32 s1, s19  }
0x125: {  	[hbm4b:s26+s2] =	stream.linear.scatter [tilespmem:s23], [sflag:$0x5], $0x80, $0x38;
	[tilespmem:$0x11000] =	vst v63  }
0x126: {  	s19 =	sadd.s32 s17, s11;
	s23 =	simm.s32 $0xAA00  }
0x127: {  	s24 =	simm.s32 $0x10;
	s25 =	simm.s32 $0xAA88;
	s26 =	sadd.s32 $0x0, s19  }
.LBB2_24:
0x128: {  	[hbm4b:s26+s2] =	stream.linear.scatter [tilespmem:s23], [sflag:$0x5], $0x80, $0x38;
	[tilespmem:$0x11000] =	vst v63  }
0x129: {  	s1 =	smov.u32 s24;
	s23 =	smov.u32 s25;
	p0 =	sne.s32 s24, $0x1F0  }
.Ltmp11:
0x12a: {  	s24 =	sadd.s32 $0x10, s24;
	(pc) =	sbr.rel @p0 .LBB2_24-.Ltmp11, $2  }
0x12b: {  	_ =	sdelay $0x2  }
0x12c: {  	s25 =	sadd.s32 $0x88, s25;
	s26 =	sadd.s32 s1, s19  }
0x12d: {  	[hbm4b:s26+s2] =	stream.linear.scatter [tilespmem:s23], [sflag:$0x5], $0x80, $0x38;
	[tilespmem:$0x11000] =	vst v63  }
0x12e: {  	s17 =	sadd.s32 s17, s12;
	s19 =	simm.s32 $0xBB00  }
0x12f: {  	s23 =	simm.s32 $0x10;
	s24 =	simm.s32 $0xBB88;
	s25 =	sadd.s32 $0x0, s17  }
.LBB2_26:
0x130: {  	[hbm4b:s25+s2] =	stream.linear.scatter [tilespmem:s19], [sflag:$0x5], $0x80, $0x38;
	[tilespmem:$0x11000] =	vst v63  }
0x131: {  	s1 =	smov.u32 s23;
	s19 =	smov.u32 s24;
	p0 =	sne.s32 s23, $0x1F0  }
.Ltmp12:
0x132: {  	s23 =	sadd.s32 $0x10, s23;
	(pc) =	sbr.rel @p0 .LBB2_26-.Ltmp12, $2  }
0x133: {  	_ =	sdelay $0x2  }
0x134: {  	s24 =	sadd.s32 $0x88, s24;
	s25 =	sadd.s32 s1, s17  }
0x135: {  	s31 =	sadd.s32 $0x1, s31  }
0x136: {  	p0 =	sne.s32 s31, $0x32  }
.Ltmp13:
0x137: {  	_ = 	snop;
	(pc) =	sbr.rel @p0 .LBB2_2-.Ltmp13, $4  }
.Ltmp14:
0x138: {  	_ = 	snop;
	(pc) =	sbr.rel @!p0 .LBB2_28-.Ltmp14, $4  }
0x139: {  	_ = 	snop  }
0x13a: {  	_ = 	snop  }
0x13b: {  	[hbm4b:s25+s2] =	stream.linear.scatter [tilespmem:s19], [sflag:$0x5], $0x80, $0x38;
	[tilespmem:$0x11000] =	vst v63  }
0x13c: {  	_ = 	snop  }
.LBB2_16:
0x13d: {  	s1 =	simm.s32 $0x400;
	s8 =	simm.s32 $0x800  }
0x13e: {  	[tilespmem:s8], [sflag:$0x3] =	stream.indirect.gather [hbm4b:s5+s22], $0x20, s1, s22, $0xb8;
	[tilespmem:$0x11000] =	vst v63  }
0x13f: {  	s19 =	simm.s32 $0x480;
	s23 =	simm.s32 $0x1800  }
0x140: {  	[tilespmem:s23], [sflag:$0x3] =	stream.indirect.gather [hbm4b:s5+s22], $0x20, s19, s22, $0xb8;
	[tilespmem:$0x11000] =	vst v63  }
.Ltmp15:
0x141: {  	_ = 	snop;
	(pc) =	sbr.rel .LBB2_17-.Ltmp15, $4  }
0x142: {  	s24 =	simm.s32 $0x500;
	s25 =	simm.s32 $0x2800  }
0x143: {  	[tilespmem:s25], [sflag:$0x3] =	stream.indirect.gather [hbm4b:s5+s22], $0x20, s24, s22, $0xb8;
	[tilespmem:$0x11000] =	vst v63  }
0x144: {  	s26 =	simm.s32 $0x580;
	s28 =	simm.s32 $0x3800;
	p0 =	por $0x1, $0x1  }
0x145: {  	[tilespmem:s28], [sflag:$0x3] =	stream.indirect.gather [hbm4b:s5+s22], $0x20, s26, s22, $0xb8;
	[tilespmem:$0x11000] =	vst v63  }
.LBB2_28:
0x146: {  	_ =	swait.ge [sflag:s21], $0x1000  }
0x147: {  	[sflag:s21] =	ssyncset.done $0x0  }
0x148: {  	[sflag:s21] =	ssyncadd.s32 $0xFFFFF000  }
0x149: {  	_ =	swait.ge [sflag:s21], $0x1000  }
0x14a: {  	[sflag:s21] =	ssyncset.done $0x0  }
0x14b: {  	[sflag:s21] =	ssyncadd.s32 $0xFFFFF000  }
0x14c: {  	_ =	swait.ge [sflag:s21], $0x1000  }
0x14d: {  	[sflag:s21] =	ssyncset.done $0x0  }
0x14e: {  	[sflag:s21] =	ssyncadd.s32 $0xFFFFF000  }
0x14f: {  	_ =	swait.ge [sflag:s21], $0x1000  }
0x150: {  	[sflag:s21] =	ssyncset.done $0x0  }
0x151: {  	[sflag:s21] =	ssyncadd.s32 $0xFFFFF000  }
0x152: {  	_ =	swait.ge [sflag:s20], $0x1000  }
0x153: {  	[sflag:s20] =	ssyncset.done $0x0  }
0x154: {  	[sflag:s20] =	ssyncadd.s32 $0xFFFFF000  }
0x155: {  	_ =	swait.ge [sflag:s20], $0x1000  }
0x156: {  	[sflag:s20] =	ssyncset.done $0x0  }
0x157: {  	[sflag:s20] =	ssyncadd.s32 $0xFFFFF000  }
0x158: {  	s1 =	simm.s32 $0x0;
	s9 =	simm.s32 $0x0;
	_ =	swait.ge [sflag:s20], $0x1000  }
0x159: {  	s17 =	simm.s32 $0x1;
	s1 =	smul.u32 $0x440, s1;
	[sflag:s20] =	ssyncset.done $0x0  }
0x15a: {  	s9 =	sand.u32 $0x7C, s9;
	s17 =	sand.u32 $0x7D, s17;
	[sflag:s20] =	ssyncadd.s32 $0xFFFFF000  }
0x15b: {  	s9 =	sadd.s32 s9, s1;
	s17 =	sadd.s32 s17, s1;
	_ =	swait.ge [sflag:s20], $0x1000  }
0x15c: {  	v2 =	vmov s9;
	v3 =	vadd.s32 s9, v0;
	v4 =	vadd.s32 s17, v0;
	[sflag:s20] =	ssyncset.done $0x0  }
0x15d: {  	s24 =	simm.s32 $0x4870;
	s19 =	simm.s32 $0x2;
	v5 =	vadd.s32 s17, v1;
	v7 =	vmov s17;
	v3 =	vand.u32 $0x7FFFFFF8, v3;
	[sflag:s20] =	ssyncadd.s32 $0xFFFFF000  }
0x15e: {  	s23 =	simm.s32 $0x3;
	s19 =	sand.u32 $0x7E, s19;
	v2 =	vand.u32 $0x4, v2;
	v4 =	vand.u32 $0x7FFFFFF8, v4;
	v7 =	vand.u32 $0x5, v7;
	v6 =	vld [tilespmem:s24+$0xFFFFFFB0]  }
0x15f: {  	s19 =	sadd.s32 s19, s1;
	s17 =	sand.u32 $0x7F, s23;
	v9 =	vor.u32 v2, v3;
	v11 =	vor.u32 v7, v4;
	v4 =	vand.u32 $0x7FFFFFF8, v5;
	v8 =	vld [tilespmem:s24+$0xFFFFFF90]  }
0x160: {  	s1 =	sadd.s32 s17, s1;
	v3 =	vmov s19;
	v15 =	vor.u32 v7, v4;
	v4 =	vadd.s32 s19, v0;
	v10 =	vld [tilespmem:s24+$0x0]  }
0x161: {  	s25 =	simm.s32 $0x0;
	v16 =	vadd.s32 s1, v0;
	v7 =	vand.u32 $0x6, v3;
	v13 =	vand.u32 $0x7FFFFFF8, v4;
	v17 =	vld [tilespmem:s24+$0xFFFFFFF0]  }
0x162: {  	s26 =	simm.s32 $0x5;
	v12 =	vadd.s32 s9, v1;
	s9 =	smul.u32 $0x440, s25;
	s23 =	simm.s32 $0x6;
	v5 =	vadd.s32 s19, v1;
	v20 =	vor.u32 v7, v13;
	v19 =	vld [tilespmem:s24+$0xFFFFFFD0]  }
0x163: {  	s25 =	sand.u32 $0x7D, s26;
	s17 =	simm.s32 $0x4;
	s23 =	sand.u32 $0x7E, s23;
	v5 =	vand.u32 $0x7FFFFFF8, v5;
	v14 =	vld [tilespmem:s24+$0xFFFFFFC0]  }
0x164: {  	v18 =	vadd.s32 s1, v1;
	s28 =	sand.u32 $0x7C, s17;
	s25 =	sadd.s32 s25, s9;
	s23 =	sadd.s32 s23, s9;
	v4 =	vor.u32 v7, v5;
	v5 =	vand.u32 $0x7FFFFFF8, v12;
	v3 =	vld [tilespmem:s24+$0xFFFFFFA0];
	[tilespmem:v9+s0+$0x0] =	vst.idx.msk $0xffff, v8  }
0x165: {  	s1 =	sadd.s32 s28, s9;
	v21 =	vmov s23;
	v7 =	vor.u32 v2, v5;
	v5 =	vadd.s32 s25, v0;
	[tilespmem:v11+s0+$0x0] =	vst.idx.msk $0xffff, v6;
	v11 =	vld [tilespmem:s24+$0xFFFFFFE0]  }
0x166: {  	s19 =	simm.s32 $0x48F0;
	v13 =	vadd.s32 s25, v1;
	v8 =	vmov s1;
	v9 =	vadd.s32 s1, v0;
	[tilespmem:v16+s0+$0x0] =	vst.idx.msk $0xffff, v17  }
0x167: {  	s26 =	simm.s32 $0x7;
	v2 =	vld [tilespmem:s19+$0xFFFFFFB0];
	v16 =	vand.u32 $0x7FFFFFF8, v5;
	[tilespmem:v20+s0+$0x0] =	vst.idx.msk $0xffff, v19;
	v6 =	vand.u32 $0x4, v8;
	v8 =	vmov s25  }
0x168: {  	s31 =	sand.u32 $0x7F, s26;
	v5 =	vld [tilespmem:s19+$0x0];
	[tilespmem:v15+s0+$0x0] =	vst.idx.msk $0xffff, v14;
	v9 =	vand.u32 $0x7FFFFFF8, v9;
	v15 =	vadd.s32 s23, v1;
	v14 =	vand.u32 $0x5, v8  }
0x169: {  	s24 =	simm.s32 $0x4970;
	[tilespmem:v18+s0+$0x0] =	vst.idx.msk $0xffff, v10;
	s25 =	sadd.s32 s31, s9;
	v10 =	vld [tilespmem:s19+$0xFFFFFF90];
	v8 =	vadd.s32 s1, v1;
	v12 =	vor.u32 v6, v9;
	v9 =	vand.u32 $0x6, v21  }
.LBB2_29:
0x16a: {  	s1 =	sadd.s32 $0x5, s17;
	v17 =	vld [tilespmem:s24+$0xFFFFFFB0];
	v16 =	vor.u32 v14, v16;
	v13 =	vand.u32 $0x7FFFFFF8, v13;
	v15 =	vand.u32 $0x7FFFFFF8, v15;
	[tilespmem:v4+s0+$0x0] =	vst.idx.msk $0xffff, v11;
	s9 =	smov.u32 s17;
	s17 =	sadd.s32 $0x4, s17  }
0x16b: {  	s26 =	sshrl.u32 s17, $0x7;
	s1 =	sand.u32 $0x7D, s1;
	p0 =	slt.u32 s17, $0x1FC;
	v18 =	vld [tilespmem:s19+$0xFFFFFFC0];
	v14 =	vor.u32 v14, v13;
	v4 =	vor.u32 v9, v15;
	v15 =	vadd.s32 s25, v0;
	[tilespmem:v7+s0+$0x0] =	vst.idx.msk $0xffff, v3  }
0x16c: {  	v19 =	vadd.s32 s25, v1;
	v7 =	vadd.s32 s23, v0;
	s26 =	smul.u32 $0x440, s26;
	v20 =	vld [tilespmem:s19+$0xFFFFFFF0]  }
0x16d: {  	s23 =	sand.u32 $0x7C, s17;
	s25 =	sadd.s32 $0x6, s9;
	s9 =	sadd.s32 $0x7, s9;
	v7 =	vand.u32 $0x7FFFFFF8, v7;
	v3 =	vld [tilespmem:s19+$0xFFFFFFA0]  }
0x16e: {  	v8 =	vand.u32 $0x7FFFFFF8, v8;
	v22 =	vor.u32 v9, v7;
	s28 =	sadd.s32 s23, s26;
	s1 =	sadd.s32 s1, s26;
	s23 =	sand.u32 $0x7E, s25;
	[tilespmem:v12+s0+$0x0] =	vst.idx.msk $0xffff, v10;
	v21 =	vld [tilespmem:s19+$0xFFFFFFD0]  }
.Ltmp16:
0x16f: {  	s9 =	sand.u32 $0x7F, s9;
	v7 =	vor.u32 v6, v8;
	v9 =	vmov s28;
	v10 =	vadd.s32 s28, v0;
	s23 =	sadd.s32 s23, s26;
	[tilespmem:v16+s0+$0x0] =	vst.idx.msk $0xffff, v2;
	v11 =	vld [tilespmem:s19+$0xFFFFFFE0];
	v2 =	vmovc v17;
	(pc) =	sbr.rel @p0 .LBB2_29-.Ltmp16, $4  }
0x170: {  	s25 =	sadd.s32 s9, s26;
	v8 =	vadd.s32 s1, v0;
	v13 =	vadd.s32 s1, v1;
	s19 =	smov.u32 s24;
	v17 =	vmov s23;
	[tilespmem:v14+s0+$0x0] =	vst.idx.msk $0xffff, v18  }
0x171: {  	v12 =	vand.u32 $0x7FFFFFF8, v10;
	v6 =	vand.u32 $0x4, v9;
	v9 =	vmov s1;
	[tilespmem:v15+s0+$0x0] =	vst.idx.msk $0xffff, v20  }
0x172: {  	v16 =	vand.u32 $0x7FFFFFF8, v8;
	v14 =	vand.u32 $0x5, v9;
	v15 =	vadd.s32 s23, v1;
	[tilespmem:v19+s0+$0x0] =	vst.idx.msk $0xffff, v5;
	v5 =	vld [tilespmem:s24+$0x0]  }
0x173: {  	v8 =	vadd.s32 s28, v1;
	v12 =	vor.u32 v6, v12;
	v9 =	vand.u32 $0x6, v17;
	s24 =	sadd.s32 $0x80, s24;
	v10 =	vld [tilespmem:s19+$0xFFFFFF90];
	[tilespmem:v22+s0+$0x0] =	vst.idx.msk $0xffff, v21  }
0x174: {  	_ =	sdelay $0x1  }
0x175: {  	v16 =	vor.u32 v14, v16  }
0x176: {  	v13 =	vand.u32 $0x7FFFFFF8, v13;
	v58 =	vadd.s32 s25, v0;
	v60 =	vld [tilespmem:s19+$0xFFFFFFF0]  }
0x177: {  	v17 =	vld [tilespmem:s19+$0xFFFFFFC0];
	[tilespmem:v4+s0+$0x0] =	vst.idx.msk $0xffff, v11;
	v13 =	vor.u32 v14, v13  }
0x178: {  	v59 =	vadd.s32 s23, v0;
	[tilespmem:v7+s0+$0x0] =	vst.idx.msk $0xffff, v3;
	v3 =	vadd.s32 s25, v1;
	v8 =	vand.u32 $0x7FFFFFF8, v8  }
0x179: {  	v61 =	vld [tilespmem:s19+$0xFFFFFFA0];
	v11 =	vand.u32 $0x7FFFFFF8, v59;
	v6 =	vor.u32 v6, v8;
	[tilespmem:v12+s0+$0x0] =	vst.idx.msk $0xffff, v10  }
0x17a: {  	v15 =	vand.u32 $0x7FFFFFF8, v15;
	v62 =	vld [tilespmem:s19+$0xFFFFFFD0];
	v11 =	vor.u32 v9, v11;
	[tilespmem:v16+s0+$0x0] =	vst.idx.msk $0xffff, v2  }
0x17b: {  	v63 =	vor.u32 v9, v15;
	v2 =	vld [tilespmem:s19+$0xFFFFFFE0];
	[tilespmem:v58+s0+$0x0] =	vst.idx.msk $0xffff, v60  }
0x17c: {  	[tilespmem:v13+s0+$0x0] =	vst.idx.msk $0xffff, v17  }
0x17d: {  	[tilespmem:v3+s0+$0x0] =	vst.idx.msk $0xffff, v5  }
0x17e: {  	[tilespmem:v6+s0+$0x0] =	vst.idx.msk $0xffff, v61  }
0x17f: {  	s17 =	simm.s32 $0xCC00;
	[tilespmem:v11+s0+$0x0] =	vst.idx.msk $0xffff, v62  }
0x180: {  	s24 =	sadd.s32 $0x0, s13;
	s23 =	simm.s32 $0xCC88;
	s19 =	simm.s32 $0x10;
	[tilespmem:v63+s0+$0x0] =	vst.idx.msk $0xffff, v2  }
.LBB2_31:
0x181: {  	[hbm4b:s24+s2] =	stream.linear.scatter [tilespmem:s17], [sflag:$0x6], $0x80, $0x38;
	[tilespmem:$0x11000] =	vst v63  }
0x182: {  	s1 =	smov.u32 s19;
	s17 =	smov.u32 s23;
	p0 =	sne.s32 s19, $0x1F0  }
.Ltmp17:
0x183: {  	s19 =	sadd.s32 $0x10, s19;
	(pc) =	sbr.rel @p0 .LBB2_31-.Ltmp17, $2  }
0x184: {  	_ =	sdelay $0x2  }
0x185: {  	s23 =	sadd.s32 $0x88, s23;
	s24 =	sadd.s32 s1, s13  }
0x186: {  	[hbm4b:s24+s2] =	stream.linear.scatter [tilespmem:s17], [sflag:$0x6], $0x80, $0x38;
	[tilespmem:$0x11000] =	vst v63  }
0x187: {  	s17 =	simm.s32 $0xDD00  }
0x188: {  	s19 =	simm.s32 $0x10;
	s24 =	sadd.s32 $0x0, s14;
	s23 =	simm.s32 $0xDD88  }
.LBB2_33:
0x189: {  	[hbm4b:s24+s2] =	stream.linear.scatter [tilespmem:s17], [sflag:$0x6], $0x80, $0x38;
	[tilespmem:$0x11000] =	vst v63  }
0x18a: {  	s1 =	smov.u32 s19;
	s17 =	smov.u32 s23;
	p0 =	sne.s32 s19, $0x1F0  }
.Ltmp18:
0x18b: {  	s19 =	sadd.s32 $0x10, s19;
	(pc) =	sbr.rel @p0 .LBB2_33-.Ltmp18, $2  }
0x18c: {  	_ =	sdelay $0x2  }
0x18d: {  	s23 =	sadd.s32 $0x88, s23;
	s24 =	sadd.s32 s1, s14  }
0x18e: {  	[hbm4b:s24+s2] =	stream.linear.scatter [tilespmem:s17], [sflag:$0x6], $0x80, $0x38;
	[tilespmem:$0x11000] =	vst v63  }
0x18f: {  	s17 =	simm.s32 $0xEE00  }
0x190: {  	s19 =	simm.s32 $0x10;
	s24 =	sadd.s32 $0x0, s15;
	s23 =	simm.s32 $0xEE88  }
.LBB2_35:
0x191: {  	[hbm4b:s24+s2] =	stream.linear.scatter [tilespmem:s17], [sflag:$0x6], $0x80, $0x38;
	[tilespmem:$0x11000] =	vst v63  }
0x192: {  	s1 =	smov.u32 s19;
	s17 =	smov.u32 s23;
	p0 =	sne.s32 s19, $0x1F0  }
.Ltmp19:
0x193: {  	s19 =	sadd.s32 $0x10, s19;
	(pc) =	sbr.rel @p0 .LBB2_35-.Ltmp19, $2  }
0x194: {  	_ =	sdelay $0x2  }
0x195: {  	s23 =	sadd.s32 $0x88, s23;
	s24 =	sadd.s32 s1, s15  }
0x196: {  	[hbm4b:s24+s2] =	stream.linear.scatter [tilespmem:s17], [sflag:$0x6], $0x80, $0x38;
	[tilespmem:$0x11000] =	vst v63  }
0x197: {  	s17 =	simm.s32 $0xFF00  }
0x198: {  	s19 =	simm.s32 $0x10;
	s24 =	sadd.s32 $0x0, s16;
	s23 =	simm.s32 $0xFF88  }
.LBB2_37:
0x199: {  	[hbm4b:s24+s2] =	stream.linear.scatter [tilespmem:s17], [sflag:$0x6], $0x80, $0x38;
	[tilespmem:$0x11000] =	vst v63  }
0x19a: {  	s1 =	smov.u32 s19;
	s17 =	smov.u32 s23;
	p0 =	sne.s32 s19, $0x1F0  }
.Ltmp20:
0x19b: {  	s19 =	sadd.s32 $0x10, s19;
	(pc) =	sbr.rel @p0 .LBB2_37-.Ltmp20, $2  }
0x19c: {  	_ =	sdelay $0x2  }
0x19d: {  	s23 =	sadd.s32 $0x88, s23;
	s24 =	sadd.s32 s1, s16  }
0x19e: {  	[hbm4b:s24+s2] =	stream.linear.scatter [tilespmem:s17], [sflag:$0x6], $0x80, $0x38;
	[tilespmem:$0x11000] =	vst v63  }
0x19f: {  	s1 =	simm.s32 $0x5  }
0x1a0: {  	_ =	swait.ge [sflag:s1], $0x1000  }
0x1a1: {  	[sflag:s1] =	ssyncset.done $0x0  }
0x1a2: {  	[sflag:s1] =	ssyncadd.s32 $0xFFFFF000  }
0x1a3: {  	_ =	swait.ge [sflag:s1], $0x1000  }
0x1a4: {  	[sflag:s1] =	ssyncset.done $0x0  }
0x1a5: {  	[sflag:s1] =	ssyncadd.s32 $0xFFFFF000  }
0x1a6: {  	_ =	swait.ge [sflag:s1], $0x1000  }
0x1a7: {  	[sflag:s1] =	ssyncset.done $0x0  }
0x1a8: {  	[sflag:s1] =	ssyncadd.s32 $0xFFFFF000  }
0x1a9: {  	_ =	swait.ge [sflag:s1], $0x1000  }
0x1aa: {  	[sflag:s1] =	ssyncset.done $0x0  }
0x1ab: {  	[sflag:s1] =	ssyncadd.s32 $0xFFFFF000  }
0x1ac: {  	_ =	swait.ge [sflag:s20], $0x1000  }
0x1ad: {  	[sflag:s20] =	ssyncset.done $0x0  }
0x1ae: {  	[sflag:s20] =	ssyncadd.s32 $0xFFFFF000  }
0x1af: {  	_ =	swait.ge [sflag:s20], $0x1000  }
0x1b0: {  	[sflag:s20] =	ssyncset.done $0x0  }
0x1b1: {  	[sflag:s20] =	ssyncadd.s32 $0xFFFFF000  }
0x1b2: {  	_ =	swait.ge [sflag:s20], $0x1000  }
0x1b3: {  	[sflag:s20] =	ssyncset.done $0x0  }
0x1b4: {  	[sflag:s20] =	ssyncadd.s32 $0xFFFFF000  }
0x1b5: {  	_ =	swait.ge [sflag:s20], $0x1000  }
0x1b6: {  	s8 =	rddreg [dreg:$0x7]  }
0x1b7: {  	s31 =	rddreg [dreg:$0x6];
	s8 =	sadd.s32 $0x1, s8  }
0x1b8: {  	p0 =	sne.s32 s8, s31  }
.Ltmp21:
0x1b9: {  	_ = 	snop;
	(pc) =	sbr.rel @p0 .LBB2_1-.Ltmp21, $3  }
0x1ba: {  	_ =	sdelay $0x1  }
0x1bb: {  	[sflag:s20] =	ssyncset.done $0x0  }
0x1bc: {  	[sflag:s20] =	ssyncadd.s32 $0xFFFFF000  }
0x1bd: {  	_ =	sfence.sel $0x180000  }
0x1be: {  	[bflag:$0x0] =	sbarrier.arrive $0xFFFF  }
0x1bf: {  	_ =	strace $0x90000047  }
0x1c0: {  	s0 =	stileid.u32;
	[bflag:$0x2] =	sbarrier.arrive $0xFFFF  }
0x1c1: {  	p0 =	sne.s32 s0, $0x0;
	s0 =	rddreg [dreg:$0x2]  }
0x1c2: {  	s0 =	sadd.s32 @!p0 $0x100000, s0  }
0x1c3: {  	[sflag:s0] =	ssyncadd.tile.s32 @!p0 $0x1;
	_ =	shalt  }
.Lfunc_end2:
_tile_overlayer_lowered:
.L_overlay_start_2:
0x1c4: {  	(tag) =	ssettag $0x2  }
0x1c5: {  	s0 =	rddreg [dreg:$0x0];
	s2 =	stileid.u32  }
0x1c6: {  	s1 =	rddreg [dreg:$0x1];
	p0 =	sne.s32 s2, $0x0  }
0x1c7: {  	s3 =	rddreg [dreg:$0x2];
	[bflag:$0x3] =	sbarrier.arrive $0xFFFF;
	s2 =	simm.s32 @!p0 $0x1C07  }
0x1c8: {  	[timem:s3], [sflag:s2] =	dma.local @!p0 [hbm:s0], s1  }
0x1c9: {  	s0 =	simm.s32 @!p0 $0x7  }
0x1ca: {  	_ =	swait.ge @!p0 [sflag:s0], s1  }
0x1cb: {  	s1 =	ssub.s32 @!p0 $0x0, s1;
	[sflag:s0] =	ssyncset.done @!p0 $0x0  }
0x1cc: {  	[sflag:s0] =	ssyncadd.s32 @!p0 s1  }
0x1cd: {  	[bflag:$0x3] =	sbarrier.arrive $0xFFFF  }
0x1ce: {  	_ =	shalt  }

</sc_bundles>
